<compile_context>
chip_gen: v7x
topology: tpu7x:2x2x1
jax: 0.10.2.dev20260603
libtpu: 0.0.44.dev20260713+nightly
codegen_flags: <defaults>
</compile_context>

<pallas_src>
import functools

import jax
import jax.numpy as jnp
import numpy as np
from jax import lax
from jax.experimental import pallas as pl
from jax.experimental.pallas import tpu as pltpu
from jax.experimental.pallas import tpu_sc as plsc

N = 10000
E = 160000
D = 256
H = 8
DH = 32
CLAMP = 5.0
BN_EPS = 1e-5

BN_NODE = 1000
BE = 2000

NPAD = 10240
STRIPE = 640
NW = 32
CHUNK = 128
NCH = 40
EPW = CHUNK * NCH
EP = NW * EPW
SINK = 10200



def _rne_bf16_bits(f):
    u = jax.lax.bitcast_convert_type(f, jnp.uint32)
    return (u + 0x7FFF + ((u >> 16) & 1)) >> 16


def _proj_body(x_ref, wq_ref, bq_ref, wk_ref, wv_ref, q_ref, kv_ref):
    x = x_ref[...]
    q_ref[...] = jnp.dot(x, wq_ref[...],
                         preferred_element_type=jnp.float32) + bq_ref[...]
    kb = _rne_bf16_bits(jnp.dot(x, wk_ref[...],
                                preferred_element_type=jnp.float32))
    vb = _rne_bf16_bits(jnp.dot(x, wv_ref[...],
                                preferred_element_type=jnp.float32))
    kv_ref[...] = jax.lax.bitcast_convert_type(kb | (vb << 16), jnp.int32)


def _unpack_k(p_i32):
    u = jax.lax.bitcast_convert_type(p_i32, jnp.uint32)
    return jax.lax.bitcast_convert_type(u << 16, jnp.float32)


def _unpack_v(p_i32):
    u = jax.lax.bitcast_convert_type(p_i32, jnp.uint32)
    return jax.lax.bitcast_convert_type(u & jnp.uint32(0xFFFF0000),
                                        jnp.float32)


def _edge_body(ea_ref, kvg_ref, qg_ref, wep_ref, bep_ref, woe_ref, boe_ref,
               msum_ref, mexp_ref, epre_ref, ca_ref, cb_ref, cc_ref,
               stats_ref):
    i = pl.program_id(0)
    ea = ea_ref[...]
    kvg = kvg_ref[...]
    eh = jnp.dot(ea, wep_ref[...], preferred_element_type=jnp.float32) \
        + bep_ref[...]
    score = _unpack_k(kvg) * qg_ref[...] * eh[:, :D] + eh[:, D:]
    s8 = jnp.dot(score, msum_ref[...], preferred_element_type=jnp.float32)
    p = jnp.exp(jnp.clip(s8, -CLAMP, CLAMP))
    p_x = jnp.dot(p, mexp_ref[...], preferred_element_type=jnp.float32)
    contrib = (_unpack_v(kvg) + score) * p_x
    ca_ref[...] = contrib[:, :128]
    cb_ref[...] = contrib[:, 128:]
    cc_ref[...] = jnp.pad(p, ((0, 0), (0, 120)))
    epre = ea + jnp.dot(score, woe_ref[...],
                        preferred_element_type=jnp.float32) + boe_ref[...]
    epre_ref[...] = epre.astype(jnp.bfloat16)

    @pl.when(i == 0)
    def _():
        stats_ref[...] = jnp.zeros_like(stats_ref)

    stats_ref[...] += jnp.stack([epre.sum(axis=0), (epre * epre).sum(axis=0)])


def _hpre_body(x_ref, acca_ref, accb_ref, sp_ref, mexp_ref, woh_ref, boh_ref,
               hpre_ref, stats_ref):
    i = pl.program_id(0)
    ssum8 = (sp_ref[0] + sp_ref[1])[:, :H]
    dexp = jnp.dot(1.0 / (ssum8 + 1e-16), mexp_ref[...],
                   preferred_element_type=jnp.float32)
    aa = (acca_ref[0] + acca_ref[1]) * dexp[:, :128]
    ab = (accb_ref[0] + accb_ref[1]) * dexp[:, 128:]
    w = woh_ref[...]
    hpre = x_ref[...] \
        + jnp.dot(aa, w[:128, :], preferred_element_type=jnp.float32) \
        + jnp.dot(ab, w[128:, :], preferred_element_type=jnp.float32) \
        + boh_ref[...]
    hpre_ref[...] = hpre

    @pl.when(i == 0)
    def _():
        stats_ref[...] = jnp.zeros_like(stats_ref)

    stats_ref[...] += jnp.stack([hpre.sum(axis=0), (hpre * hpre).sum(axis=0)])


def _bn(v, stats, g, b, cnt):
    mu = stats[0:1, :] / cnt
    var = stats[1:2, :] / cnt - mu * mu
    return g * (v - mu) * jax.lax.rsqrt(var + BN_EPS) + b


def _ffn_body(hpre_ref, st1_ref, g1_ref, b1_ref, w1_ref, bf1_ref, w2_ref,
              bf2_ref, h2pre_ref, stats_ref):
    i = pl.program_id(0)
    h1 = _bn(hpre_ref[...], st1_ref[...], g1_ref[...], b1_ref[...], float(N))
    hf = jnp.maximum(
        jnp.dot(h1, w1_ref[...], preferred_element_type=jnp.float32)
        + bf1_ref[...], 0.0)
    h2pre = h1 + jnp.dot(hf, w2_ref[...],
                         preferred_element_type=jnp.float32) + bf2_ref[...]
    h2pre_ref[...] = h2pre

    @pl.when(i == 0)
    def _():
        stats_ref[...] = jnp.zeros_like(stats_ref)

    stats_ref[...] += jnp.stack([h2pre.sum(axis=0),
                                 (h2pre * h2pre).sum(axis=0)])


def _bn_body_n(v_ref, st_ref, g_ref, b_ref, out_ref):
    out_ref[...] = _bn(v_ref[...], st_ref[...], g_ref[...], b_ref[...],
                       float(N))


def _bn_body_e(v_ref, st_ref, g_ref, b_ref, out_ref):
    out_ref[...] = _bn(v_ref[...].astype(jnp.float32), st_ref[...],
                       g_ref[...], b_ref[...], float(E))


def _row_spec(bn, cols):
    return pl.BlockSpec((bn, cols), lambda i: (i, 0))


def _rep_spec(shape):
    return pl.BlockSpec(shape, lambda i: tuple(0 for _ in shape))


_f32 = jnp.float32
_MESH = plsc.VectorSubcoreMesh(core_axis_name="c", subcore_axis_name="s")



CHG = 64
NCHG = EPW // CHG


def _sc_gather_kvq(kv, q, src3, dst3):

    @functools.partial(
        pl.kernel, mesh=_MESH,
        out_type=[jax.ShapeDtypeStruct((EP, D), jnp.int32),
                  jax.ShapeDtypeStruct((EP, D), _f32)],
        scratch_types=[pltpu.VMEM((NCHG, CHG), jnp.int32),
                       pltpu.VMEM((NCHG, CHG), jnp.int32),
                       pltpu.VMEM((CHG, D), jnp.int32),
                       pltpu.VMEM((CHG, D), jnp.int32),
                       pltpu.VMEM((CHG, D), _f32),
                       pltpu.VMEM((CHG, D), _f32),
                       pltpu.SemaphoreType.DMA,
                       pltpu.SemaphoreType.DMA,
                       pltpu.SemaphoreType.DMA,
                       pltpu.SemaphoreType.DMA],
    )
    def k(kv_hbm, q_hbm, src_hbm, dst_hbm, kvg_hbm, qg_hbm,
          idxs_v, idxd_v, kvb0, kvb1, qb0, qb1, gk0, gk1, gq0, gq1):
        wid = lax.axis_index("s") * 2 + lax.axis_index("c")
        pltpu.sync_copy(src_hbm.at[wid], idxs_v)
        pltpu.sync_copy(dst_hbm.at[wid], idxd_v)
        kvb = (kvb0, kvb1)
        qb = (qb0, qb1)
        gk = (gk0, gk1)
        gq = (gq0, gq1)
        pltpu.async_copy(kv_hbm.at[idxs_v.at[0]], kvb0, gk0)
        pltpu.async_copy(q_hbm.at[idxd_v.at[0]], qb0, gq0)

        def body(it2, carry):
            for b in (0, 1):
                j = it2 * 2 + b
                nb = 1 - b

                @pl.when(j + 1 < NCHG)
                def _():
                    pltpu.async_copy(kv_hbm.at[idxs_v.at[j + 1]],
                                     kvb[nb], gk[nb])
                    pltpu.async_copy(q_hbm.at[idxd_v.at[j + 1]],
                                     qb[nb], gq[nb])

                base = wid * EPW + j * CHG
                pltpu.make_async_copy(kv_hbm.at[idxs_v.at[j]], kvb[b],
                                      gk[b]).wait()
                pltpu.sync_copy(kvb[b], kvg_hbm.at[pl.ds(base, CHG)])
                pltpu.make_async_copy(q_hbm.at[idxd_v.at[j]], qb[b],
                                      gq[b]).wait()
                pltpu.sync_copy(qb[b], qg_hbm.at[pl.ds(base, CHG)])
            return carry

        lax.fori_loop(0, NCHG // 2, body, 0)

    return k(kv, q, src3, dst3)


def _sc_scatter_all(ca, cb, cc, dst3, z128):

    @functools.partial(
        pl.kernel, mesh=_MESH,
        out_type=[jax.ShapeDtypeStruct((2, N, 128), _f32),
                  jax.ShapeDtypeStruct((2, N, 128), _f32),
                  jax.ShapeDtypeStruct((2, N, 128), _f32)],
        scratch_types=[pltpu.VMEM((NCH, CHUNK), jnp.int32),
                       pltpu.VMEM((CHUNK, 128), _f32),
                       pltpu.VMEM((CHUNK, 128), _f32),
                       pltpu.VMEM_SHARED((NPAD, 128), _f32),
                       pltpu.SemaphoreType.DMA,
                       pltpu.SemaphoreType.DMA],
    )
    def k(ca_hbm, cb_hbm, cc_hbm, idx_hbm, z128_hbm,
          outa_hbm, outb_hbm, outc_hbm, idx_v, vb0, vb1, table, ls0, ls1):
        cid = lax.axis_index("c")
        sid = lax.axis_index("s")
        wid = sid * 2 + cid
        vb = (vb0, vb1)
        ls = (ls0, ls1)
        pltpu.sync_copy(idx_hbm.at[wid], idx_v)
        for src_hbm, out_hbm in ((ca_hbm, outa_hbm), (cb_hbm, outb_hbm),
                                 (cc_hbm, outc_hbm)):
            pltpu.sync_copy(z128_hbm, table.at[pl.ds(sid * STRIPE, STRIPE)])
            plsc.subcore_barrier()
            pltpu.async_copy(src_hbm.at[pl.ds(wid * EPW, CHUNK)], vb0, ls0)

            def body(it2, carry, src_hbm=src_hbm):
                for b in (0, 1):
                    j = it2 * 2 + b
                    nb = 1 - b

                    @pl.when(j + 1 < NCH)
                    def _():
                        base2 = wid * EPW + (j + 1) * CHUNK
                        pltpu.async_copy(src_hbm.at[pl.ds(base2, CHUNK)],
                                         vb[nb], ls[nb])

                    base = wid * EPW + j * CHUNK
                    pltpu.make_async_copy(src_hbm.at[pl.ds(base, CHUNK)],
                                          vb[b], ls[b]).wait()
                    pltpu.sync_copy(vb[b], table.at[idx_v.at[j]], add=True)
                return carry

            lax.fori_loop(0, NCH // 2, body, 0)
            plsc.subcore_barrier()

            @pl.when(sid < 15)
            def _():
                pltpu.sync_copy(table.at[pl.ds(sid * STRIPE, STRIPE)],
                                out_hbm.at[cid, pl.ds(sid * STRIPE, STRIPE)])

            @pl.when(sid == 15)
            def _():
                pltpu.sync_copy(table.at[pl.ds(15 * STRIPE, N - 15 * STRIPE)],
                                out_hbm.at[cid, pl.ds(15 * STRIPE,
                                                      N - 15 * STRIPE)])

            plsc.subcore_barrier()

    return k(ca, cb, cc, dst3, z128)



def kernel(x, edge_index, edge_attr, Wq, bq, Wk, Wv, We, be, WOh, bOh, WOe,
           bOe, g1h, b1h, g1e, b1e, Wff1, bff1, Wff2, bff2, g2h, b2h):
    src = edge_index[0]
    dst = edge_index[1]
    src3 = jnp.pad(src, (0, EP - E)).reshape(NW, NCHG, CHG)
    dst3 = jnp.pad(dst, (0, EP - E)).reshape(NW, NCHG, CHG)
    dst3s = jnp.pad(dst, (0, EP - E),
                    constant_values=SINK).reshape(NW, NCH, CHUNK)
    z128 = jnp.zeros((STRIPE, 128), _f32)

    perm = np.concatenate([
        (np.arange(H)[:, None] * (2 * DH) + np.arange(DH)[None, :]).ravel(),
        (np.arange(H)[:, None] * (2 * DH) + DH
         + np.arange(DH)[None, :]).ravel(),
    ])
    Wep = We[:, perm]
    bep = be[perm][None, :]
    bq2 = bq[None, :]
    boe = bOe[None, :]
    boh = bOh[None, :]
    msum = jnp.asarray(
        np.repeat(np.eye(H, dtype=np.float32), DH, axis=0) / np.sqrt(DH))
    mexp = jnp.asarray(np.repeat(np.eye(H, dtype=np.float32), DH, axis=1))

    q_n, kv_n = pl.pallas_call(
        _proj_body,
        grid=(N // BN_NODE,),
        in_specs=[_row_spec(BN_NODE, D), _rep_spec((D, D)),
                  _rep_spec((1, D)), _rep_spec((D, D)), _rep_spec((D, D))],
        out_specs=[_row_spec(BN_NODE, D), _row_spec(BN_NODE, D)],
        out_shape=[jax.ShapeDtypeStruct((N, D), _f32),
                   jax.ShapeDtypeStruct((N, D), jnp.int32)],
    )(x, Wq, bq2, Wk, Wv)

    kvg, qg = _sc_gather_kvq(kv_n, q_n, src3, dst3)

    epre, ca, cb, cc, est = pl.pallas_call(
        _edge_body,
        grid=(E // BE,),
        in_specs=[_row_spec(BE, D), _row_spec(BE, D), _row_spec(BE, D),
                  _rep_spec((D, 2 * D)), _rep_spec((1, 2 * D)),
                  _rep_spec((D, D)), _rep_spec((1, D)), _rep_spec((D, H)),
                  _rep_spec((H, D))],
        out_specs=[_row_spec(BE, D), _row_spec(BE, 128), _row_spec(BE, 128),
                   _row_spec(BE, 128), _rep_spec((2, D))],
        out_shape=[jax.ShapeDtypeStruct((E, D), jnp.bfloat16),
                   jax.ShapeDtypeStruct((EP, 128), _f32),
                   jax.ShapeDtypeStruct((EP, 128), _f32),
                   jax.ShapeDtypeStruct((EP, 128), _f32),
                   jax.ShapeDtypeStruct((2, D), _f32)],
    )(edge_attr, kvg, qg, Wep, bep, WOe, boe, msum, mexp)

    acca, accb, sp = _sc_scatter_all(ca, cb, cc, dst3s, z128)

    hpre, st1 = pl.pallas_call(
        _hpre_body,
        grid=(N // BN_NODE,),
        in_specs=[_row_spec(BN_NODE, D),
                  pl.BlockSpec((2, BN_NODE, 128), lambda i: (0, i, 0)),
                  pl.BlockSpec((2, BN_NODE, 128), lambda i: (0, i, 0)),
                  pl.BlockSpec((2, BN_NODE, 128), lambda i: (0, i, 0)),
                  _rep_spec((H, D)), _rep_spec((D, D)), _rep_spec((1, D))],
        out_specs=[_row_spec(BN_NODE, D), _rep_spec((2, D))],
        out_shape=[jax.ShapeDtypeStruct((N, D), _f32),
                   jax.ShapeDtypeStruct((2, D), _f32)],
    )(x, acca, accb, sp, mexp, WOh, boh)

    h2pre, st2 = pl.pallas_call(
        _ffn_body,
        grid=(N // BN_NODE,),
        in_specs=[_row_spec(BN_NODE, D), _rep_spec((2, D)),
                  _rep_spec((1, D)), _rep_spec((1, D)),
                  _rep_spec((D, 2 * D)), _rep_spec((1, 2 * D)),
                  _rep_spec((2 * D, D)), _rep_spec((1, D))],
        out_specs=[_row_spec(BN_NODE, D), _rep_spec((2, D))],
        out_shape=[jax.ShapeDtypeStruct((N, D), _f32),
                   jax.ShapeDtypeStruct((2, D), _f32)],
    )(hpre, st1, g1h[None, :], b1h[None, :], Wff1, bff1[None, :], Wff2,
      bff2[None, :])

    h = pl.pallas_call(
        _bn_body_n,
        grid=(N // BN_NODE,),
        in_specs=[_row_spec(BN_NODE, D), _rep_spec((2, D)),
                  _rep_spec((1, D)), _rep_spec((1, D))],
        out_specs=_row_spec(BN_NODE, D),
        out_shape=jax.ShapeDtypeStruct((N, D), _f32),
    )(h2pre, st2, g2h[None, :], b2h[None, :])

    e = pl.pallas_call(
        _bn_body_e,
        grid=(E // BE,),
        in_specs=[_row_spec(BE, D), _rep_spec((2, D)),
                  _rep_spec((1, D)), _rep_spec((1, D))],
        out_specs=_row_spec(BE, D),
        out_shape=jax.ShapeDtypeStruct((E, D), _f32),
    )(epre, est, g1e[None, :], b1e[None, :])

    return (h, e)

# --- scband reference (transcript-rebuilt; emitter-appended) ---
"""Pipeline reference for scband-graph-transformer-encoder-layer-65687229825300 (READ-ONLY COPY).

The authoritative reference and input builder live on the scoring server;
editing this copy changes nothing except your own understanding.
"""

import jax, jax.numpy as jnp
import numpy as np

N = 10000
E = 160000
D = 256
H = 8
DH = 32
CLAMP = 5.0

def pyg_softmax(src, index, num_nodes):
    smax = jax.ops.segment_max(src, index, num_segments=num_nodes)
    smax = jnp.where(jnp.isfinite(smax), smax, 0.0)
    out = jnp.exp(src - smax[index])
    ssum = jax.ops.segment_sum(out, index, num_segments=num_nodes)
    return out / (ssum[index] + 1e-16)

def batch_norm(v, gamma, beta, eps=1e-5):
    mu = v.mean(axis=0)
    var = v.var(axis=0)
    return gamma * (v - mu) / jnp.sqrt(var + eps) + beta

def setup_inputs(seed: int = 0):
    key = jax.random.key(seed)
    ks = jax.random.split(key, 24)
    s = 0.05
    inp = {}
    inp['x'] = jax.random.normal(ks[0], (N, D), dtype=jnp.float32)
    inp['edge_index'] = jax.random.randint(ks[1], (2, E), 0, N, dtype=jnp.int32)
    inp['edge_attr'] = jax.random.normal(ks[2], (E, D), dtype=jnp.float32)
    inp['Wq'] = jax.random.normal(ks[3], (D, H * DH), dtype=jnp.float32) * s
    inp['bq'] = jnp.zeros((H * DH,), dtype=jnp.float32)
    inp['Wk'] = jax.random.normal(ks[4], (D, H * DH), dtype=jnp.float32) * s
    inp['Wv'] = jax.random.normal(ks[5], (D, H * DH), dtype=jnp.float32) * s
    inp['We'] = jax.random.normal(ks[6], (D, 2 * H * DH), dtype=jnp.float32) * s
    inp['be'] = jnp.zeros((2 * H * DH,), dtype=jnp.float32)
    inp['WOh'] = jax.random.normal(ks[7], (H * DH, D), dtype=jnp.float32) * s
    inp['bOh'] = jnp.zeros((D,), dtype=jnp.float32)
    inp['WOe'] = jax.random.normal(ks[8], (H * DH, D), dtype=jnp.float32) * s
    inp['bOe'] = jnp.zeros((D,), dtype=jnp.float32)
    inp['g1h'] = jnp.ones((D,), dtype=jnp.float32)
    inp['b1h'] = jnp.zeros((D,), dtype=jnp.float32)
    inp['g1e'] = jnp.ones((D,), dtype=jnp.float32)
    inp['b1e'] = jnp.zeros((D,), dtype=jnp.float32)
    inp['Wff1'] = jax.random.normal(ks[9], (D, 2 * D), dtype=jnp.float32) * s
    inp['bff1'] = jnp.zeros((2 * D,), dtype=jnp.float32)
    inp['Wff2'] = jax.random.normal(ks[10], (2 * D, D), dtype=jnp.float32) * s
    inp['bff2'] = jnp.zeros((D,), dtype=jnp.float32)
    inp['g2h'] = jnp.ones((D,), dtype=jnp.float32)
    inp['b2h'] = jnp.zeros((D,), dtype=jnp.float32)
    return inp

def reference(x, edge_index, edge_attr, Wq, bq, Wk, Wv, We, be, WOh, bOh, WOe, bOe, g1h, b1h, g1e, b1e, Wff1, bff1, Wff2, bff2, g2h, b2h):
    n = x.shape[0]
    h_in1 = x
    e_in1 = edge_attr
    Qh = (x @ Wq + bq).reshape(n, H, DH)
    Kh = (x @ Wk).reshape(n, H, DH)
    Vh = (x @ Wv).reshape(n, H, DH)
    Eh = (edge_attr @ We + be).reshape(-1, H, 2 * DH)
    E_w = Eh[:, :, :DH]
    E_b = Eh[:, :, DH:]
    src = Kh[edge_index[0]]
    dst = Qh[edge_index[1]]
    score = src * dst
    score = score * E_w + E_b
    e_t = score
    wE = score.reshape(score.shape[0], -1)
    s_ = jnp.sum(score, axis=-1, keepdims=True) / jnp.sqrt(jnp.float32(DH))
    s_ = jnp.clip(s_, -CLAMP, CLAMP)
    attn = pyg_softmax(s_, edge_index[1], n)
    msg = Vh[edge_index[0]] * attn
    wV = jax.ops.segment_sum(msg, edge_index[1], num_segments=n)
    rowV = jax.ops.segment_sum(e_t * attn, edge_index[1], num_segments=n)
    wV = wV + rowV
    h = wV.reshape(n, -1)
    h = h @ WOh + bOh
    e = wE @ WOe + bOe
    h = h_in1 + h
    e = e_in1 + e
    h = batch_norm(h, g1h, b1h)
    e = batch_norm(e, g1e, b1e)
    h_in2 = h
    hf = jax.nn.relu(h @ Wff1 + bff1)
    hf = hf @ Wff2 + bff2
    h = h_in2 + hf
    h = batch_norm(h, g2h, b2h)
    return (h, e)

if __name__ == "__main__":
    import jax
    _d = setup_inputs()
    print(jax.jit(kernel)(*tuple(_d.values())))

</pallas_src>

<mosaic_0001>
#map = affine_map<(d0, d1) -> (0, 0)>
#map1 = affine_map<(d0, d1) -> (0, 0, 0)>
module attributes {stable_mosaic.version = 14 : i64} {
  func.func @k(%arg0: i32, %arg1: i32, %arg2: memref<10000x256xi32, #tpu.memory_space<hbm>>, %arg3: memref<10000x256xf32, #tpu.memory_space<hbm>>, %arg4: memref<32x80x64xi32, #tpu.memory_space<hbm>>, %arg5: memref<32x80x64xi32, #tpu.memory_space<hbm>>, %arg6: memref<163840x256xi32, #tpu.memory_space<hbm>>, %arg7: memref<163840x256xf32, #tpu.memory_space<hbm>>, %arg8: memref<80x64xi32, #tpu.memory_space<vmem>>, %arg9: memref<80x64xi32, #tpu.memory_space<vmem>>, %arg10: memref<64x256xi32, #tpu.memory_space<vmem>>, %arg11: memref<64x256xi32, #tpu.memory_space<vmem>>, %arg12: memref<64x256xf32, #tpu.memory_space<vmem>>, %arg13: memref<64x256xf32, #tpu.memory_space<vmem>>, %arg14: memref<!tpu.dma_semaphore, #tpu.memory_space<semaphore_mem>>, %arg15: memref<!tpu.dma_semaphore, #tpu.memory_space<semaphore_mem>>, %arg16: memref<!tpu.dma_semaphore, #tpu.memory_space<semaphore_mem>>, %arg17: memref<!tpu.dma_semaphore, #tpu.memory_space<semaphore_mem>>) attributes {dimension_semantics = [#tpu.dimension_semantics<core_parallel>, #tpu.dimension_semantics<subcore_parallel>], iteration_bounds = array<i64: 2, 16>, scalar_prefetch = 0 : i64, scratch_operands = 10 : i64, tpu.core_type = #tpu.core_type<sc_vector_subcore>, window_params = [{transform_indices = #map}, {transform_indices = #map}, {transform_indices = #map1}, {transform_indices = #map1}, {transform_indices = #map}, {transform_indices = #map}]} {
    %mul3A = arith.constant 2 : i32
    %mul3A_0 = arith.muli %arg1, %mul3A : i32
    %add3A = arith.addi %mul3A_0, %arg0 : i32
    "tpu.region"() ({
      %run_scoped3A = tpu.sem_alloc : memref<!tpu.dma_semaphore, #tpu.memory_space<semaphore_mem>>
      %dma_start3A_19 = arith.constant 0 : i32
      %dma_start3A_20 = arith.constant 0 : i32
      %dma_start3A_21 = tpu.memref_slice %arg4[%add3A, %dma_start3A_19, %dma_start3A_20] : memref<32x80x64xi32, #tpu.memory_space<hbm>> -> memref<1x80x64xi32, #tpu.memory_space<hbm>>
      %dma_start3A_22 = tpu.memref_squeeze %dma_start3A_21 : memref<1x80x64xi32, #tpu.memory_space<hbm>> -> memref<80x64xi32, #tpu.memory_space<hbm>>
      %dma_start3A_23 = arith.constant 0 : i32
      %dma_start3A_24 = arith.constant 0 : i32
      %dma_start3A_25 = tpu.memref_slice %arg4[%add3A, %dma_start3A_23, %dma_start3A_24] : memref<32x80x64xi32, #tpu.memory_space<hbm>> -> memref<1x80x64xi32, #tpu.memory_space<hbm>>
      %dma_start3A_26 = tpu.memref_squeeze %dma_start3A_25 : memref<1x80x64xi32, #tpu.memory_space<hbm>> -> memref<80x64xi32, #tpu.memory_space<hbm>>
      tpu.enqueue_dma source(%dma_start3A_26 : memref<80x64xi32, #tpu.memory_space<hbm>>) target(%arg8 : memref<80x64xi32, #tpu.memory_space<vmem>>) target_semaphore(%run_scoped3A : memref<!tpu.dma_semaphore, #tpu.memory_space<semaphore_mem>>)
      %dma_wait3A = arith.constant 0 : i32
      %dma_wait3A_27 = arith.constant 0 : i32
      %dma_wait3A_28 = tpu.memref_slice %arg4[%add3A, %dma_wait3A, %dma_wait3A_27] : memref<32x80x64xi32, #tpu.memory_space<hbm>> -> memref<1x80x64xi32, #tpu.memory_space<hbm>>
      %dma_wait3A_29 = tpu.memref_squeeze %dma_wait3A_28 : memref<1x80x64xi32, #tpu.memory_space<hbm>> -> memref<80x64xi32, #tpu.memory_space<hbm>>
      %dma_wait3A_30 = arith.constant 0 : i32
      %dma_wait3A_31 = arith.constant 0 : i32
      %dma_wait3A_32 = tpu.memref_slice %arg4[%add3A, %dma_wait3A_30, %dma_wait3A_31] : memref<32x80x64xi32, #tpu.memory_space<hbm>> -> memref<1x80x64xi32, #tpu.memory_space<hbm>>
      %dma_wait3A_33 = tpu.memref_squeeze %dma_wait3A_32 : memref<1x80x64xi32, #tpu.memory_space<hbm>> -> memref<80x64xi32, #tpu.memory_space<hbm>>
      tpu.wait_dma2 semaphore(%run_scoped3A : memref<!tpu.dma_semaphore, #tpu.memory_space<semaphore_mem>>) src(%dma_wait3A_33 : memref<80x64xi32, #tpu.memory_space<hbm>>) dst(%arg8 : memref<80x64xi32, #tpu.memory_space<vmem>>)
      tpu.yield
    }) : () -> ()
    "tpu.region"() ({
      %run_scoped3A = tpu.sem_alloc : memref<!tpu.dma_semaphore, #tpu.memory_space<semaphore_mem>>
      %dma_start3A_19 = arith.constant 0 : i32
      %dma_start3A_20 = arith.constant 0 : i32
      %dma_start3A_21 = tpu.memref_slice %arg5[%add3A, %dma_start3A_19, %dma_start3A_20] : memref<32x80x64xi32, #tpu.memory_space<hbm>> -> memref<1x80x64xi32, #tpu.memory_space<hbm>>
      %dma_start3A_22 = tpu.memref_squeeze %dma_start3A_21 : memref<1x80x64xi32, #tpu.memory_space<hbm>> -> memref<80x64xi32, #tpu.memory_space<hbm>>
      %dma_start3A_23 = arith.constant 0 : i32
      %dma_start3A_24 = arith.constant 0 : i32
      %dma_start3A_25 = tpu.memref_slice %arg5[%add3A, %dma_start3A_23, %dma_start3A_24] : memref<32x80x64xi32, #tpu.memory_space<hbm>> -> memref<1x80x64xi32, #tpu.memory_space<hbm>>
      %dma_start3A_26 = tpu.memref_squeeze %dma_start3A_25 : memref<1x80x64xi32, #tpu.memory_space<hbm>> -> memref<80x64xi32, #tpu.memory_space<hbm>>
      tpu.enqueue_dma source(%dma_start3A_26 : memref<80x64xi32, #tpu.memory_space<hbm>>) target(%arg9 : memref<80x64xi32, #tpu.memory_space<vmem>>) target_semaphore(%run_scoped3A : memref<!tpu.dma_semaphore, #tpu.memory_space<semaphore_mem>>)
      %dma_wait3A = arith.constant 0 : i32
      %dma_wait3A_27 = arith.constant 0 : i32
      %dma_wait3A_28 = tpu.memref_slice %arg5[%add3A, %dma_wait3A, %dma_wait3A_27] : memref<32x80x64xi32, #tpu.memory_space<hbm>> -> memref<1x80x64xi32, #tpu.memory_space<hbm>>
      %dma_wait3A_29 = tpu.memref_squeeze %dma_wait3A_28 : memref<1x80x64xi32, #tpu.memory_space<hbm>> -> memref<80x64xi32, #tpu.memory_space<hbm>>
      %dma_wait3A_30 = arith.constant 0 : i32
      %dma_wait3A_31 = arith.constant 0 : i32
      %dma_wait3A_32 = tpu.memref_slice %arg5[%add3A, %dma_wait3A_30, %dma_wait3A_31] : memref<32x80x64xi32, #tpu.memory_space<hbm>> -> memref<1x80x64xi32, #tpu.memory_space<hbm>>
      %dma_wait3A_33 = tpu.memref_squeeze %dma_wait3A_32 : memref<1x80x64xi32, #tpu.memory_space<hbm>> -> memref<80x64xi32, #tpu.memory_space<hbm>>
      tpu.wait_dma2 semaphore(%run_scoped3A : memref<!tpu.dma_semaphore, #tpu.memory_space<semaphore_mem>>) src(%dma_wait3A_33 : memref<80x64xi32, #tpu.memory_space<hbm>>) dst(%arg9 : memref<80x64xi32, #tpu.memory_space<vmem>>)
      tpu.yield
    }) : () -> ()
    %dma_start3A = arith.constant 0 : i32
    %dma_start3A_1 = arith.constant 0 : i32
    %dma_start3A_2 = tpu.memref_slice %arg8[%dma_start3A, %dma_start3A_1] : memref<80x64xi32, #tpu.memory_space<vmem>> -> memref<1x64xi32, #tpu.memory_space<vmem>>
    %dma_start3A_3 = tpu.memref_squeeze %dma_start3A_2 : memref<1x64xi32, #tpu.memory_space<vmem>> -> memref<64xi32, #tpu.memory_space<vmem>>
    %dma_start3A_4 = arith.constant 0 : i32
    %dma_start3A_5 = arith.constant 0 : i32
    %dma_start3A_6 = tpu.memref_slice %arg2[%dma_start3A_4, %dma_start3A_5] : memref<10000x256xi32, #tpu.memory_space<hbm>> -> memref<10000x256xi32, #tpu.memory_space<hbm>>
    tpu.enqueue_indirect_dma source(%dma_start3A_6 : memref<10000x256xi32, #tpu.memory_space<hbm>>) target(%arg10 : memref<64x256xi32, #tpu.memory_space<vmem>>) offsets(%dma_start3A_3 : memref<64xi32, #tpu.memory_space<vmem>>) semaphore(%arg14 : memref<!tpu.dma_semaphore, #tpu.memory_space<semaphore_mem>>)
    %dma_start3A_7 = arith.constant 0 : i32
    %dma_start3A_8 = arith.constant 0 : i32
    %dma_start3A_9 = tpu.memref_slice %arg9[%dma_start3A_7, %dma_start3A_8] : memref<80x64xi32, #tpu.memory_space<vmem>> -> memref<1x64xi32, #tpu.memory_space<vmem>>
    %dma_start3A_10 = tpu.memref_squeeze %dma_start3A_9 : memref<1x64xi32, #tpu.memory_space<vmem>> -> memref<64xi32, #tpu.memory_space<vmem>>
    %dma_start3A_11 = arith.constant 0 : i32
    %dma_start3A_12 = arith.constant 0 : i32
    %dma_start3A_13 = tpu.memref_slice %arg3[%dma_start3A_11, %dma_start3A_12] : memref<10000x256xf32, #tpu.memory_space<hbm>> -> memref<10000x256xf32, #tpu.memory_space<hbm>>
    tpu.enqueue_indirect_dma source(%dma_start3A_13 : memref<10000x256xf32, #tpu.memory_space<hbm>>) target(%arg12 : memref<64x256xf32, #tpu.memory_space<vmem>>) offsets(%dma_start3A_10 : memref<64xi32, #tpu.memory_space<vmem>>) semaphore(%arg16 : memref<!tpu.dma_semaphore, #tpu.memory_space<semaphore_mem>>)
    %scan3A = arith.constant 0 : i32
    %scan3A_14 = arith.constant 0 : i32
    %scan3A_15 = arith.constant 40 : i32
    %scan3A_16 = arith.addi %scan3A_14, %scan3A_15 : i32
    %scan3A_17 = arith.constant 1 : i32
    scf.for %scan3A_19 = %scan3A_14 to %scan3A_16 step %scan3A_17  : i32 {
      %mul3A_20 = arith.constant 2 : i32
      %mul3A_21 = arith.muli %scan3A_19, %mul3A_20 : i32
      %add3A_22 = arith.constant 0 : i32
      %add3A_23 = arith.addi %mul3A_21, %add3A_22 : i32
      %add3A_24 = arith.constant 1 : i32
      %add3A_25 = arith.addi %add3A_23, %add3A_24 : i32
      %lt3A = arith.constant 80 : i32
      %lt3A_26 = arith.cmpi slt, %add3A_25, %lt3A : i32
      %convert_element_type3A = arith.extui %lt3A_26 : i1 to i32
      %cond3A = arith.constant 0 : i32
      %cond3A_27 = arith.cmpi ne, %convert_element_type3A, %cond3A : i32
      scf.if %cond3A_27 {
        %add3A_72 = arith.constant 1 : i32
        %add3A_73 = arith.addi %add3A_23, %add3A_72 : i32
        %dma_start3A_74 = arith.constant 0 : i32
        %dma_start3A_75 = tpu.memref_slice %arg8[%add3A_73, %dma_start3A_74] : memref<80x64xi32, #tpu.memory_space<vmem>> -> memref<1x64xi32, #tpu.memory_space<vmem>>
        %dma_start3A_76 = tpu.memref_squeeze %dma_start3A_75 : memref<1x64xi32, #tpu.memory_space<vmem>> -> memref<64xi32, #tpu.memory_space<vmem>>
        %dma_start3A_77 = arith.constant 0 : i32
        %dma_start3A_78 = arith.constant 0 : i32
        %dma_start3A_79 = tpu.memref_slice %arg2[%dma_start3A_77, %dma_start3A_78] : memref<10000x256xi32, #tpu.memory_space<hbm>> -> memref<10000x256xi32, #tpu.memory_space<hbm>>
        tpu.enqueue_indirect_dma source(%dma_start3A_79 : memref<10000x256xi32, #tpu.memory_space<hbm>>) target(%arg11 : memref<64x256xi32, #tpu.memory_space<vmem>>) offsets(%dma_start3A_76 : memref<64xi32, #tpu.memory_space<vmem>>) semaphore(%arg15 : memref<!tpu.dma_semaphore, #tpu.memory_space<semaphore_mem>>)
        %add3A_80 = arith.constant 1 : i32
        %add3A_81 = arith.addi %add3A_23, %add3A_80 : i32
        %dma_start3A_82 = arith.constant 0 : i32
        %dma_start3A_83 = tpu.memref_slice %arg9[%add3A_81, %dma_start3A_82] : memref<80x64xi32, #tpu.memory_space<vmem>> -> memref<1x64xi32, #tpu.memory_space<vmem>>
        %dma_start3A_84 = tpu.memref_squeeze %dma_start3A_83 : memref<1x64xi32, #tpu.memory_space<vmem>> -> memref<64xi32, #tpu.memory_space<vmem>>
        %dma_start3A_85 = arith.constant 0 : i32
        %dma_start3A_86 = arith.constant 0 : i32
        %dma_start3A_87 = tpu.memref_slice %arg3[%dma_start3A_85, %dma_start3A_86] : memref<10000x256xf32, #tpu.memory_space<hbm>> -> memref<10000x256xf32, #tpu.memory_space<hbm>>
        tpu.enqueue_indirect_dma source(%dma_start3A_87 : memref<10000x256xf32, #tpu.memory_space<hbm>>) target(%arg13 : memref<64x256xf32, #tpu.memory_space<vmem>>) offsets(%dma_start3A_84 : memref<64xi32, #tpu.memory_space<vmem>>) semaphore(%arg17 : memref<!tpu.dma_semaphore, #tpu.memory_space<semaphore_mem>>)
      } else {
      }
      %mul3A_28 = arith.constant 5120 : i32
      %mul3A_29 = arith.muli %add3A, %mul3A_28 : i32
      %mul3A_30 = arith.constant 64 : i32
      %mul3A_31 = arith.muli %add3A_23, %mul3A_30 : i32
      %add3A_32 = arith.addi %mul3A_29, %mul3A_31 : i32
      %dma_wait3A = arith.constant 0 : i32
      %dma_wait3A_33 = tpu.memref_slice %arg8[%add3A_23, %dma_wait3A] : memref<80x64xi32, #tpu.memory_space<vmem>> -> memref<1x64xi32, #tpu.memory_space<vmem>>
      %dma_wait3A_34 = tpu.memref_squeeze %dma_wait3A_33 : memref<1x64xi32, #tpu.memory_space<vmem>> -> memref<64xi32, #tpu.memory_space<vmem>>
      %dma_wait3A_35 = arith.constant 0 : i32
      %dma_wait3A_36 = arith.constant 0 : i32
      %dma_wait3A_37 = tpu.memref_slice %arg2[%dma_wait3A_35, %dma_wait3A_36] : memref<10000x256xi32, #tpu.memory_space<hbm>> -> memref<10000x256xi32, #tpu.memory_space<hbm>>
      tpu.wait_indirect_dma semaphore(%arg14 : memref<!tpu.dma_semaphore, #tpu.memory_space<semaphore_mem>>) src(%dma_wait3A_37 : memref<10000x256xi32, #tpu.memory_space<hbm>>) dst(%arg10 : memref<64x256xi32, #tpu.memory_space<vmem>>)
      "tpu.region"() ({
        %run_scoped3A = tpu.sem_alloc : memref<!tpu.dma_semaphore, #tpu.memory_space<semaphore_mem>>
        %dma_start3A_72 = arith.constant 0 : i32
        %dma_start3A_73 = tpu.memref_slice %arg6[%add3A_32, %dma_start3A_72] : memref<163840x256xi32, #tpu.memory_space<hbm>> -> memref<64x256xi32, #tpu.memory_space<hbm>>
        %dma_start3A_74 = arith.constant 0 : i32
        %dma_start3A_75 = tpu.memref_slice %arg6[%add3A_32, %dma_start3A_74] : memref<163840x256xi32, #tpu.memory_space<hbm>> -> memref<64x256xi32, #tpu.memory_space<hbm>>
        tpu.enqueue_dma source(%arg10 : memref<64x256xi32, #tpu.memory_space<vmem>>) target(%dma_start3A_75 : memref<64x256xi32, #tpu.memory_space<hbm>>) target_semaphore(%run_scoped3A : memref<!tpu.dma_semaphore, #tpu.memory_space<semaphore_mem>>)
        %dma_wait3A_76 = arith.constant 0 : i32
        %dma_wait3A_77 = tpu.memref_slice %arg6[%add3A_32, %dma_wait3A_76] : memref<163840x256xi32, #tpu.memory_space<hbm>> -> memref<64x256xi32, #tpu.memory_space<hbm>>
        %dma_wait3A_78 = arith.constant 0 : i32
        %dma_wait3A_79 = tpu.memref_slice %arg6[%add3A_32, %dma_wait3A_78] : memref<163840x256xi32, #tpu.memory_space<hbm>> -> memref<64x256xi32, #tpu.memory_space<hbm>>
        tpu.wait_dma2 semaphore(%run_scoped3A : memref<!tpu.dma_semaphore, #tpu.memory_space<semaphore_mem>>) src(%arg10 : memref<64x256xi32, #tpu.memory_space<vmem>>) dst(%dma_wait3A_79 : memref<64x256xi32, #tpu.memory_space<hbm>>)
        tpu.yield
      }) : () -> ()
      %dma_wait3A_38 = arith.constant 0 : i32
      %dma_wait3A_39 = tpu.memref_slice %arg9[%add3A_23, %dma_wait3A_38] : memref<80x64xi32, #tpu.memory_space<vmem>> -> memref<1x64xi32, #tpu.memory_space<vmem>>
      %dma_wait3A_40 = tpu.memref_squeeze %dma_wait3A_39 : memref<1x64xi32, #tpu.memory_space<vmem>> -> memref<64xi32, #tpu.memory_space<vmem>>
      %dma_wait3A_41 = arith.constant 0 : i32
      %dma_wait3A_42 = arith.constant 0 : i32
      %dma_wait3A_43 = tpu.memref_slice %arg3[%dma_wait3A_41, %dma_wait3A_42] : memref<10000x256xf32, #tpu.memory_space<hbm>> -> memref<10000x256xf32, #tpu.memory_space<hbm>>
      tpu.wait_indirect_dma semaphore(%arg16 : memref<!tpu.dma_semaphore, #tpu.memory_space<semaphore_mem>>) src(%dma_wait3A_43 : memref<10000x256xf32, #tpu.memory_space<hbm>>) dst(%arg12 : memref<64x256xf32, #tpu.memory_space<vmem>>)
      "tpu.region"() ({
        %run_scoped3A = tpu.sem_alloc : memref<!tpu.dma_semaphore, #tpu.memory_space<semaphore_mem>>
        %dma_start3A_72 = arith.constant 0 : i32
        %dma_start3A_73 = tpu.memref_slice %arg7[%add3A_32, %dma_start3A_72] : memref<163840x256xf32, #tpu.memory_space<hbm>> -> memref<64x256xf32, #tpu.memory_space<hbm>>
        %dma_start3A_74 = arith.constant 0 : i32
        %dma_start3A_75 = tpu.memref_slice %arg7[%add3A_32, %dma_start3A_74] : memref<163840x256xf32, #tpu.memory_space<hbm>> -> memref<64x256xf32, #tpu.memory_space<hbm>>
        tpu.enqueue_dma source(%arg12 : memref<64x256xf32, #tpu.memory_space<vmem>>) target(%dma_start3A_75 : memref<64x256xf32, #tpu.memory_space<hbm>>) target_semaphore(%run_scoped3A : memref<!tpu.dma_semaphore, #tpu.memory_space<semaphore_mem>>)
        %dma_wait3A_76 = arith.constant 0 : i32
        %dma_wait3A_77 = tpu.memref_slice %arg7[%add3A_32, %dma_wait3A_76] : memref<163840x256xf32, #tpu.memory_space<hbm>> -> memref<64x256xf32, #tpu.memory_space<hbm>>
        %dma_wait3A_78 = arith.constant 0 : i32
        %dma_wait3A_79 = tpu.memref_slice %arg7[%add3A_32, %dma_wait3A_78] : memref<163840x256xf32, #tpu.memory_space<hbm>> -> memref<64x256xf32, #tpu.memory_space<hbm>>
        tpu.wait_dma2 semaphore(%run_scoped3A : memref<!tpu.dma_semaphore, #tpu.memory_space<semaphore_mem>>) src(%arg12 : memref<64x256xf32, #tpu.memory_space<vmem>>) dst(%dma_wait3A_79 : memref<64x256xf32, #tpu.memory_space<hbm>>)
        tpu.yield
      }) : () -> ()
      %mul3A_44 = arith.constant 2 : i32
      %mul3A_45 = arith.muli %scan3A_19, %mul3A_44 : i32
      %add3A_46 = arith.constant 1 : i32
      %add3A_47 = arith.addi %mul3A_45, %add3A_46 : i32
      %add3A_48 = arith.constant 1 : i32
      %add3A_49 = arith.addi %add3A_47, %add3A_48 : i32
      %lt3A_50 = arith.constant 80 : i32
      %lt3A_51 = arith.cmpi slt, %add3A_49, %lt3A_50 : i32
      %convert_element_type3A_52 = arith.extui %lt3A_51 : i1 to i32
      %cond3A_53 = arith.constant 0 : i32
      %cond3A_54 = arith.cmpi ne, %convert_element_type3A_52, %cond3A_53 : i32
      scf.if %cond3A_54 {
        %add3A_72 = arith.constant 1 : i32
        %add3A_73 = arith.addi %add3A_47, %add3A_72 : i32
        %dma_start3A_74 = arith.constant 0 : i32
        %dma_start3A_75 = tpu.memref_slice %arg8[%add3A_73, %dma_start3A_74] : memref<80x64xi32, #tpu.memory_space<vmem>> -> memref<1x64xi32, #tpu.memory_space<vmem>>
        %dma_start3A_76 = tpu.memref_squeeze %dma_start3A_75 : memref<1x64xi32, #tpu.memory_space<vmem>> -> memref<64xi32, #tpu.memory_space<vmem>>
        %dma_start3A_77 = arith.constant 0 : i32
        %dma_start3A_78 = arith.constant 0 : i32
        %dma_start3A_79 = tpu.memref_slice %arg2[%dma_start3A_77, %dma_start3A_78] : memref<10000x256xi32, #tpu.memory_space<hbm>> -> memref<10000x256xi32, #tpu.memory_space<hbm>>
        tpu.enqueue_indirect_dma source(%dma_start3A_79 : memref<10000x256xi32, #tpu.memory_space<hbm>>) target(%arg10 : memref<64x256xi32, #tpu.memory_space<vmem>>) offsets(%dma_start3A_76 : memref<64xi32, #tpu.memory_space<vmem>>) semaphore(%arg14 : memref<!tpu.dma_semaphore, #tpu.memory_space<semaphore_mem>>)
        %add3A_80 = arith.constant 1 : i32
        %add3A_81 = arith.addi %add3A_47, %add3A_80 : i32
        %dma_start3A_82 = arith.constant 0 : i32
        %dma_start3A_83 = tpu.memref_slice %arg9[%add3A_81, %dma_start3A_82] : memref<80x64xi32, #tpu.memory_space<vmem>> -> memref<1x64xi32, #tpu.memory_space<vmem>>
        %dma_start3A_84 = tpu.memref_squeeze %dma_start3A_83 : memref<1x64xi32, #tpu.memory_space<vmem>> -> memref<64xi32, #tpu.memory_space<vmem>>
        %dma_start3A_85 = arith.constant 0 : i32
        %dma_start3A_86 = arith.constant 0 : i32
        %dma_start3A_87 = tpu.memref_slice %arg3[%dma_start3A_85, %dma_start3A_86] : memref<10000x256xf32, #tpu.memory_space<hbm>> -> memref<10000x256xf32, #tpu.memory_space<hbm>>
        tpu.enqueue_indirect_dma source(%dma_start3A_87 : memref<10000x256xf32, #tpu.memory_space<hbm>>) target(%arg12 : memref<64x256xf32, #tpu.memory_space<vmem>>) offsets(%dma_start3A_84 : memref<64xi32, #tpu.memory_space<vmem>>) semaphore(%arg16 : memref<!tpu.dma_semaphore, #tpu.memory_space<semaphore_mem>>)
      } else {
      }
      %mul3A_55 = arith.constant 5120 : i32
      %mul3A_56 = arith.muli %add3A, %mul3A_55 : i32
      %mul3A_57 = arith.constant 64 : i32
      %mul3A_58 = arith.muli %add3A_47, %mul3A_57 : i32
      %add3A_59 = arith.addi %mul3A_56, %mul3A_58 : i32
      %dma_wait3A_60 = arith.constant 0 : i32
      %dma_wait3A_61 = tpu.memref_slice %arg8[%add3A_47, %dma_wait3A_60] : memref<80x64xi32, #tpu.memory_space<vmem>> -> memref<1x64xi32, #tpu.memory_space<vmem>>
      %dma_wait3A_62 = tpu.memref_squeeze %dma_wait3A_61 : memref<1x64xi32, #tpu.memory_space<vmem>> -> memref<64xi32, #tpu.memory_space<vmem>>
      %dma_wait3A_63 = arith.constant 0 : i32
      %dma_wait3A_64 = arith.constant 0 : i32
      %dma_wait3A_65 = tpu.memref_slice %arg2[%dma_wait3A_63, %dma_wait3A_64] : memref<10000x256xi32, #tpu.memory_space<hbm>> -> memref<10000x256xi32, #tpu.memory_space<hbm>>
      tpu.wait_indirect_dma semaphore(%arg15 : memref<!tpu.dma_semaphore, #tpu.memory_space<semaphore_mem>>) src(%dma_wait3A_65 : memref<10000x256xi32, #tpu.memory_space<hbm>>) dst(%arg11 : memref<64x256xi32, #tpu.memory_space<vmem>>)
      "tpu.region"() ({
        %run_scoped3A = tpu.sem_alloc : memref<!tpu.dma_semaphore, #tpu.memory_space<semaphore_mem>>
        %dma_start3A_72 = arith.constant 0 : i32
        %dma_start3A_73 = tpu.memref_slice %arg6[%add3A_59, %dma_start3A_72] : memref<163840x256xi32, #tpu.memory_space<hbm>> -> memref<64x256xi32, #tpu.memory_space<hbm>>
        %dma_start3A_74 = arith.constant 0 : i32
        %dma_start3A_75 = tpu.memref_slice %arg6[%add3A_59, %dma_start3A_74] : memref<163840x256xi32, #tpu.memory_space<hbm>> -> memref<64x256xi32, #tpu.memory_space<hbm>>
        tpu.enqueue_dma source(%arg11 : memref<64x256xi32, #tpu.memory_space<vmem>>) target(%dma_start3A_75 : memref<64x256xi32, #tpu.memory_space<hbm>>) target_semaphore(%run_scoped3A : memref<!tpu.dma_semaphore, #tpu.memory_space<semaphore_mem>>)
        %dma_wait3A_76 = arith.constant 0 : i32
        %dma_wait3A_77 = tpu.memref_slice %arg6[%add3A_59, %dma_wait3A_76] : memref<163840x256xi32, #tpu.memory_space<hbm>> -> memref<64x256xi32, #tpu.memory_space<hbm>>
        %dma_wait3A_78 = arith.constant 0 : i32
        %dma_wait3A_79 = tpu.memref_slice %arg6[%add3A_59, %dma_wait3A_78] : memref<163840x256xi32, #tpu.memory_space<hbm>> -> memref<64x256xi32, #tpu.memory_space<hbm>>
        tpu.wait_dma2 semaphore(%run_scoped3A : memref<!tpu.dma_semaphore, #tpu.memory_space<semaphore_mem>>) src(%arg11 : memref<64x256xi32, #tpu.memory_space<vmem>>) dst(%dma_wait3A_79 : memref<64x256xi32, #tpu.memory_space<hbm>>)
        tpu.yield
      }) : () -> ()
      %dma_wait3A_66 = arith.constant 0 : i32
      %dma_wait3A_67 = tpu.memref_slice %arg9[%add3A_47, %dma_wait3A_66] : memref<80x64xi32, #tpu.memory_space<vmem>> -> memref<1x64xi32, #tpu.memory_space<vmem>>
      %dma_wait3A_68 = tpu.memref_squeeze %dma_wait3A_67 : memref<1x64xi32, #tpu.memory_space<vmem>> -> memref<64xi32, #tpu.memory_space<vmem>>
      %dma_wait3A_69 = arith.constant 0 : i32
      %dma_wait3A_70 = arith.constant 0 : i32
      %dma_wait3A_71 = tpu.memref_slice %arg3[%dma_wait3A_69, %dma_wait3A_70] : memref<10000x256xf32, #tpu.memory_space<hbm>> -> memref<10000x256xf32, #tpu.memory_space<hbm>>
      tpu.wait_indirect_dma semaphore(%arg17 : memref<!tpu.dma_semaphore, #tpu.memory_space<semaphore_mem>>) src(%dma_wait3A_71 : memref<10000x256xf32, #tpu.memory_space<hbm>>) dst(%arg13 : memref<64x256xf32, #tpu.memory_space<vmem>>)
      "tpu.region"() ({
        %run_scoped3A = tpu.sem_alloc : memref<!tpu.dma_semaphore, #tpu.memory_space<semaphore_mem>>
        %dma_start3A_72 = arith.constant 0 : i32
        %dma_start3A_73 = tpu.memref_slice %arg7[%add3A_59, %dma_start3A_72] : memref<163840x256xf32, #tpu.memory_space<hbm>> -> memref<64x256xf32, #tpu.memory_space<hbm>>
        %dma_start3A_74 = arith.constant 0 : i32
        %dma_start3A_75 = tpu.memref_slice %arg7[%add3A_59, %dma_start3A_74] : memref<163840x256xf32, #tpu.memory_space<hbm>> -> memref<64x256xf32, #tpu.memory_space<hbm>>
        tpu.enqueue_dma source(%arg13 : memref<64x256xf32, #tpu.memory_space<vmem>>) target(%dma_start3A_75 : memref<64x256xf32, #tpu.memory_space<hbm>>) target_semaphore(%run_scoped3A : memref<!tpu.dma_semaphore, #tpu.memory_space<semaphore_mem>>)
        %dma_wait3A_76 = arith.constant 0 : i32
        %dma_wait3A_77 = tpu.memref_slice %arg7[%add3A_59, %dma_wait3A_76] : memref<163840x256xf32, #tpu.memory_space<hbm>> -> memref<64x256xf32, #tpu.memory_space<hbm>>
        %dma_wait3A_78 = arith.constant 0 : i32
        %dma_wait3A_79 = tpu.memref_slice %arg7[%add3A_59, %dma_wait3A_78] : memref<163840x256xf32, #tpu.memory_space<hbm>> -> memref<64x256xf32, #tpu.memory_space<hbm>>
        tpu.wait_dma2 semaphore(%run_scoped3A : memref<!tpu.dma_semaphore, #tpu.memory_space<semaphore_mem>>) src(%arg13 : memref<64x256xf32, #tpu.memory_space<vmem>>) dst(%dma_wait3A_79 : memref<64x256xf32, #tpu.memory_space<hbm>>)
        tpu.yield
      }) : () -> ()
    }
    %scan3A_18 = arith.constant 40 : i32
    return
  }
}

#map = affine_map<(d0, d1) -> (0, 0)>
#map1 = affine_map<(d0, d1) -> (0, 0, 0)>
module attributes {stable_mosaic.version = 14 : i64} {
  func.func @k(%arg0: i32, %arg1: i32, %arg2: memref<163840x128xf32, #tpu.memory_space<hbm>>, %arg3: memref<163840x128xf32, #tpu.memory_space<hbm>>, %arg4: memref<163840x128xf32, #tpu.memory_space<hbm>>, %arg5: memref<32x40x128xi32, #tpu.memory_space<hbm>>, %arg6: memref<640x128xf32, #tpu.memory_space<hbm>>, %arg7: memref<2x10000x128xf32, #tpu.memory_space<hbm>>, %arg8: memref<2x10000x128xf32, #tpu.memory_space<hbm>>, %arg9: memref<2x10000x128xf32, #tpu.memory_space<hbm>>, %arg10: memref<40x128xi32, #tpu.memory_space<vmem>>, %arg11: memref<128x128xf32, #tpu.memory_space<vmem>>, %arg12: memref<128x128xf32, #tpu.memory_space<vmem>>, %arg13: memref<10240x128xf32, #tpu.memory_space<vmem_shared>>, %arg14: memref<!tpu.dma_semaphore, #tpu.memory_space<semaphore_mem>>, %arg15: memref<!tpu.dma_semaphore, #tpu.memory_space<semaphore_mem>>) attributes {dimension_semantics = [#tpu.dimension_semantics<core_parallel>, #tpu.dimension_semantics<subcore_parallel>], iteration_bounds = array<i64: 2, 16>, scalar_prefetch = 0 : i64, scratch_operands = 6 : i64, tpu.core_type = #tpu.core_type<sc_vector_subcore>, window_params = [{transform_indices = #map}, {transform_indices = #map}, {transform_indices = #map}, {transform_indices = #map1}, {transform_indices = #map}, {transform_indices = #map1}, {transform_indices = #map1}, {transform_indices = #map1}]} {
    %mul3A = arith.constant 2 : i32
    %mul3A_0 = arith.muli %arg1, %mul3A : i32
    %add3A = arith.addi %mul3A_0, %arg0 : i32
    "tpu.region"() ({
      %run_scoped3A = tpu.sem_alloc : memref<!tpu.dma_semaphore, #tpu.memory_space<semaphore_mem>>
      %dma_start3A_75 = arith.constant 0 : i32
      %dma_start3A_76 = arith.constant 0 : i32
      %dma_start3A_77 = tpu.memref_slice %arg5[%add3A, %dma_start3A_75, %dma_start3A_76] : memref<32x40x128xi32, #tpu.memory_space<hbm>> -> memref<1x40x128xi32, #tpu.memory_space<hbm>>
      %dma_start3A_78 = tpu.memref_squeeze %dma_start3A_77 : memref<1x40x128xi32, #tpu.memory_space<hbm>> -> memref<40x128xi32, #tpu.memory_space<hbm>>
      %dma_start3A_79 = arith.constant 0 : i32
      %dma_start3A_80 = arith.constant 0 : i32
      %dma_start3A_81 = tpu.memref_slice %arg5[%add3A, %dma_start3A_79, %dma_start3A_80] : memref<32x40x128xi32, #tpu.memory_space<hbm>> -> memref<1x40x128xi32, #tpu.memory_space<hbm>>
      %dma_start3A_82 = tpu.memref_squeeze %dma_start3A_81 : memref<1x40x128xi32, #tpu.memory_space<hbm>> -> memref<40x128xi32, #tpu.memory_space<hbm>>
      tpu.enqueue_dma source(%dma_start3A_82 : memref<40x128xi32, #tpu.memory_space<hbm>>) target(%arg10 : memref<40x128xi32, #tpu.memory_space<vmem>>) target_semaphore(%run_scoped3A : memref<!tpu.dma_semaphore, #tpu.memory_space<semaphore_mem>>)
      %dma_wait3A = arith.constant 0 : i32
      %dma_wait3A_83 = arith.constant 0 : i32
      %dma_wait3A_84 = tpu.memref_slice %arg5[%add3A, %dma_wait3A, %dma_wait3A_83] : memref<32x40x128xi32, #tpu.memory_space<hbm>> -> memref<1x40x128xi32, #tpu.memory_space<hbm>>
      %dma_wait3A_85 = tpu.memref_squeeze %dma_wait3A_84 : memref<1x40x128xi32, #tpu.memory_space<hbm>> -> memref<40x128xi32, #tpu.memory_space<hbm>>
      %dma_wait3A_86 = arith.constant 0 : i32
      %dma_wait3A_87 = arith.constant 0 : i32
      %dma_wait3A_88 = tpu.memref_slice %arg5[%add3A, %dma_wait3A_86, %dma_wait3A_87] : memref<32x40x128xi32, #tpu.memory_space<hbm>> -> memref<1x40x128xi32, #tpu.memory_space<hbm>>
      %dma_wait3A_89 = tpu.memref_squeeze %dma_wait3A_88 : memref<1x40x128xi32, #tpu.memory_space<hbm>> -> memref<40x128xi32, #tpu.memory_space<hbm>>
      tpu.wait_dma2 semaphore(%run_scoped3A : memref<!tpu.dma_semaphore, #tpu.memory_space<semaphore_mem>>) src(%dma_wait3A_89 : memref<40x128xi32, #tpu.memory_space<hbm>>) dst(%arg10 : memref<40x128xi32, #tpu.memory_space<vmem>>)
      tpu.yield
    }) : () -> ()
    %mul3A_1 = arith.constant 640 : i32
    %mul3A_2 = arith.muli %arg1, %mul3A_1 : i32
    "tpu.region"() ({
      %run_scoped3A = tpu.sem_alloc : memref<!tpu.dma_semaphore, #tpu.memory_space<semaphore_mem>>
      %dma_start3A_75 = arith.constant 0 : i32
      %dma_start3A_76 = tpu.memref_slice %arg13[%mul3A_2, %dma_start3A_75] : memref<10240x128xf32, #tpu.memory_space<vmem_shared>> -> memref<640x128xf32, #tpu.memory_space<vmem_shared>>
      tpu.enqueue_dma source(%arg6 : memref<640x128xf32, #tpu.memory_space<hbm>>) target(%dma_start3A_76 : memref<640x128xf32, #tpu.memory_space<vmem_shared>>) target_semaphore(%run_scoped3A : memref<!tpu.dma_semaphore, #tpu.memory_space<semaphore_mem>>)
      %dma_wait3A = arith.constant 0 : i32
      %dma_wait3A_77 = tpu.memref_slice %arg13[%mul3A_2, %dma_wait3A] : memref<10240x128xf32, #tpu.memory_space<vmem_shared>> -> memref<640x128xf32, #tpu.memory_space<vmem_shared>>
      tpu.wait_dma2 semaphore(%run_scoped3A : memref<!tpu.dma_semaphore, #tpu.memory_space<semaphore_mem>>) src(%arg6 : memref<640x128xf32, #tpu.memory_space<hbm>>) dst(%dma_wait3A_77 : memref<640x128xf32, #tpu.memory_space<vmem_shared>>)
      tpu.yield
    }) : () -> ()
    %barrier3A = arith.constant 0 : index
    tpu.barrier barrier_id(%barrier3A)
    %mul3A_3 = arith.constant 5120 : i32
    %mul3A_4 = arith.muli %add3A, %mul3A_3 : i32
    %dma_start3A = arith.constant 0 : i32
    %dma_start3A_5 = tpu.memref_slice %arg2[%mul3A_4, %dma_start3A] : memref<163840x128xf32, #tpu.memory_space<hbm>> -> memref<128x128xf32, #tpu.memory_space<hbm>>
    %dma_start3A_6 = arith.constant 0 : i32
    %dma_start3A_7 = tpu.memref_slice %arg2[%mul3A_4, %dma_start3A_6] : memref<163840x128xf32, #tpu.memory_space<hbm>> -> memref<128x128xf32, #tpu.memory_space<hbm>>
    tpu.enqueue_dma source(%dma_start3A_7 : memref<128x128xf32, #tpu.memory_space<hbm>>) target(%arg11 : memref<128x128xf32, #tpu.memory_space<vmem>>) target_semaphore(%arg14 : memref<!tpu.dma_semaphore, #tpu.memory_space<semaphore_mem>>)
    %scan3A = arith.constant 0 : i32
    %scan3A_8 = arith.constant 0 : i32
    %scan3A_9 = arith.constant 20 : i32
    %scan3A_10 = arith.addi %scan3A_8, %scan3A_9 : i32
    %scan3A_11 = arith.constant 1 : i32
    scf.for %scan3A_75 = %scan3A_8 to %scan3A_10 step %scan3A_11  : i32 {
      %mul3A_76 = arith.constant 2 : i32
      %mul3A_77 = arith.muli %scan3A_75, %mul3A_76 : i32
      %add3A_78 = arith.constant 0 : i32
      %add3A_79 = arith.addi %mul3A_77, %add3A_78 : i32
      %add3A_80 = arith.constant 1 : i32
      %add3A_81 = arith.addi %add3A_79, %add3A_80 : i32
      %lt3A_82 = arith.constant 40 : i32
      %lt3A_83 = arith.cmpi slt, %add3A_81, %lt3A_82 : i32
      %convert_element_type3A_84 = arith.extui %lt3A_83 : i1 to i32
      %cond3A_85 = arith.constant 0 : i32
      %cond3A_86 = arith.cmpi ne, %convert_element_type3A_84, %cond3A_85 : i32
      scf.if %cond3A_86 {
        %mul3A_115 = arith.constant 5120 : i32
        %mul3A_116 = arith.muli %add3A, %mul3A_115 : i32
        %add3A_117 = arith.constant 1 : i32
        %add3A_118 = arith.addi %add3A_79, %add3A_117 : i32
        %mul3A_119 = arith.constant 128 : i32
        %mul3A_120 = arith.muli %add3A_118, %mul3A_119 : i32
        %add3A_121 = arith.addi %mul3A_116, %mul3A_120 : i32
        %dma_start3A_122 = arith.constant 0 : i32
        %dma_start3A_123 = tpu.memref_slice %arg2[%add3A_121, %dma_start3A_122] : memref<163840x128xf32, #tpu.memory_space<hbm>> -> memref<128x128xf32, #tpu.memory_space<hbm>>
        %dma_start3A_124 = arith.constant 0 : i32
        %dma_start3A_125 = tpu.memref_slice %arg2[%add3A_121, %dma_start3A_124] : memref<163840x128xf32, #tpu.memory_space<hbm>> -> memref<128x128xf32, #tpu.memory_space<hbm>>
        tpu.enqueue_dma source(%dma_start3A_125 : memref<128x128xf32, #tpu.memory_space<hbm>>) target(%arg12 : memref<128x128xf32, #tpu.memory_space<vmem>>) target_semaphore(%arg15 : memref<!tpu.dma_semaphore, #tpu.memory_space<semaphore_mem>>)
      } else {
      }
      %mul3A_87 = arith.constant 5120 : i32
      %mul3A_88 = arith.muli %add3A, %mul3A_87 : i32
      %mul3A_89 = arith.constant 128 : i32
      %mul3A_90 = arith.muli %add3A_79, %mul3A_89 : i32
      %add3A_91 = arith.addi %mul3A_88, %mul3A_90 : i32
      %dma_wait3A = arith.constant 0 : i32
      %dma_wait3A_92 = tpu.memref_slice %arg2[%add3A_91, %dma_wait3A] : memref<163840x128xf32, #tpu.memory_space<hbm>> -> memref<128x128xf32, #tpu.memory_space<hbm>>
      %dma_wait3A_93 = arith.constant 0 : i32
      %dma_wait3A_94 = tpu.memref_slice %arg2[%add3A_91, %dma_wait3A_93] : memref<163840x128xf32, #tpu.memory_space<hbm>> -> memref<128x128xf32, #tpu.memory_space<hbm>>
      tpu.wait_dma2 semaphore(%arg14 : memref<!tpu.dma_semaphore, #tpu.memory_space<semaphore_mem>>) src(%dma_wait3A_94 : memref<128x128xf32, #tpu.memory_space<hbm>>) dst(%arg11 : memref<128x128xf32, #tpu.memory_space<vmem>>)
      "tpu.region"() ({
        %run_scoped3A = tpu.sem_alloc : memref<!tpu.dma_semaphore, #tpu.memory_space<semaphore_mem>>
        %dma_start3A_115 = arith.constant 0 : i32
        %dma_start3A_116 = tpu.memref_slice %arg10[%add3A_79, %dma_start3A_115] : memref<40x128xi32, #tpu.memory_space<vmem>> -> memref<1x128xi32, #tpu.memory_space<vmem>>
        %dma_start3A_117 = tpu.memref_squeeze %dma_start3A_116 : memref<1x128xi32, #tpu.memory_space<vmem>> -> memref<128xi32, #tpu.memory_space<vmem>>
        %dma_start3A_118 = arith.constant 0 : i32
        %dma_start3A_119 = arith.constant 0 : i32
        %dma_start3A_120 = tpu.memref_slice %arg13[%dma_start3A_118, %dma_start3A_119] : memref<10240x128xf32, #tpu.memory_space<vmem_shared>> -> memref<10240x128xf32, #tpu.memory_space<vmem_shared>>
        tpu.enqueue_indirect_dma source(%arg11 : memref<128x128xf32, #tpu.memory_space<vmem>>) target(%dma_start3A_120 : memref<10240x128xf32, #tpu.memory_space<vmem_shared>>) offsets(%dma_start3A_117 : memref<128xi32, #tpu.memory_space<vmem>>) semaphore(%run_scoped3A : memref<!tpu.dma_semaphore, #tpu.memory_space<semaphore_mem>>) {add = true}
        %dma_wait3A_121 = arith.constant 0 : i32
        %dma_wait3A_122 = tpu.memref_slice %arg10[%add3A_79, %dma_wait3A_121] : memref<40x128xi32, #tpu.memory_space<vmem>> -> memref<1x128xi32, #tpu.memory_space<vmem>>
        %dma_wait3A_123 = tpu.memref_squeeze %dma_wait3A_122 : memref<1x128xi32, #tpu.memory_space<vmem>> -> memref<128xi32, #tpu.memory_space<vmem>>
        %dma_wait3A_124 = arith.constant 0 : i32
        %dma_wait3A_125 = arith.constant 0 : i32
        %dma_wait3A_126 = tpu.memref_slice %arg13[%dma_wait3A_124, %dma_wait3A_125] : memref<10240x128xf32, #tpu.memory_space<vmem_shared>> -> memref<10240x128xf32, #tpu.memory_space<vmem_shared>>
        tpu.wait_indirect_dma semaphore(%run_scoped3A : memref<!tpu.dma_semaphore, #tpu.memory_space<semaphore_mem>>) src(%arg11 : memref<128x128xf32, #tpu.memory_space<vmem>>) dst(%dma_wait3A_126 : memref<10240x128xf32, #tpu.memory_space<vmem_shared>>)
        tpu.yield
      }) : () -> ()
      %mul3A_95 = arith.constant 2 : i32
      %mul3A_96 = arith.muli %scan3A_75, %mul3A_95 : i32
      %add3A_97 = arith.constant 1 : i32
      %add3A_98 = arith.addi %mul3A_96, %add3A_97 : i32
      %add3A_99 = arith.constant 1 : i32
      %add3A_100 = arith.addi %add3A_98, %add3A_99 : i32
      %lt3A_101 = arith.constant 40 : i32
      %lt3A_102 = arith.cmpi slt, %add3A_100, %lt3A_101 : i32
      %convert_element_type3A_103 = arith.extui %lt3A_102 : i1 to i32
      %cond3A_104 = arith.constant 0 : i32
      %cond3A_105 = arith.cmpi ne, %convert_element_type3A_103, %cond3A_104 : i32
      scf.if %cond3A_105 {
        %mul3A_115 = arith.constant 5120 : i32
        %mul3A_116 = arith.muli %add3A, %mul3A_115 : i32
        %add3A_117 = arith.constant 1 : i32
        %add3A_118 = arith.addi %add3A_98, %add3A_117 : i32
        %mul3A_119 = arith.constant 128 : i32
        %mul3A_120 = arith.muli %add3A_118, %mul3A_119 : i32
        %add3A_121 = arith.addi %mul3A_116, %mul3A_120 : i32
        %dma_start3A_122 = arith.constant 0 : i32
        %dma_start3A_123 = tpu.memref_slice %arg2[%add3A_121, %dma_start3A_122] : memref<163840x128xf32, #tpu.memory_space<hbm>> -> memref<128x128xf32, #tpu.memory_space<hbm>>
        %dma_start3A_124 = arith.constant 0 : i32
        %dma_start3A_125 = tpu.memref_slice %arg2[%add3A_121, %dma_start3A_124] : memref<163840x128xf32, #tpu.memory_space<hbm>> -> memref<128x128xf32, #tpu.memory_space<hbm>>
        tpu.enqueue_dma source(%dma_start3A_125 : memref<128x128xf32, #tpu.memory_space<hbm>>) target(%arg11 : memref<128x128xf32, #tpu.memory_space<vmem>>) target_semaphore(%arg14 : memref<!tpu.dma_semaphore, #tpu.memory_space<semaphore_mem>>)
      } else {
      }
      %mul3A_106 = arith.constant 5120 : i32
      %mul3A_107 = arith.muli %add3A, %mul3A_106 : i32
      %mul3A_108 = arith.constant 128 : i32
      %mul3A_109 = arith.muli %add3A_98, %mul3A_108 : i32
      %add3A_110 = arith.addi %mul3A_107, %mul3A_109 : i32
      %dma_wait3A_111 = arith.constant 0 : i32
      %dma_wait3A_112 = tpu.memref_slice %arg2[%add3A_110, %dma_wait3A_111] : memref<163840x128xf32, #tpu.memory_space<hbm>> -> memref<128x128xf32, #tpu.memory_space<hbm>>
      %dma_wait3A_113 = arith.constant 0 : i32
      %dma_wait3A_114 = tpu.memref_slice %arg2[%add3A_110, %dma_wait3A_113] : memref<163840x128xf32, #tpu.memory_space<hbm>> -> memref<128x128xf32, #tpu.memory_space<hbm>>
      tpu.wait_dma2 semaphore(%arg15 : memref<!tpu.dma_semaphore, #tpu.memory_space<semaphore_mem>>) src(%dma_wait3A_114 : memref<128x128xf32, #tpu.memory_space<hbm>>) dst(%arg12 : memref<128x128xf32, #tpu.memory_space<vmem>>)
      "tpu.region"() ({
        %run_scoped3A = tpu.sem_alloc : memref<!tpu.dma_semaphore, #tpu.memory_space<semaphore_mem>>
        %dma_start3A_115 = arith.constant 0 : i32
        %dma_start3A_116 = tpu.memref_slice %arg10[%add3A_98, %dma_start3A_115] : memref<40x128xi32, #tpu.memory_space<vmem>> -> memref<1x128xi32, #tpu.memory_space<vmem>>
        %dma_start3A_117 = tpu.memref_squeeze %dma_start3A_116 : memref<1x128xi32, #tpu.memory_space<vmem>> -> memref<128xi32, #tpu.memory_space<vmem>>
        %dma_start3A_118 = arith.constant 0 : i32
        %dma_start3A_119 = arith.constant 0 : i32
        %dma_start3A_120 = tpu.memref_slice %arg13[%dma_start3A_118, %dma_start3A_119] : memref<10240x128xf32, #tpu.memory_space<vmem_shared>> -> memref<10240x128xf32, #tpu.memory_space<vmem_shared>>
        tpu.enqueue_indirect_dma source(%arg12 : memref<128x128xf32, #tpu.memory_space<vmem>>) target(%dma_start3A_120 : memref<10240x128xf32, #tpu.memory_space<vmem_shared>>) offsets(%dma_start3A_117 : memref<128xi32, #tpu.memory_space<vmem>>) semaphore(%run_scoped3A : memref<!tpu.dma_semaphore, #tpu.memory_space<semaphore_mem>>) {add = true}
        %dma_wait3A_121 = arith.constant 0 : i32
        %dma_wait3A_122 = tpu.memref_slice %arg10[%add3A_98, %dma_wait3A_121] : memref<40x128xi32, #tpu.memory_space<vmem>> -> memref<1x128xi32, #tpu.memory_space<vmem>>
        %dma_wait3A_123 = tpu.memref_squeeze %dma_wait3A_122 : memref<1x128xi32, #tpu.memory_space<vmem>> -> memref<128xi32, #tpu.memory_space<vmem>>
        %dma_wait3A_124 = arith.constant 0 : i32
        %dma_wait3A_125 = arith.constant 0 : i32
        %dma_wait3A_126 = tpu.memref_slice %arg13[%dma_wait3A_124, %dma_wait3A_125] : memref<10240x128xf32, #tpu.memory_space<vmem_shared>> -> memref<10240x128xf32, #tpu.memory_space<vmem_shared>>
        tpu.wait_indirect_dma semaphore(%run_scoped3A : memref<!tpu.dma_semaphore, #tpu.memory_space<semaphore_mem>>) src(%arg12 : memref<128x128xf32, #tpu.memory_space<vmem>>) dst(%dma_wait3A_126 : memref<10240x128xf32, #tpu.memory_space<vmem_shared>>)
        tpu.yield
      }) : () -> ()
    }
    %scan3A_12 = arith.constant 20 : i32
    %barrier3A_13 = arith.constant 0 : index
    tpu.barrier barrier_id(%barrier3A_13)
    %lt3A = arith.constant 15 : i32
    %lt3A_14 = arith.cmpi slt, %arg1, %lt3A : i32
    %convert_element_type3A = arith.extui %lt3A_14 : i1 to i32
    %cond3A = arith.constant 0 : i32
    %cond3A_15 = arith.cmpi ne, %convert_element_type3A, %cond3A : i32
    scf.if %cond3A_15 {
      %mul3A_75 = arith.constant 640 : i32
      %mul3A_76 = arith.muli %arg1, %mul3A_75 : i32
      %mul3A_77 = arith.constant 640 : i32
      %mul3A_78 = arith.muli %arg1, %mul3A_77 : i32
      "tpu.region"() ({
        %run_scoped3A = tpu.sem_alloc : memref<!tpu.dma_semaphore, #tpu.memory_space<semaphore_mem>>
        %dma_start3A_79 = arith.constant 0 : i32
        %dma_start3A_80 = tpu.memref_slice %arg7[%arg0, %mul3A_78, %dma_start3A_79] : memref<2x10000x128xf32, #tpu.memory_space<hbm>> -> memref<1x640x128xf32, #tpu.memory_space<hbm>>
        %dma_start3A_81 = tpu.memref_squeeze %dma_start3A_80 : memref<1x640x128xf32, #tpu.memory_space<hbm>> -> memref<640x128xf32, #tpu.memory_space<hbm>>
        %dma_start3A_82 = arith.constant 0 : i32
        %dma_start3A_83 = tpu.memref_slice %arg13[%mul3A_76, %dma_start3A_82] : memref<10240x128xf32, #tpu.memory_space<vmem_shared>> -> memref<640x128xf32, #tpu.memory_space<vmem_shared>>
        tpu.enqueue_dma source(%dma_start3A_83 : memref<640x128xf32, #tpu.memory_space<vmem_shared>>) target(%dma_start3A_81 : memref<640x128xf32, #tpu.memory_space<hbm>>) target_semaphore(%run_scoped3A : memref<!tpu.dma_semaphore, #tpu.memory_space<semaphore_mem>>)
        %dma_wait3A = arith.constant 0 : i32
        %dma_wait3A_84 = tpu.memref_slice %arg7[%arg0, %mul3A_78, %dma_wait3A] : memref<2x10000x128xf32, #tpu.memory_space<hbm>> -> memref<1x640x128xf32, #tpu.memory_space<hbm>>
        %dma_wait3A_85 = tpu.memref_squeeze %dma_wait3A_84 : memref<1x640x128xf32, #tpu.memory_space<hbm>> -> memref<640x128xf32, #tpu.memory_space<hbm>>
        %dma_wait3A_86 = arith.constant 0 : i32
        %dma_wait3A_87 = tpu.memref_slice %arg13[%mul3A_76, %dma_wait3A_86] : memref<10240x128xf32, #tpu.memory_space<vmem_shared>> -> memref<640x128xf32, #tpu.memory_space<vmem_shared>>
        tpu.wait_dma2 semaphore(%run_scoped3A : memref<!tpu.dma_semaphore, #tpu.memory_space<semaphore_mem>>) src(%dma_wait3A_87 : memref<640x128xf32, #tpu.memory_space<vmem_shared>>) dst(%dma_wait3A_85 : memref<640x128xf32, #tpu.memory_space<hbm>>)
        tpu.yield
      }) : () -> ()
    } else {
    }
    %eq3A = arith.constant 15 : i32
    %eq3A_16 = arith.cmpi eq, %arg1, %eq3A : i32
    %convert_element_type3A_17 = arith.extui %eq3A_16 : i1 to i32
    %cond3A_18 = arith.constant 0 : i32
    %cond3A_19 = arith.cmpi ne, %convert_element_type3A_17, %cond3A_18 : i32
    scf.if %cond3A_19 {
      "tpu.region"() ({
        %run_scoped3A = tpu.sem_alloc : memref<!tpu.dma_semaphore, #tpu.memory_space<semaphore_mem>>
        %dma_start3A_75 = arith.constant 9600 : i32
        %dma_start3A_76 = arith.constant 0 : i32
        %dma_start3A_77 = tpu.memref_slice %arg7[%arg0, %dma_start3A_75, %dma_start3A_76] : memref<2x10000x128xf32, #tpu.memory_space<hbm>> -> memref<1x400x128xf32, #tpu.memory_space<hbm>>
        %dma_start3A_78 = tpu.memref_squeeze %dma_start3A_77 : memref<1x400x128xf32, #tpu.memory_space<hbm>> -> memref<400x128xf32, #tpu.memory_space<hbm>>
        %dma_start3A_79 = arith.constant 9600 : i32
        %dma_start3A_80 = arith.constant 0 : i32
        %dma_start3A_81 = tpu.memref_slice %arg13[%dma_start3A_79, %dma_start3A_80] : memref<10240x128xf32, #tpu.memory_space<vmem_shared>> -> memref<400x128xf32, #tpu.memory_space<vmem_shared>>
        tpu.enqueue_dma source(%dma_start3A_81 : memref<400x128xf32, #tpu.memory_space<vmem_shared>>) target(%dma_start3A_78 : memref<400x128xf32, #tpu.memory_space<hbm>>) target_semaphore(%run_scoped3A : memref<!tpu.dma_semaphore, #tpu.memory_space<semaphore_mem>>)
        %dma_wait3A = arith.constant 9600 : i32
        %dma_wait3A_82 = arith.constant 0 : i32
        %dma_wait3A_83 = tpu.memref_slice %arg7[%arg0, %dma_wait3A, %dma_wait3A_82] : memref<2x10000x128xf32, #tpu.memory_space<hbm>> -> memref<1x400x128xf32, #tpu.memory_space<hbm>>
        %dma_wait3A_84 = tpu.memref_squeeze %dma_wait3A_83 : memref<1x400x128xf32, #tpu.memory_space<hbm>> -> memref<400x128xf32, #tpu.memory_space<hbm>>
        %dma_wait3A_85 = arith.constant 9600 : i32
        %dma_wait3A_86 = arith.constant 0 : i32
        %dma_wait3A_87 = tpu.memref_slice %arg13[%dma_wait3A_85, %dma_wait3A_86] : memref<10240x128xf32, #tpu.memory_space<vmem_shared>> -> memref<400x128xf32, #tpu.memory_space<vmem_shared>>
        tpu.wait_dma2 semaphore(%run_scoped3A : memref<!tpu.dma_semaphore, #tpu.memory_space<semaphore_mem>>) src(%dma_wait3A_87 : memref<400x128xf32, #tpu.memory_space<vmem_shared>>) dst(%dma_wait3A_84 : memref<400x128xf32, #tpu.memory_space<hbm>>)
        tpu.yield
      }) : () -> ()
    } else {
    }
    %barrier3A_20 = arith.constant 0 : index
    tpu.barrier barrier_id(%barrier3A_20)
    %mul3A_21 = arith.constant 640 : i32
    %mul3A_22 = arith.muli %arg1, %mul3A_21 : i32
    "tpu.region"() ({
      %run_scoped3A = tpu.sem_alloc : memref<!tpu.dma_semaphore, #tpu.memory_space<semaphore_mem>>
      %dma_start3A_75 = arith.constant 0 : i32
      %dma_start3A_76 = tpu.memref_slice %arg13[%mul3A_22, %dma_start3A_75] : memref<10240x128xf32, #tpu.memory_space<vmem_shared>> -> memref<640x128xf32, #tpu.memory_space<vmem_shared>>
      tpu.enqueue_dma source(%arg6 : memref<640x128xf32, #tpu.memory_space<hbm>>) target(%dma_start3A_76 : memref<640x128xf32, #tpu.memory_space<vmem_shared>>) target_semaphore(%run_scoped3A : memref<!tpu.dma_semaphore, #tpu.memory_space<semaphore_mem>>)
      %dma_wait3A = arith.constant 0 : i32
      %dma_wait3A_77 = tpu.memref_slice %arg13[%mul3A_22, %dma_wait3A] : memref<10240x128xf32, #tpu.memory_space<vmem_shared>> -> memref<640x128xf32, #tpu.memory_space<vmem_shared>>
      tpu.wait_dma2 semaphore(%run_scoped3A : memref<!tpu.dma_semaphore, #tpu.memory_space<semaphore_mem>>) src(%arg6 : memref<640x128xf32, #tpu.memory_space<hbm>>) dst(%dma_wait3A_77 : memref<640x128xf32, #tpu.memory_space<vmem_shared>>)
      tpu.yield
    }) : () -> ()
    %barrier3A_23 = arith.constant 0 : index
    tpu.barrier barrier_id(%barrier3A_23)
    %mul3A_24 = arith.constant 5120 : i32
    %mul3A_25 = arith.muli %add3A, %mul3A_24 : i32
    %dma_start3A_26 = arith.constant 0 : i32
    %dma_start3A_27 = tpu.memref_slice %arg3[%mul3A_25, %dma_start3A_26] : memref<163840x128xf32, #tpu.memory_space<hbm>> -> memref<128x128xf32, #tpu.memory_space<hbm>>
    %dma_start3A_28 = arith.constant 0 : i32
    %dma_start3A_29 = tpu.memref_slice %arg3[%mul3A_25, %dma_start3A_28] : memref<163840x128xf32, #tpu.memory_space<hbm>> -> memref<128x128xf32, #tpu.memory_space<hbm>>
    tpu.enqueue_dma source(%dma_start3A_29 : memref<128x128xf32, #tpu.memory_space<hbm>>) target(%arg11 : memref<128x128xf32, #tpu.memory_space<vmem>>) target_semaphore(%arg14 : memref<!tpu.dma_semaphore, #tpu.memory_space<semaphore_mem>>)
    %scan3A_30 = arith.constant 0 : i32
    %scan3A_31 = arith.constant 0 : i32
    %scan3A_32 = arith.constant 20 : i32
    %scan3A_33 = arith.addi %scan3A_31, %scan3A_32 : i32
    %scan3A_34 = arith.constant 1 : i32
    scf.for %scan3A_75 = %scan3A_31 to %scan3A_33 step %scan3A_34  : i32 {
      %mul3A_76 = arith.constant 2 : i32
      %mul3A_77 = arith.muli %scan3A_75, %mul3A_76 : i32
      %add3A_78 = arith.constant 0 : i32
      %add3A_79 = arith.addi %mul3A_77, %add3A_78 : i32
      %add3A_80 = arith.constant 1 : i32
      %add3A_81 = arith.addi %add3A_79, %add3A_80 : i32
      %lt3A_82 = arith.constant 40 : i32
      %lt3A_83 = arith.cmpi slt, %add3A_81, %lt3A_82 : i32
      %convert_element_type3A_84 = arith.extui %lt3A_83 : i1 to i32
      %cond3A_85 = arith.constant 0 : i32
      %cond3A_86 = arith.cmpi ne, %convert_element_type3A_84, %cond3A_85 : i32
      scf.if %cond3A_86 {
        %mul3A_115 = arith.constant 5120 : i32
        %mul3A_116 = arith.muli %add3A, %mul3A_115 : i32
        %add3A_117 = arith.constant 1 : i32
        %add3A_118 = arith.addi %add3A_79, %add3A_117 : i32
        %mul3A_119 = arith.constant 128 : i32
        %mul3A_120 = arith.muli %add3A_118, %mul3A_119 : i32
        %add3A_121 = arith.addi %mul3A_116, %mul3A_120 : i32
        %dma_start3A_122 = arith.constant 0 : i32
        %dma_start3A_123 = tpu.memref_slice %arg3[%add3A_121, %dma_start3A_122] : memref<163840x128xf32, #tpu.memory_space<hbm>> -> memref<128x128xf32, #tpu.memory_space<hbm>>
        %dma_start3A_124 = arith.constant 0 : i32
        %dma_start3A_125 = tpu.memref_slice %arg3[%add3A_121, %dma_start3A_124] : memref<163840x128xf32, #tpu.memory_space<hbm>> -> memref<128x128xf32, #tpu.memory_space<hbm>>
        tpu.enqueue_dma source(%dma_start3A_125 : memref<128x128xf32, #tpu.memory_space<hbm>>) target(%arg12 : memref<128x128xf32, #tpu.memory_space<vmem>>) target_semaphore(%arg15 : memref<!tpu.dma_semaphore, #tpu.memory_space<semaphore_mem>>)
      } else {
      }
      %mul3A_87 = arith.constant 5120 : i32
      %mul3A_88 = arith.muli %add3A, %mul3A_87 : i32
      %mul3A_89 = arith.constant 128 : i32
      %mul3A_90 = arith.muli %add3A_79, %mul3A_89 : i32
      %add3A_91 = arith.addi %mul3A_88, %mul3A_90 : i32
      %dma_wait3A = arith.constant 0 : i32
      %dma_wait3A_92 = tpu.memref_slice %arg3[%add3A_91, %dma_wait3A] : memref<163840x128xf32, #tpu.memory_space<hbm>> -> memref<128x128xf32, #tpu.memory_space<hbm>>
      %dma_wait3A_93 = arith.constant 0 : i32
      %dma_wait3A_94 = tpu.memref_slice %arg3[%add3A_91, %dma_wait3A_93] : memref<163840x128xf32, #tpu.memory_space<hbm>> -> memref<128x128xf32, #tpu.memory_space<hbm>>
      tpu.wait_dma2 semaphore(%arg14 : memref<!tpu.dma_semaphore, #tpu.memory_space<semaphore_mem>>) src(%dma_wait3A_94 : memref<128x128xf32, #tpu.memory_space<hbm>>) dst(%arg11 : memref<128x128xf32, #tpu.memory_space<vmem>>)
      "tpu.region"() ({
        %run_scoped3A = tpu.sem_alloc : memref<!tpu.dma_semaphore, #tpu.memory_space<semaphore_mem>>
        %dma_start3A_115 = arith.constant 0 : i32
        %dma_start3A_116 = tpu.memref_slice %arg10[%add3A_79, %dma_start3A_115] : memref<40x128xi32, #tpu.memory_space<vmem>> -> memref<1x128xi32, #tpu.memory_space<vmem>>
        %dma_start3A_117 = tpu.memref_squeeze %dma_start3A_116 : memref<1x128xi32, #tpu.memory_space<vmem>> -> memref<128xi32, #tpu.memory_space<vmem>>
        %dma_start3A_118 = arith.constant 0 : i32
        %dma_start3A_119 = arith.constant 0 : i32
        %dma_start3A_120 = tpu.memref_slice %arg13[%dma_start3A_118, %dma_start3A_119] : memref<10240x128xf32, #tpu.memory_space<vmem_shared>> -> memref<10240x128xf32, #tpu.memory_space<vmem_shared>>
        tpu.enqueue_indirect_dma source(%arg11 : memref<128x128xf32, #tpu.memory_space<vmem>>) target(%dma_start3A_120 : memref<10240x128xf32, #tpu.memory_space<vmem_shared>>) offsets(%dma_start3A_117 : memref<128xi32, #tpu.memory_space<vmem>>) semaphore(%run_scoped3A : memref<!tpu.dma_semaphore, #tpu.memory_space<semaphore_mem>>) {add = true}
        %dma_wait3A_121 = arith.constant 0 : i32
        %dma_wait3A_122 = tpu.memref_slice %arg10[%add3A_79, %dma_wait3A_121] : memref<40x128xi32, #tpu.memory_space<vmem>> -> memref<1x128xi32, #tpu.memory_space<vmem>>
        %dma_wait3A_123 = tpu.memref_squeeze %dma_wait3A_122 : memref<1x128xi32, #tpu.memory_space<vmem>> -> memref<128xi32, #tpu.memory_space<vmem>>
        %dma_wait3A_124 = arith.constant 0 : i32
        %dma_wait3A_125 = arith.constant 0 : i32
        %dma_wait3A_126 = tpu.memref_slice %arg13[%dma_wait3A_124, %dma_wait3A_125] : memref<10240x128xf32, #tpu.memory_space<vmem_shared>> -> memref<10240x128xf32, #tpu.memory_space<vmem_shared>>
        tpu.wait_indirect_dma semaphore(%run_scoped3A : memref<!tpu.dma_semaphore, #tpu.memory_space<semaphore_mem>>) src(%arg11 : memref<128x128xf32, #tpu.memory_space<vmem>>) dst(%dma_wait3A_126 : memref<10240x128xf32, #tpu.memory_space<vmem_shared>>)
        tpu.yield
      }) : () -> ()
      %mul3A_95 = arith.constant 2 : i32
      %mul3A_96 = arith.muli %scan3A_75, %mul3A_95 : i32
      %add3A_97 = arith.constant 1 : i32
      %add3A_98 = arith.addi %mul3A_96, %add3A_97 : i32
      %add3A_99 = arith.constant 1 : i32
      %add3A_100 = arith.addi %add3A_98, %add3A_99 : i32
      %lt3A_101 = arith.constant 40 : i32
      %lt3A_102 = arith.cmpi slt, %add3A_100, %lt3A_101 : i32
      %convert_element_type3A_103 = arith.extui %lt3A_102 : i1 to i32
      %cond3A_104 = arith.constant 0 : i32
      %cond3A_105 = arith.cmpi ne, %convert_element_type3A_103, %cond3A_104 : i32
      scf.if %cond3A_105 {
        %mul3A_115 = arith.constant 5120 : i32
        %mul3A_116 = arith.muli %add3A, %mul3A_115 : i32
        %add3A_117 = arith.constant 1 : i32
        %add3A_118 = arith.addi %add3A_98, %add3A_117 : i32
        %mul3A_119 = arith.constant 128 : i32
        %mul3A_120 = arith.muli %add3A_118, %mul3A_119 : i32
        %add3A_121 = arith.addi %mul3A_116, %mul3A_120 : i32
        %dma_start3A_122 = arith.constant 0 : i32
        %dma_start3A_123 = tpu.memref_slice %arg3[%add3A_121, %dma_start3A_122] : memref<163840x128xf32, #tpu.memory_space<hbm>> -> memref<128x128xf32, #tpu.memory_space<hbm>>
        %dma_start3A_124 = arith.constant 0 : i32
        %dma_start3A_125 = tpu.memref_slice %arg3[%add3A_121, %dma_start3A_124] : memref<163840x128xf32, #tpu.memory_space<hbm>> -> memref<128x128xf32, #tpu.memory_space<hbm>>
        tpu.enqueue_dma source(%dma_start3A_125 : memref<128x128xf32, #tpu.memory_space<hbm>>) target(%arg11 : memref<128x128xf32, #tpu.memory_space<vmem>>) target_semaphore(%arg14 : memref<!tpu.dma_semaphore, #tpu.memory_space<semaphore_mem>>)
      } else {
      }
      %mul3A_106 = arith.constant 5120 : i32
      %mul3A_107 = arith.muli %add3A, %mul3A_106 : i32
      %mul3A_108 = arith.constant 128 : i32
      %mul3A_109 = arith.muli %add3A_98, %mul3A_108 : i32
      %add3A_110 = arith.addi %mul3A_107, %mul3A_109 : i32
      %dma_wait3A_111 = arith.constant 0 : i32
      %dma_wait3A_112 = tpu.memref_slice %arg3[%add3A_110, %dma_wait3A_111] : memref<163840x128xf32, #tpu.memory_space<hbm>> -> memref<128x128xf32, #tpu.memory_space<hbm>>
      %dma_wait3A_113 = arith.constant 0 : i32
      %dma_wait3A_114 = tpu.memref_slice %arg3[%add3A_110, %dma_wait3A_113] : memref<163840x128xf32, #tpu.memory_space<hbm>> -> memref<128x128xf32, #tpu.memory_space<hbm>>
      tpu.wait_dma2 semaphore(%arg15 : memref<!tpu.dma_semaphore, #tpu.memory_space<semaphore_mem>>) src(%dma_wait3A_114 : memref<128x128xf32, #tpu.memory_space<hbm>>) dst(%arg12 : memref<128x128xf32, #tpu.memory_space<vmem>>)
      "tpu.region"() ({
        %run_scoped3A = tpu.sem_alloc : memref<!tpu.dma_semaphore, #tpu.memory_space<semaphore_mem>>
        %dma_start3A_115 = arith.constant 0 : i32
        %dma_start3A_116 = tpu.memref_slice %arg10[%add3A_98, %dma_start3A_115] : memref<40x128xi32, #tpu.memory_space<vmem>> -> memref<1x128xi32, #tpu.memory_space<vmem>>
        %dma_start3A_117 = tpu.memref_squeeze %dma_start3A_116 : memref<1x128xi32, #tpu.memory_space<vmem>> -> memref<128xi32, #tpu.memory_space<vmem>>
        %dma_start3A_118 = arith.constant 0 : i32
        %dma_start3A_119 = arith.constant 0 : i32
        %dma_start3A_120 = tpu.memref_slice %arg13[%dma_start3A_118, %dma_start3A_119] : memref<10240x128xf32, #tpu.memory_space<vmem_shared>> -> memref<10240x128xf32, #tpu.memory_space<vmem_shared>>
        tpu.enqueue_indirect_dma source(%arg12 : memref<128x128xf32, #tpu.memory_space<vmem>>) target(%dma_start3A_120 : memref<10240x128xf32, #tpu.memory_space<vmem_shared>>) offsets(%dma_start3A_117 : memref<128xi32, #tpu.memory_space<vmem>>) semaphore(%run_scoped3A : memref<!tpu.dma_semaphore, #tpu.memory_space<semaphore_mem>>) {add = true}
        %dma_wait3A_121 = arith.constant 0 : i32
        %dma_wait3A_122 = tpu.memref_slice %arg10[%add3A_98, %dma_wait3A_121] : memref<40x128xi32, #tpu.memory_space<vmem>> -> memref<1x128xi32, #tpu.memory_space<vmem>>
        %dma_wait3A_123 = tpu.memref_squeeze %dma_wait3A_122 : memref<1x128xi32, #tpu.memory_space<vmem>> -> memref<128xi32, #tpu.memory_space<vmem>>
        %dma_wait3A_124 = arith.constant 0 : i32
        %dma_wait3A_125 = arith.constant 0 : i32
        %dma_wait3A_126 = tpu.memref_slice %arg13[%dma_wait3A_124, %dma_wait3A_125] : memref<10240x128xf32, #tpu.memory_space<vmem_shared>> -> memref<10240x128xf32, #tpu.memory_space<vmem_shared>>
        tpu.wait_indirect_dma semaphore(%run_scoped3A : memref<!tpu.dma_semaphore, #tpu.memory_space<semaphore_mem>>) src(%arg12 : memref<128x128xf32, #tpu.memory_space<vmem>>) dst(%dma_wait3A_126 : memref<10240x128xf32, #tpu.memory_space<vmem_shared>>)
        tpu.yield
      }) : () -> ()
    }
    %scan3A_35 = arith.constant 20 : i32
    %barrier3A_36 = arith.constant 0 : index
    tpu.barrier barrier_id(%barrier3A_36)
    %lt3A_37 = arith.constant 15 : i32
    %lt3A_38 = arith.cmpi slt, %arg1, %lt3A_37 : i32
    %convert_element_type3A_39 = arith.extui %lt3A_38 : i1 to i32
    %cond3A_40 = arith.constant 0 : i32
    %cond3A_41 = arith.cmpi ne, %convert_element_type3A_39, %cond3A_40 : i32
    scf.if %cond3A_41 {
      %mul3A_75 = arith.constant 640 : i32
      %mul3A_76 = arith.muli %arg1, %mul3A_75 : i32
      %mul3A_77 = arith.constant 640 : i32
      %mul3A_78 = arith.muli %arg1, %mul3A_77 : i32
      "tpu.region"() ({
        %run_scoped3A = tpu.sem_alloc : memref<!tpu.dma_semaphore, #tpu.memory_space<semaphore_mem>>
        %dma_start3A_79 = arith.constant 0 : i32
        %dma_start3A_80 = tpu.memref_slice %arg8[%arg0, %mul3A_78, %dma_start3A_79] : memref<2x10000x128xf32, #tpu.memory_space<hbm>> -> memref<1x640x128xf32, #tpu.memory_space<hbm>>
        %dma_start3A_81 = tpu.memref_squeeze %dma_start3A_80 : memref<1x640x128xf32, #tpu.memory_space<hbm>> -> memref<640x128xf32, #tpu.memory_space<hbm>>
        %dma_start3A_82 = arith.constant 0 : i32
        %dma_start3A_83 = tpu.memref_slice %arg13[%mul3A_76, %dma_start3A_82] : memref<10240x128xf32, #tpu.memory_space<vmem_shared>> -> memref<640x128xf32, #tpu.memory_space<vmem_shared>>
        tpu.enqueue_dma source(%dma_start3A_83 : memref<640x128xf32, #tpu.memory_space<vmem_shared>>) target(%dma_start3A_81 : memref<640x128xf32, #tpu.memory_space<hbm>>) target_semaphore(%run_scoped3A : memref<!tpu.dma_semaphore, #tpu.memory_space<semaphore_mem>>)
        %dma_wait3A = arith.constant 0 : i32
        %dma_wait3A_84 = tpu.memref_slice %arg8[%arg0, %mul3A_78, %dma_wait3A] : memref<2x10000x128xf32, #tpu.memory_space<hbm>> -> memref<1x640x128xf32, #tpu.memory_space<hbm>>
        %dma_wait3A_85 = tpu.memref_squeeze %dma_wait3A_84 : memref<1x640x128xf32, #tpu.memory_space<hbm>> -> memref<640x128xf32, #tpu.memory_space<hbm>>
        %dma_wait3A_86 = arith.constant 0 : i32
        %dma_wait3A_87 = tpu.memref_slice %arg13[%mul3A_76, %dma_wait3A_86] : memref<10240x128xf32, #tpu.memory_space<vmem_shared>> -> memref<640x128xf32, #tpu.memory_space<vmem_shared>>
        tpu.wait_dma2 semaphore(%run_scoped3A : memref<!tpu.dma_semaphore, #tpu.memory_space<semaphore_mem>>) src(%dma_wait3A_87 : memref<640x128xf32, #tpu.memory_space<vmem_shared>>) dst(%dma_wait3A_85 : memref<640x128xf32, #tpu.memory_space<hbm>>)
        tpu.yield
      }) : () -> ()
    } else {
    }
    %eq3A_42 = arith.constant 15 : i32
    %eq3A_43 = arith.cmpi eq, %arg1, %eq3A_42 : i32
    %convert_element_type3A_44 = arith.extui %eq3A_43 : i1 to i32
    %cond3A_45 = arith.constant 0 : i32
    %cond3A_46 = arith.cmpi ne, %convert_element_type3A_44, %cond3A_45 : i32
    scf.if %cond3A_46 {
      "tpu.region"() ({
        %run_scoped3A = tpu.sem_alloc : memref<!tpu.dma_semaphore, #tpu.memory_space<semaphore_mem>>
        %dma_start3A_75 = arith.constant 9600 : i32
        %dma_start3A_76 = arith.constant 0 : i32
        %dma_start3A_77 = tpu.memref_slice %arg8[%arg0, %dma_start3A_75, %dma_start3A_76] : memref<2x10000x128xf32, #tpu.memory_space<hbm>> -> memref<1x400x128xf32, #tpu.memory_space<hbm>>
        %dma_start3A_78 = tpu.memref_squeeze %dma_start3A_77 : memref<1x400x128xf32, #tpu.memory_space<hbm>> -> memref<400x128xf32, #tpu.memory_space<hbm>>
        %dma_start3A_79 = arith.constant 9600 : i32
        %dma_start3A_80 = arith.constant 0 : i32
        %dma_start3A_81 = tpu.memref_slice %arg13[%dma_start3A_79, %dma_start3A_80] : memref<10240x128xf32, #tpu.memory_space<vmem_shared>> -> memref<400x128xf32, #tpu.memory_space<vmem_shared>>
        tpu.enqueue_dma source(%dma_start3A_81 : memref<400x128xf32, #tpu.memory_space<vmem_shared>>) target(%dma_start3A_78 : memref<400x128xf32, #tpu.memory_space<hbm>>) target_semaphore(%run_scoped3A : memref<!tpu.dma_semaphore, #tpu.memory_space<semaphore_mem>>)
        %dma_wait3A = arith.constant 9600 : i32
        %dma_wait3A_82 = arith.constant 0 : i32
        %dma_wait3A_83 = tpu.memref_slice %arg8[%arg0, %dma_wait3A, %dma_wait3A_82] : memref<2x10000x128xf32, #tpu.memory_space<hbm>> -> memref<1x400x128xf32, #tpu.memory_space<hbm>>
        %dma_wait3A_84 = tpu.memref_squeeze %dma_wait3A_83 : memref<1x400x128xf32, #tpu.memory_space<hbm>> -> memref<400x128xf32, #tpu.memory_space<hbm>>
        %dma_wait3A_85 = arith.constant 9600 : i32
        %dma_wait3A_86 = arith.constant 0 : i32
        %dma_wait3A_87 = tpu.memref_slice %arg13[%dma_wait3A_85, %dma_wait3A_86] : memref<10240x128xf32, #tpu.memory_space<vmem_shared>> -> memref<400x128xf32, #tpu.memory_space<vmem_shared>>
        tpu.wait_dma2 semaphore(%run_scoped3A : memref<!tpu.dma_semaphore, #tpu.memory_space<semaphore_mem>>) src(%dma_wait3A_87 : memref<400x128xf32, #tpu.memory_space<vmem_shared>>) dst(%dma_wait3A_84 : memref<400x128xf32, #tpu.memory_space<hbm>>)
        tpu.yield
      }) : () -> ()
    } else {
    }
    %barrier3A_47 = arith.constant 0 : index
    tpu.barrier barrier_id(%barrier3A_47)
    %mul3A_48 = arith.constant 640 : i32
    %mul3A_49 = arith.muli %arg1, %mul3A_48 : i32
    "tpu.region"() ({
      %run_scoped3A = tpu.sem_alloc : memref<!tpu.dma_semaphore, #tpu.memory_space<semaphore_mem>>
      %dma_start3A_75 = arith.constant 0 : i32
      %dma_start3A_76 = tpu.memref_slice %arg13[%mul3A_49, %dma_start3A_75] : memref<10240x128xf32, #tpu.memory_space<vmem_shared>> -> memref<640x128xf32, #tpu.memory_space<vmem_shared>>
      tpu.enqueue_dma source(%arg6 : memref<640x128xf32, #tpu.memory_space<hbm>>) target(%dma_start3A_76 : memref<640x128xf32, #tpu.memory_space<vmem_shared>>) target_semaphore(%run_scoped3A : memref<!tpu.dma_semaphore, #tpu.memory_space<semaphore_mem>>)
      %dma_wait3A = arith.constant 0 : i32
      %dma_wait3A_77 = tpu.memref_slice %arg13[%mul3A_49, %dma_wait3A] : memref<10240x128xf32, #tpu.memory_space<vmem_shared>> -> memref<640x128xf32, #tpu.memory_space<vmem_shared>>
      tpu.wait_dma2 semaphore(%run_scoped3A : memref<!tpu.dma_semaphore, #tpu.memory_space<semaphore_mem>>) src(%arg6 : memref<640x128xf32, #tpu.memory_space<hbm>>) dst(%dma_wait3A_77 : memref<640x128xf32, #tpu.memory_space<vmem_shared>>)
      tpu.yield
    }) : () -> ()
    %barrier3A_50 = arith.constant 0 : index
    tpu.barrier barrier_id(%barrier3A_50)
    %mul3A_51 = arith.constant 5120 : i32
    %mul3A_52 = arith.muli %add3A, %mul3A_51 : i32
    %dma_start3A_53 = arith.constant 0 : i32
    %dma_start3A_54 = tpu.memref_slice %arg4[%mul3A_52, %dma_start3A_53] : memref<163840x128xf32, #tpu.memory_space<hbm>> -> memref<128x128xf32, #tpu.memory_space<hbm>>
    %dma_start3A_55 = arith.constant 0 : i32
    %dma_start3A_56 = tpu.memref_slice %arg4[%mul3A_52, %dma_start3A_55] : memref<163840x128xf32, #tpu.memory_space<hbm>> -> memref<128x128xf32, #tpu.memory_space<hbm>>
    tpu.enqueue_dma source(%dma_start3A_56 : memref<128x128xf32, #tpu.memory_space<hbm>>) target(%arg11 : memref<128x128xf32, #tpu.memory_space<vmem>>) target_semaphore(%arg14 : memref<!tpu.dma_semaphore, #tpu.memory_space<semaphore_mem>>)
    %scan3A_57 = arith.constant 0 : i32
    %scan3A_58 = arith.constant 0 : i32
    %scan3A_59 = arith.constant 20 : i32
    %scan3A_60 = arith.addi %scan3A_58, %scan3A_59 : i32
    %scan3A_61 = arith.constant 1 : i32
    scf.for %scan3A_75 = %scan3A_58 to %scan3A_60 step %scan3A_61  : i32 {
      %mul3A_76 = arith.constant 2 : i32
      %mul3A_77 = arith.muli %scan3A_75, %mul3A_76 : i32
      %add3A_78 = arith.constant 0 : i32
      %add3A_79 = arith.addi %mul3A_77, %add3A_78 : i32
      %add3A_80 = arith.constant 1 : i32
      %add3A_81 = arith.addi %add3A_79, %add3A_80 : i32
      %lt3A_82 = arith.constant 40 : i32
      %lt3A_83 = arith.cmpi slt, %add3A_81, %lt3A_82 : i32
      %convert_element_type3A_84 = arith.extui %lt3A_83 : i1 to i32
      %cond3A_85 = arith.constant 0 : i32
      %cond3A_86 = arith.cmpi ne, %convert_element_type3A_84, %cond3A_85 : i32
      scf.if %cond3A_86 {
        %mul3A_115 = arith.constant 5120 : i32
        %mul3A_116 = arith.muli %add3A, %mul3A_115 : i32
        %add3A_117 = arith.constant 1 : i32
        %add3A_118 = arith.addi %add3A_79, %add3A_117 : i32
        %mul3A_119 = arith.constant 128 : i32
        %mul3A_120 = arith.muli %add3A_118, %mul3A_119 : i32
        %add3A_121 = arith.addi %mul3A_116, %mul3A_120 : i32
        %dma_start3A_122 = arith.constant 0 : i32
        %dma_start3A_123 = tpu.memref_slice %arg4[%add3A_121, %dma_start3A_122] : memref<163840x128xf32, #tpu.memory_space<hbm>> -> memref<128x128xf32, #tpu.memory_space<hbm>>
        %dma_start3A_124 = arith.constant 0 : i32
        %dma_start3A_125 = tpu.memref_slice %arg4[%add3A_121, %dma_start3A_124] : memref<163840x128xf32, #tpu.memory_space<hbm>> -> memref<128x128xf32, #tpu.memory_space<hbm>>
        tpu.enqueue_dma source(%dma_start3A_125 : memref<128x128xf32, #tpu.memory_space<hbm>>) target(%arg12 : memref<128x128xf32, #tpu.memory_space<vmem>>) target_semaphore(%arg15 : memref<!tpu.dma_semaphore, #tpu.memory_space<semaphore_mem>>)
      } else {
      }
      %mul3A_87 = arith.constant 5120 : i32
      %mul3A_88 = arith.muli %add3A, %mul3A_87 : i32
      %mul3A_89 = arith.constant 128 : i32
      %mul3A_90 = arith.muli %add3A_79, %mul3A_89 : i32
      %add3A_91 = arith.addi %mul3A_88, %mul3A_90 : i32
      %dma_wait3A = arith.constant 0 : i32
      %dma_wait3A_92 = tpu.memref_slice %arg4[%add3A_91, %dma_wait3A] : memref<163840x128xf32, #tpu.memory_space<hbm>> -> memref<128x128xf32, #tpu.memory_space<hbm>>
      %dma_wait3A_93 = arith.constant 0 : i32
      %dma_wait3A_94 = tpu.memref_slice %arg4[%add3A_91, %dma_wait3A_93] : memref<163840x128xf32, #tpu.memory_space<hbm>> -> memref<128x128xf32, #tpu.memory_space<hbm>>
      tpu.wait_dma2 semaphore(%arg14 : memref<!tpu.dma_semaphore, #tpu.memory_space<semaphore_mem>>) src(%dma_wait3A_94 : memref<128x128xf32, #tpu.memory_space<hbm>>) dst(%arg11 : memref<128x128xf32, #tpu.memory_space<vmem>>)
      "tpu.region"() ({
        %run_scoped3A = tpu.sem_alloc : memref<!tpu.dma_semaphore, #tpu.memory_space<semaphore_mem>>
        %dma_start3A_115 = arith.constant 0 : i32
        %dma_start3A_116 = tpu.memref_slice %arg10[%add3A_79, %dma_start3A_115] : memref<40x128xi32, #tpu.memory_space<vmem>> -> memref<1x128xi32, #tpu.memory_space<vmem>>
        %dma_start3A_117 = tpu.memref_squeeze %dma_start3A_116 : memref<1x128xi32, #tpu.memory_space<vmem>> -> memref<128xi32, #tpu.memory_space<vmem>>
        %dma_start3A_118 = arith.constant 0 : i32
        %dma_start3A_119 = arith.constant 0 : i32
        %dma_start3A_120 = tpu.memref_slice %arg13[%dma_start3A_118, %dma_start3A_119] : memref<10240x128xf32, #tpu.memory_space<vmem_shared>> -> memref<10240x128xf32, #tpu.memory_space<vmem_shared>>
        tpu.enqueue_indirect_dma source(%arg11 : memref<128x128xf32, #tpu.memory_space<vmem>>) target(%dma_start3A_120 : memref<10240x128xf32, #tpu.memory_space<vmem_shared>>) offsets(%dma_start3A_117 : memref<128xi32, #tpu.memory_space<vmem>>) semaphore(%run_scoped3A : memref<!tpu.dma_semaphore, #tpu.memory_space<semaphore_mem>>) {add = true}
        %dma_wait3A_121 = arith.constant 0 : i32
        %dma_wait3A_122 = tpu.memref_slice %arg10[%add3A_79, %dma_wait3A_121] : memref<40x128xi32, #tpu.memory_space<vmem>> -> memref<1x128xi32, #tpu.memory_space<vmem>>
        %dma_wait3A_123 = tpu.memref_squeeze %dma_wait3A_122 : memref<1x128xi32, #tpu.memory_space<vmem>> -> memref<128xi32, #tpu.memory_space<vmem>>
        %dma_wait3A_124 = arith.constant 0 : i32
        %dma_wait3A_125 = arith.constant 0 : i32
        %dma_wait3A_126 = tpu.memref_slice %arg13[%dma_wait3A_124, %dma_wait3A_125] : memref<10240x128xf32, #tpu.memory_space<vmem_shared>> -> memref<10240x128xf32, #tpu.memory_space<vmem_shared>>
        tpu.wait_indirect_dma semaphore(%run_scoped3A : memref<!tpu.dma_semaphore, #tpu.memory_space<semaphore_mem>>) src(%arg11 : memref<128x128xf32, #tpu.memory_space<vmem>>) dst(%dma_wait3A_126 : memref<10240x128xf32, #tpu.memory_space<vmem_shared>>)
        tpu.yield
      }) : () -> ()
      %mul3A_95 = arith.constant 2 : i32
      %mul3A_96 = arith.muli %scan3A_75, %mul3A_95 : i32
      %add3A_97 = arith.constant 1 : i32
      %add3A_98 = arith.addi %mul3A_96, %add3A_97 : i32
      %add3A_99 = arith.constant 1 : i32
      %add3A_100 = arith.addi %add3A_98, %add3A_99 : i32
      %lt3A_101 = arith.constant 40 : i32
      %lt3A_102 = arith.cmpi slt, %add3A_100, %lt3A_101 : i32
      %convert_element_type3A_103 = arith.extui %lt3A_102 : i1 to i32
      %cond3A_104 = arith.constant 0 : i32
      %cond3A_105 = arith.cmpi ne, %convert_element_type3A_103, %cond3A_104 : i32
      scf.if %cond3A_105 {
        %mul3A_115 = arith.constant 5120 : i32
        %mul3A_116 = arith.muli %add3A, %mul3A_115 : i32
        %add3A_117 = arith.constant 1 : i32
        %add3A_118 = arith.addi %add3A_98, %add3A_117 : i32
        %mul3A_119 = arith.constant 128 : i32
        %mul3A_120 = arith.muli %add3A_118, %mul3A_119 : i32
        %add3A_121 = arith.addi %mul3A_116, %mul3A_120 : i32
        %dma_start3A_122 = arith.constant 0 : i32
        %dma_start3A_123 = tpu.memref_slice %arg4[%add3A_121, %dma_start3A_122] : memref<163840x128xf32, #tpu.memory_space<hbm>> -> memref<128x128xf32, #tpu.memory_space<hbm>>
        %dma_start3A_124 = arith.constant 0 : i32
        %dma_start3A_125 = tpu.memref_slice %arg4[%add3A_121, %dma_start3A_124] : memref<163840x128xf32, #tpu.memory_space<hbm>> -> memref<128x128xf32, #tpu.memory_space<hbm>>
        tpu.enqueue_dma source(%dma_start3A_125 : memref<128x128xf32, #tpu.memory_space<hbm>>) target(%arg11 : memref<128x128xf32, #tpu.memory_space<vmem>>) target_semaphore(%arg14 : memref<!tpu.dma_semaphore, #tpu.memory_space<semaphore_mem>>)
      } else {
      }
      %mul3A_106 = arith.constant 5120 : i32
      %mul3A_107 = arith.muli %add3A, %mul3A_106 : i32
      %mul3A_108 = arith.constant 128 : i32
      %mul3A_109 = arith.muli %add3A_98, %mul3A_108 : i32
      %add3A_110 = arith.addi %mul3A_107, %mul3A_109 : i32
      %dma_wait3A_111 = arith.constant 0 : i32
      %dma_wait3A_112 = tpu.memref_slice %arg4[%add3A_110, %dma_wait3A_111] : memref<163840x128xf32, #tpu.memory_space<hbm>> -> memref<128x128xf32, #tpu.memory_space<hbm>>
      %dma_wait3A_113 = arith.constant 0 : i32
      %dma_wait3A_114 = tpu.memref_slice %arg4[%add3A_110, %dma_wait3A_113] : memref<163840x128xf32, #tpu.memory_space<hbm>> -> memref<128x128xf32, #tpu.memory_space<hbm>>
      tpu.wait_dma2 semaphore(%arg15 : memref<!tpu.dma_semaphore, #tpu.memory_space<semaphore_mem>>) src(%dma_wait3A_114 : memref<128x128xf32, #tpu.memory_space<hbm>>) dst(%arg12 : memref<128x128xf32, #tpu.memory_space<vmem>>)
      "tpu.region"() ({
        %run_scoped3A = tpu.sem_alloc : memref<!tpu.dma_semaphore, #tpu.memory_space<semaphore_mem>>
        %dma_start3A_115 = arith.constant 0 : i32
        %dma_start3A_116 = tpu.memref_slice %arg10[%add3A_98, %dma_start3A_115] : memref<40x128xi32, #tpu.memory_space<vmem>> -> memref<1x128xi32, #tpu.memory_space<vmem>>
        %dma_start3A_117 = tpu.memref_squeeze %dma_start3A_116 : memref<1x128xi32, #tpu.memory_space<vmem>> -> memref<128xi32, #tpu.memory_space<vmem>>
        %dma_start3A_118 = arith.constant 0 : i32
        %dma_start3A_119 = arith.constant 0 : i32
        %dma_start3A_120 = tpu.memref_slice %arg13[%dma_start3A_118, %dma_start3A_119] : memref<10240x128xf32, #tpu.memory_space<vmem_shared>> -> memref<10240x128xf32, #tpu.memory_space<vmem_shared>>
        tpu.enqueue_indirect_dma source(%arg12 : memref<128x128xf32, #tpu.memory_space<vmem>>) target(%dma_start3A_120 : memref<10240x128xf32, #tpu.memory_space<vmem_shared>>) offsets(%dma_start3A_117 : memref<128xi32, #tpu.memory_space<vmem>>) semaphore(%run_scoped3A : memref<!tpu.dma_semaphore, #tpu.memory_space<semaphore_mem>>) {add = true}
        %dma_wait3A_121 = arith.constant 0 : i32
        %dma_wait3A_122 = tpu.memref_slice %arg10[%add3A_98, %dma_wait3A_121] : memref<40x128xi32, #tpu.memory_space<vmem>> -> memref<1x128xi32, #tpu.memory_space<vmem>>
        %dma_wait3A_123 = tpu.memref_squeeze %dma_wait3A_122 : memref<1x128xi32, #tpu.memory_space<vmem>> -> memref<128xi32, #tpu.memory_space<vmem>>
        %dma_wait3A_124 = arith.constant 0 : i32
        %dma_wait3A_125 = arith.constant 0 : i32
        %dma_wait3A_126 = tpu.memref_slice %arg13[%dma_wait3A_124, %dma_wait3A_125] : memref<10240x128xf32, #tpu.memory_space<vmem_shared>> -> memref<10240x128xf32, #tpu.memory_space<vmem_shared>>
        tpu.wait_indirect_dma semaphore(%run_scoped3A : memref<!tpu.dma_semaphore, #tpu.memory_space<semaphore_mem>>) src(%arg12 : memref<128x128xf32, #tpu.memory_space<vmem>>) dst(%dma_wait3A_126 : memref<10240x128xf32, #tpu.memory_space<vmem_shared>>)
        tpu.yield
      }) : () -> ()
    }
    %scan3A_62 = arith.constant 20 : i32
    %barrier3A_63 = arith.constant 0 : index
    tpu.barrier barrier_id(%barrier3A_63)
    %lt3A_64 = arith.constant 15 : i32
    %lt3A_65 = arith.cmpi slt, %arg1, %lt3A_64 : i32
    %convert_element_type3A_66 = arith.extui %lt3A_65 : i1 to i32
    %cond3A_67 = arith.constant 0 : i32
    %cond3A_68 = arith.cmpi ne, %convert_element_type3A_66, %cond3A_67 : i32
    scf.if %cond3A_68 {
      %mul3A_75 = arith.constant 640 : i32
      %mul3A_76 = arith.muli %arg1, %mul3A_75 : i32
      %mul3A_77 = arith.constant 640 : i32
      %mul3A_78 = arith.muli %arg1, %mul3A_77 : i32
      "tpu.region"() ({
        %run_scoped3A = tpu.sem_alloc : memref<!tpu.dma_semaphore, #tpu.memory_space<semaphore_mem>>
        %dma_start3A_79 = arith.constant 0 : i32
        %dma_start3A_80 = tpu.memref_slice %arg9[%arg0, %mul3A_78, %dma_start3A_79] : memref<2x10000x128xf32, #tpu.memory_space<hbm>> -> memref<1x640x128xf32, #tpu.memory_space<hbm>>
        %dma_start3A_81 = tpu.memref_squeeze %dma_start3A_80 : memref<1x640x128xf32, #tpu.memory_space<hbm>> -> memref<640x128xf32, #tpu.memory_space<hbm>>
        %dma_start3A_82 = arith.constant 0 : i32
        %dma_start3A_83 = tpu.memref_slice %arg13[%mul3A_76, %dma_start3A_82] : memref<10240x128xf32, #tpu.memory_space<vmem_shared>> -> memref<640x128xf32, #tpu.memory_space<vmem_shared>>
        tpu.enqueue_dma source(%dma_start3A_83 : memref<640x128xf32, #tpu.memory_space<vmem_shared>>) target(%dma_start3A_81 : memref<640x128xf32, #tpu.memory_space<hbm>>) target_semaphore(%run_scoped3A : memref<!tpu.dma_semaphore, #tpu.memory_space<semaphore_mem>>)
        %dma_wait3A = arith.constant 0 : i32
        %dma_wait3A_84 = tpu.memref_slice %arg9[%arg0, %mul3A_78, %dma_wait3A] : memref<2x10000x128xf32, #tpu.memory_space<hbm>> -> memref<1x640x128xf32, #tpu.memory_space<hbm>>
        %dma_wait3A_85 = tpu.memref_squeeze %dma_wait3A_84 : memref<1x640x128xf32, #tpu.memory_space<hbm>> -> memref<640x128xf32, #tpu.memory_space<hbm>>
        %dma_wait3A_86 = arith.constant 0 : i32
        %dma_wait3A_87 = tpu.memref_slice %arg13[%mul3A_76, %dma_wait3A_86] : memref<10240x128xf32, #tpu.memory_space<vmem_shared>> -> memref<640x128xf32, #tpu.memory_space<vmem_shared>>
        tpu.wait_dma2 semaphore(%run_scoped3A : memref<!tpu.dma_semaphore, #tpu.memory_space<semaphore_mem>>) src(%dma_wait3A_87 : memref<640x128xf32, #tpu.memory_space<vmem_shared>>) dst(%dma_wait3A_85 : memref<640x128xf32, #tpu.memory_space<hbm>>)
        tpu.yield
      }) : () -> ()
    } else {
    }
    %eq3A_69 = arith.constant 15 : i32
    %eq3A_70 = arith.cmpi eq, %arg1, %eq3A_69 : i32
    %convert_element_type3A_71 = arith.extui %eq3A_70 : i1 to i32
    %cond3A_72 = arith.constant 0 : i32
    %cond3A_73 = arith.cmpi ne, %convert_element_type3A_71, %cond3A_72 : i32
    scf.if %cond3A_73 {
      "tpu.region"() ({
        %run_scoped3A = tpu.sem_alloc : memref<!tpu.dma_semaphore, #tpu.memory_space<semaphore_mem>>
        %dma_start3A_75 = arith.constant 9600 : i32
        %dma_start3A_76 = arith.constant 0 : i32
        %dma_start3A_77 = tpu.memref_slice %arg9[%arg0, %dma_start3A_75, %dma_start3A_76] : memref<2x10000x128xf32, #tpu.memory_space<hbm>> -> memref<1x400x128xf32, #tpu.memory_space<hbm>>
        %dma_start3A_78 = tpu.memref_squeeze %dma_start3A_77 : memref<1x400x128xf32, #tpu.memory_space<hbm>> -> memref<400x128xf32, #tpu.memory_space<hbm>>
        %dma_start3A_79 = arith.constant 9600 : i32
        %dma_start3A_80 = arith.constant 0 : i32
        %dma_start3A_81 = tpu.memref_slice %arg13[%dma_start3A_79, %dma_start3A_80] : memref<10240x128xf32, #tpu.memory_space<vmem_shared>> -> memref<400x128xf32, #tpu.memory_space<vmem_shared>>
        tpu.enqueue_dma source(%dma_start3A_81 : memref<400x128xf32, #tpu.memory_space<vmem_shared>>) target(%dma_start3A_78 : memref<400x128xf32, #tpu.memory_space<hbm>>) target_semaphore(%run_scoped3A : memref<!tpu.dma_semaphore, #tpu.memory_space<semaphore_mem>>)
        %dma_wait3A = arith.constant 9600 : i32
        %dma_wait3A_82 = arith.constant 0 : i32
        %dma_wait3A_83 = tpu.memref_slice %arg9[%arg0, %dma_wait3A, %dma_wait3A_82] : memref<2x10000x128xf32, #tpu.memory_space<hbm>> -> memref<1x400x128xf32, #tpu.memory_space<hbm>>
        %dma_wait3A_84 = tpu.memref_squeeze %dma_wait3A_83 : memref<1x400x128xf32, #tpu.memory_space<hbm>> -> memref<400x128xf32, #tpu.memory_space<hbm>>
        %dma_wait3A_85 = arith.constant 9600 : i32
        %dma_wait3A_86 = arith.constant 0 : i32
        %dma_wait3A_87 = tpu.memref_slice %arg13[%dma_wait3A_85, %dma_wait3A_86] : memref<10240x128xf32, #tpu.memory_space<vmem_shared>> -> memref<400x128xf32, #tpu.memory_space<vmem_shared>>
        tpu.wait_dma2 semaphore(%run_scoped3A : memref<!tpu.dma_semaphore, #tpu.memory_space<semaphore_mem>>) src(%dma_wait3A_87 : memref<400x128xf32, #tpu.memory_space<vmem_shared>>) dst(%dma_wait3A_84 : memref<400x128xf32, #tpu.memory_space<hbm>>)
        tpu.yield
      }) : () -> ()
    } else {
    }
    %barrier3A_74 = arith.constant 0 : index
    tpu.barrier barrier_id(%barrier3A_74)
    return
  }
}

module attributes {stable_mosaic.version = 14 : i64} {
  func.func @_proj_body(%arg0: i32, %arg1: memref<1000x256xf32, #tpu.memory_space<vmem>>, %arg2: memref<256x256xf32, #tpu.memory_space<vmem>>, %arg3: memref<1x256xf32, #tpu.memory_space<vmem>>, %arg4: memref<256x256xf32, #tpu.memory_space<vmem>>, %arg5: memref<256x256xf32, #tpu.memory_space<vmem>>, %arg6: memref<1000x256xf32, #tpu.memory_space<vmem>>, %arg7: memref<1000x256xi32, #tpu.memory_space<vmem>>) attributes {dimension_semantics = [#tpu.dimension_semantics<arbitrary>], iteration_bounds = array<i64: 10>, scalar_prefetch = 0 : i64, scratch_operands = 0 : i64, tpu.core_type = #tpu.core_type<tc>, window_params = [{transform_indices = @transform_0, window_bounds = array<i64: 1000, 256>}, {pipeline_mode = #tpu.pipeline_mode<synchronous>, transform_indices = @transform_1, window_bounds = array<i64: 256, 256>}, {pipeline_mode = #tpu.pipeline_mode<synchronous>, transform_indices = @transform_2, window_bounds = array<i64: 1, 256>}, {pipeline_mode = #tpu.pipeline_mode<synchronous>, transform_indices = @transform_3, window_bounds = array<i64: 256, 256>}, {pipeline_mode = #tpu.pipeline_mode<synchronous>, transform_indices = @transform_4, window_bounds = array<i64: 256, 256>}, {transform_indices = @transform_5, window_bounds = array<i64: 1000, 256>}, {transform_indices = @transform_6, window_bounds = array<i64: 1000, 256>}]} {
    %get3A = arith.constant 0 : index
    %get3A_0 = arith.constant 0 : index
    %get3A_1 = vector.load %arg1[%get3A, %get3A_0] : memref<1000x256xf32, #tpu.memory_space<vmem>>, vector<1000x256xf32>
    %get3A_2 = arith.constant 0 : index
    %get3A_3 = arith.constant 0 : index
    %get3A_4 = vector.load %arg2[%get3A_2, %get3A_3] : memref<256x256xf32, #tpu.memory_space<vmem>>, vector<256x256xf32>
    %dot_general3A = arith.constant dense<0.000000e+00> : vector<1000x256xf32>
    %dot_general3A_5 = tpu.matmul %get3A_1, %get3A_4, %dot_general3A {dimension_numbers = #tpu.dot_dimension_numbers<[1], [0], [0], [1], [0, 0, 1, 1], [], []>, transpose_lhs_hint = false} : vector<1000x256xf32>, vector<256x256xf32>, vector<1000x256xf32> -> vector<1000x256xf32>
    %get3A_6 = arith.constant 0 : index
    %get3A_7 = arith.constant 0 : index
    %get3A_8 = vector.load %arg3[%get3A_6, %get3A_7] : memref<1x256xf32, #tpu.memory_space<vmem>>, vector<1x256xf32>
    %add3A = vector.broadcast %get3A_8 : vector<1x256xf32> to vector<1000x256xf32>
    %add3A_9 = arith.addf %dot_general3A_5, %add3A : vector<1000x256xf32>
    %swap3A = arith.constant 0 : index
    %swap3A_10 = arith.constant 0 : index
    %swap3A_11 = vector.load %arg6[%swap3A, %swap3A_10] : memref<1000x256xf32, #tpu.memory_space<vmem>>, vector<1000x256xf32>
    tpu.vector_store %arg6[%swap3A, %swap3A_10], %add3A_9 {strides = array<i32>} : memref<1000x256xf32, #tpu.memory_space<vmem>>, vector<1000x256xf32>,
    %get3A_12 = arith.constant 0 : index
    %get3A_13 = arith.constant 0 : index
    %get3A_14 = vector.load %arg4[%get3A_12, %get3A_13] : memref<256x256xf32, #tpu.memory_space<vmem>>, vector<256x256xf32>
    %dot_general3A_15 = arith.constant dense<0.000000e+00> : vector<1000x256xf32>
    %dot_general3A_16 = tpu.matmul %get3A_1, %get3A_14, %dot_general3A_15 {dimension_numbers = #tpu.dot_dimension_numbers<[1], [0], [0], [1], [0, 0, 1, 1], [], []>, transpose_lhs_hint = false} : vector<1000x256xf32>, vector<256x256xf32>, vector<1000x256xf32> -> vector<1000x256xf32>
    %bitcast_convert_type3A = tpu.bitcast %dot_general3A_16 : vector<1000x256xf32> -> vector<1000x256xi32>
    %add3A_17 = arith.constant 32767 : i32
    %add3A_18 = vector.broadcast %add3A_17 : i32 to vector<1000x256xi32>
    %add3A_19 = arith.addi %bitcast_convert_type3A, %add3A_18 : vector<1000x256xi32>
    %shift_right_logical3A = arith.constant 16 : i32
    %shift_right_logical3A_20 = vector.broadcast %shift_right_logical3A : i32 to vector<1000x256xi32>
    %shift_right_logical3A_21 = arith.shrui %bitcast_convert_type3A, %shift_right_logical3A_20 : vector<1000x256xi32>
    %and3A = arith.constant 1 : i32
    %and3A_22 = vector.broadcast %and3A : i32 to vector<1000x256xi32>
    %and3A_23 = arith.andi %shift_right_logical3A_21, %and3A_22 : vector<1000x256xi32>
    %add3A_24 = arith.addi %add3A_19, %and3A_23 : vector<1000x256xi32>
    %shift_right_logical3A_25 = arith.constant 16 : i32
    %shift_right_logical3A_26 = vector.broadcast %shift_right_logical3A_25 : i32 to vector<1000x256xi32>
    %shift_right_logical3A_27 = arith.shrui %add3A_24, %shift_right_logical3A_26 : vector<1000x256xi32>
    %get3A_28 = arith.constant 0 : index
    %get3A_29 = arith.constant 0 : index
    %get3A_30 = vector.load %arg5[%get3A_28, %get3A_29] : memref<256x256xf32, #tpu.memory_space<vmem>>, vector<256x256xf32>
    %dot_general3A_31 = arith.constant dense<0.000000e+00> : vector<1000x256xf32>
    %dot_general3A_32 = tpu.matmul %get3A_1, %get3A_30, %dot_general3A_31 {dimension_numbers = #tpu.dot_dimension_numbers<[1], [0], [0], [1], [0, 0, 1, 1], [], []>, transpose_lhs_hint = false} : vector<1000x256xf32>, vector<256x256xf32>, vector<1000x256xf32> -> vector<1000x256xf32>
    %bitcast_convert_type3A_33 = tpu.bitcast %dot_general3A_32 : vector<1000x256xf32> -> vector<1000x256xi32>
    %add3A_34 = arith.constant 32767 : i32
    %add3A_35 = vector.broadcast %add3A_34 : i32 to vector<1000x256xi32>
    %add3A_36 = arith.addi %bitcast_convert_type3A_33, %add3A_35 : vector<1000x256xi32>
    %shift_right_logical3A_37 = arith.constant 16 : i32
    %shift_right_logical3A_38 = vector.broadcast %shift_right_logical3A_37 : i32 to vector<1000x256xi32>
    %shift_right_logical3A_39 = arith.shrui %bitcast_convert_type3A_33, %shift_right_logical3A_38 : vector<1000x256xi32>
    %and3A_40 = arith.constant 1 : i32
    %and3A_41 = vector.broadcast %and3A_40 : i32 to vector<1000x256xi32>
    %and3A_42 = arith.andi %shift_right_logical3A_39, %and3A_41 : vector<1000x256xi32>
    %add3A_43 = arith.addi %add3A_36, %and3A_42 : vector<1000x256xi32>
    %shift_right_logical3A_44 = arith.constant 16 : i32
    %shift_right_logical3A_45 = vector.broadcast %shift_right_logical3A_44 : i32 to vector<1000x256xi32>
    %shift_right_logical3A_46 = arith.shrui %add3A_43, %shift_right_logical3A_45 : vector<1000x256xi32>
    %shift_left3A = arith.constant 16 : i32
    %shift_left3A_47 = vector.broadcast %shift_left3A : i32 to vector<1000x256xi32>
    %shift_left3A_48 = arith.shli %shift_right_logical3A_46, %shift_left3A_47 : vector<1000x256xi32>
    %or3A = arith.ori %shift_right_logical3A_27, %shift_left3A_48 : vector<1000x256xi32>
    %bitcast_convert_type3A_49 = tpu.bitcast %or3A : vector<1000x256xi32> -> vector<1000x256xi32>
    %swap3A_50 = arith.constant 0 : index
    %swap3A_51 = arith.constant 0 : index
    %swap3A_52 = vector.load %arg7[%swap3A_50, %swap3A_51] : memref<1000x256xi32, #tpu.memory_space<vmem>>, vector<1000x256xi32>
    tpu.vector_store %arg7[%swap3A_50, %swap3A_51], %bitcast_convert_type3A_49 {strides = array<i32>} : memref<1000x256xi32, #tpu.memory_space<vmem>>, vector<1000x256xi32>,
    return
  }
  func.func @transform_0(%arg0: i32) -> (i32, i32) {
    %c0_i32 = arith.constant 0 : i32
    %c0_i32_0 = arith.constant 0 : i32
    return %arg0, %c0_i32 : i32, i32
  }
  func.func @transform_1(%arg0: i32) -> (i32, i32) {
    %c0_i32 = arith.constant 0 : i32
    %c0_i32_0 = arith.constant 0 : i32
    %c0_i32_1 = arith.constant 0 : i32
    return %c0_i32, %c0_i32_0 : i32, i32
  }
  func.func @transform_2(%arg0: i32) -> (i32, i32) {
    %c0_i32 = arith.constant 0 : i32
    %c0_i32_0 = arith.constant 0 : i32
    %c0_i32_1 = arith.constant 0 : i32
    return %c0_i32, %c0_i32_0 : i32, i32
  }
  func.func @transform_3(%arg0: i32) -> (i32, i32) {
    %c0_i32 = arith.constant 0 : i32
    %c0_i32_0 = arith.constant 0 : i32
    %c0_i32_1 = arith.constant 0 : i32
    return %c0_i32, %c0_i32_0 : i32, i32
  }
  func.func @transform_4(%arg0: i32) -> (i32, i32) {
    %c0_i32 = arith.constant 0 : i32
    %c0_i32_0 = arith.constant 0 : i32
    %c0_i32_1 = arith.constant 0 : i32
    return %c0_i32, %c0_i32_0 : i32, i32
  }
  func.func @transform_5(%arg0: i32) -> (i32, i32) {
    %c0_i32 = arith.constant 0 : i32
    %c0_i32_0 = arith.constant 0 : i32
    return %arg0, %c0_i32 : i32, i32
  }
  func.func @transform_6(%arg0: i32) -> (i32, i32) {
    %c0_i32 = arith.constant 0 : i32
    %c0_i32_0 = arith.constant 0 : i32
    return %arg0, %c0_i32 : i32, i32
  }
}

module attributes {stable_mosaic.version = 14 : i64} {
  func.func @_edge_body(%arg0: i32, %arg1: memref<2000x256xf32, #tpu.memory_space<vmem>>, %arg2: memref<2000x256xi32, #tpu.memory_space<vmem>>, %arg3: memref<2000x256xf32, #tpu.memory_space<vmem>>, %arg4: memref<256x512xf32, #tpu.memory_space<vmem>>, %arg5: memref<1x512xf32, #tpu.memory_space<vmem>>, %arg6: memref<256x256xf32, #tpu.memory_space<vmem>>, %arg7: memref<1x256xf32, #tpu.memory_space<vmem>>, %arg8: memref<256x8xf32, #tpu.memory_space<vmem>>, %arg9: memref<8x256xf32, #tpu.memory_space<vmem>>, %arg10: memref<2000x256xbf16, #tpu.memory_space<vmem>>, %arg11: memref<2000x128xf32, #tpu.memory_space<vmem>>, %arg12: memref<2000x128xf32, #tpu.memory_space<vmem>>, %arg13: memref<2000x128xf32, #tpu.memory_space<vmem>>, %arg14: memref<2x256xf32, #tpu.memory_space<vmem>>) attributes {dimension_semantics = [#tpu.dimension_semantics<arbitrary>], iteration_bounds = array<i64: 80>, scalar_prefetch = 0 : i64, scratch_operands = 0 : i64, tpu.core_type = #tpu.core_type<tc>, window_params = [{transform_indices = @transform_0, window_bounds = array<i64: 2000, 256>}, {transform_indices = @transform_1, window_bounds = array<i64: 2000, 256>}, {transform_indices = @transform_2, window_bounds = array<i64: 2000, 256>}, {pipeline_mode = #tpu.pipeline_mode<synchronous>, transform_indices = @transform_3, window_bounds = array<i64: 256, 512>}, {pipeline_mode = #tpu.pipeline_mode<synchronous>, transform_indices = @transform_4, window_bounds = array<i64: 1, 512>}, {pipeline_mode = #tpu.pipeline_mode<synchronous>, transform_indices = @transform_5, window_bounds = array<i64: 256, 256>}, {pipeline_mode = #tpu.pipeline_mode<synchronous>, transform_indices = @transform_6, window_bounds = array<i64: 1, 256>}, {pipeline_mode = #tpu.pipeline_mode<synchronous>, transform_indices = @transform_7, window_bounds = array<i64: 256, 8>}, {pipeline_mode = #tpu.pipeline_mode<synchronous>, transform_indices = @transform_8, window_bounds = array<i64: 8, 256>}, {transform_indices = @transform_9, window_bounds = array<i64: 2000, 256>}, {transform_indices = @transform_10, window_bounds = array<i64: 2000, 128>}, {transform_indices = @transform_11, window_bounds = array<i64: 2000, 128>}, {transform_indices = @transform_12, window_bounds = array<i64: 2000, 128>}, {pipeline_mode = #tpu.pipeline_mode<synchronous>, transform_indices = @transform_13, window_bounds = array<i64: 2, 256>}]} {
    %get3A = arith.constant 0 : index
    %get3A_0 = arith.constant 0 : index
    %get3A_1 = vector.load %arg1[%get3A, %get3A_0] : memref<2000x256xf32, #tpu.memory_space<vmem>>, vector<2000x256xf32>
    %get3A_2 = arith.constant 0 : index
    %get3A_3 = arith.constant 0 : index
    %get3A_4 = vector.load %arg2[%get3A_2, %get3A_3] : memref<2000x256xi32, #tpu.memory_space<vmem>>, vector<2000x256xi32>
    %get3A_5 = arith.constant 0 : index
    %get3A_6 = arith.constant 0 : index
    %get3A_7 = vector.load %arg4[%get3A_5, %get3A_6] : memref<256x512xf32, #tpu.memory_space<vmem>>, vector<256x512xf32>
    %dot_general3A = arith.constant dense<0.000000e+00> : vector<2000x512xf32>
    %dot_general3A_8 = tpu.matmul %get3A_1, %get3A_7, %dot_general3A {dimension_numbers = #tpu.dot_dimension_numbers<[1], [0], [0], [1], [0, 0, 1, 1], [], []>, transpose_lhs_hint = false} : vector<2000x256xf32>, vector<256x512xf32>, vector<2000x512xf32> -> vector<2000x512xf32>
    %get3A_9 = arith.constant 0 : index
    %get3A_10 = arith.constant 0 : index
    %get3A_11 = vector.load %arg5[%get3A_9, %get3A_10] : memref<1x512xf32, #tpu.memory_space<vmem>>, vector<1x512xf32>
    %add3A = vector.broadcast %get3A_11 : vector<1x512xf32> to vector<2000x512xf32>
    %add3A_12 = arith.addf %dot_general3A_8, %add3A : vector<2000x512xf32>
    %bitcast_convert_type3A = tpu.bitcast %get3A_4 : vector<2000x256xi32> -> vector<2000x256xi32>
    %shift_left3A = arith.constant 16 : i32
    %shift_left3A_13 = vector.broadcast %shift_left3A : i32 to vector<2000x256xi32>
    %shift_left3A_14 = arith.shli %bitcast_convert_type3A, %shift_left3A_13 : vector<2000x256xi32>
    %bitcast_convert_type3A_15 = tpu.bitcast %shift_left3A_14 : vector<2000x256xi32> -> vector<2000x256xf32>
    %get3A_16 = arith.constant 0 : index
    %get3A_17 = arith.constant 0 : index
    %get3A_18 = vector.load %arg3[%get3A_16, %get3A_17] : memref<2000x256xf32, #tpu.memory_space<vmem>>, vector<2000x256xf32>
    %mul3A = arith.mulf %bitcast_convert_type3A_15, %get3A_18 : vector<2000x256xf32>
    %slice3A = vector.extract_strided_slice %add3A_12 {offsets = [0, 0], sizes = [2000, 256], strides = [1, 1]} : vector<2000x512xf32> to vector<2000x256xf32>
    %mul3A_19 = arith.mulf %mul3A, %slice3A : vector<2000x256xf32>
    %slice3A_20 = vector.extract_strided_slice %add3A_12 {offsets = [0, 256], sizes = [2000, 256], strides = [1, 1]} : vector<2000x512xf32> to vector<2000x256xf32>
    %add3A_21 = arith.addf %mul3A_19, %slice3A_20 : vector<2000x256xf32>
    %get3A_22 = arith.constant 0 : index
    %get3A_23 = arith.constant 0 : index
    %get3A_24 = vector.load %arg8[%get3A_22, %get3A_23] : memref<256x8xf32, #tpu.memory_space<vmem>>, vector<256x8xf32>
    %dot_general3A_25 = arith.constant dense<0.000000e+00> : vector<2000x8xf32>
    %dot_general3A_26 = tpu.matmul %add3A_21, %get3A_24, %dot_general3A_25 {dimension_numbers = #tpu.dot_dimension_numbers<[1], [0], [0], [1], [0, 0, 1, 1], [], []>, transpose_lhs_hint = false} : vector<2000x256xf32>, vector<256x8xf32>, vector<2000x8xf32> -> vector<2000x8xf32>
    %jit3A = arith.constant -5.000000e+00 : f32
    %jit3A_27 = arith.constant 5.000000e+00 : f32
    %max3A = vector.broadcast %jit3A : f32 to vector<2000x8xf32>
    %max3A_28 = arith.maximumf %max3A, %dot_general3A_26 : vector<2000x8xf32>
    %min3A = vector.broadcast %jit3A_27 : f32 to vector<2000x8xf32>
    %min3A_29 = arith.minimumf %min3A, %max3A_28 : vector<2000x8xf32>
    %exp3A = math.exp %min3A_29 : vector<2000x8xf32>
    %get3A_30 = arith.constant 0 : index
    %get3A_31 = arith.constant 0 : index
    %get3A_32 = vector.load %arg9[%get3A_30, %get3A_31] : memref<8x256xf32, #tpu.memory_space<vmem>>, vector<8x256xf32>
    %dot_general3A_33 = arith.constant dense<0.000000e+00> : vector<2000x256xf32>
    %dot_general3A_34 = tpu.matmul %exp3A, %get3A_32, %dot_general3A_33 {dimension_numbers = #tpu.dot_dimension_numbers<[1], [0], [0], [1], [0, 0, 1, 1], [], []>, transpose_lhs_hint = false} : vector<2000x8xf32>, vector<8x256xf32>, vector<2000x256xf32> -> vector<2000x256xf32>
    %bitcast_convert_type3A_35 = tpu.bitcast %get3A_4 : vector<2000x256xi32> -> vector<2000x256xi32>
    %and3A = arith.constant -65536 : i32
    %and3A_36 = vector.broadcast %and3A : i32 to vector<2000x256xi32>
    %and3A_37 = arith.andi %bitcast_convert_type3A_35, %and3A_36 : vector<2000x256xi32>
    %bitcast_convert_type3A_38 = tpu.bitcast %and3A_37 : vector<2000x256xi32> -> vector<2000x256xf32>
    %add3A_39 = arith.addf %bitcast_convert_type3A_38, %add3A_21 : vector<2000x256xf32>
    %mul3A_40 = arith.mulf %add3A_39, %dot_general3A_34 : vector<2000x256xf32>
    %slice3A_41 = vector.extract_strided_slice %mul3A_40 {offsets = [0, 0], sizes = [2000, 128], strides = [1, 1]} : vector<2000x256xf32> to vector<2000x128xf32>
    %swap3A = arith.constant 0 : index
    %swap3A_42 = arith.constant 0 : index
    %swap3A_43 = vector.load %arg11[%swap3A, %swap3A_42] : memref<2000x128xf32, #tpu.memory_space<vmem>>, vector<2000x128xf32>
    tpu.vector_store %arg11[%swap3A, %swap3A_42], %slice3A_41 {strides = array<i32>} : memref<2000x128xf32, #tpu.memory_space<vmem>>, vector<2000x128xf32>,
    %slice3A_44 = vector.extract_strided_slice %mul3A_40 {offsets = [0, 128], sizes = [2000, 128], strides = [1, 1]} : vector<2000x256xf32> to vector<2000x128xf32>
    %swap3A_45 = arith.constant 0 : index
    %swap3A_46 = arith.constant 0 : index
    %swap3A_47 = vector.load %arg12[%swap3A_45, %swap3A_46] : memref<2000x128xf32, #tpu.memory_space<vmem>>, vector<2000x128xf32>
    tpu.vector_store %arg12[%swap3A_45, %swap3A_46], %slice3A_44 {strides = array<i32>} : memref<2000x128xf32, #tpu.memory_space<vmem>>, vector<2000x128xf32>,
    %jit3A_48 = arith.constant 0 : i32
    %convert_element_type3A = arith.sitofp %jit3A_48 : i32 to f32
    %pad3A = vector.broadcast %convert_element_type3A : f32 to vector<2000x120xf32>
    %pad3A_49 = tpu.concatenate %exp3A, %pad3A in 1 : vector<2000x8xf32>, vector<2000x120xf32> -> vector<2000x128xf32>
    %swap3A_50 = arith.constant 0 : index
    %swap3A_51 = arith.constant 0 : index
    %swap3A_52 = vector.load %arg13[%swap3A_50, %swap3A_51] : memref<2000x128xf32, #tpu.memory_space<vmem>>, vector<2000x128xf32>
    tpu.vector_store %arg13[%swap3A_50, %swap3A_51], %pad3A_49 {strides = array<i32>} : memref<2000x128xf32, #tpu.memory_space<vmem>>, vector<2000x128xf32>,
    %get3A_53 = arith.constant 0 : index
    %get3A_54 = arith.constant 0 : index
    %get3A_55 = vector.load %arg6[%get3A_53, %get3A_54] : memref<256x256xf32, #tpu.memory_space<vmem>>, vector<256x256xf32>
    %dot_general3A_56 = arith.constant dense<0.000000e+00> : vector<2000x256xf32>
    %dot_general3A_57 = tpu.matmul %add3A_21, %get3A_55, %dot_general3A_56 {dimension_numbers = #tpu.dot_dimension_numbers<[1], [0], [0], [1], [0, 0, 1, 1], [], []>, transpose_lhs_hint = false} : vector<2000x256xf32>, vector<256x256xf32>, vector<2000x256xf32> -> vector<2000x256xf32>
    %add3A_58 = arith.addf %get3A_1, %dot_general3A_57 : vector<2000x256xf32>
    %get3A_59 = arith.constant 0 : index
    %get3A_60 = arith.constant 0 : index
    %get3A_61 = vector.load %arg7[%get3A_59, %get3A_60] : memref<1x256xf32, #tpu.memory_space<vmem>>, vector<1x256xf32>
    %add3A_62 = vector.broadcast %get3A_61 : vector<1x256xf32> to vector<2000x256xf32>
    %add3A_63 = arith.addf %add3A_58, %add3A_62 : vector<2000x256xf32>
    %convert_element_type3A_64 = arith.truncf %add3A_63 : vector<2000x256xf32> to vector<2000x256xbf16>
    %swap3A_65 = arith.constant 0 : index
    %swap3A_66 = arith.constant 0 : index
    %swap3A_67 = vector.load %arg10[%swap3A_65, %swap3A_66] : memref<2000x256xbf16, #tpu.memory_space<vmem>>, vector<2000x256xbf16>
    tpu.vector_store %arg10[%swap3A_65, %swap3A_66], %convert_element_type3A_64 {strides = array<i32>} : memref<2000x256xbf16, #tpu.memory_space<vmem>>, vector<2000x256xbf16>,
    %eq3A = arith.constant 0 : i32
    %eq3A_68 = arith.cmpi eq, %arg0, %eq3A : i32
    %convert_element_type3A_69 = arith.extui %eq3A_68 : i1 to i32
    %cond3A = arith.constant 0 : i32
    %cond3A_70 = arith.cmpi ne, %convert_element_type3A_69, %cond3A : i32
    scf.if %cond3A_70 {
      %broadcast_in_dim3A = arith.constant 0.000000e+00 : f32
      %broadcast_in_dim3A_84 = vector.broadcast %broadcast_in_dim3A : f32 to vector<2x256xf32>
      %swap3A_85 = arith.constant 0 : index
      %swap3A_86 = arith.constant 0 : index
      %swap3A_87 = vector.load %arg14[%swap3A_85, %swap3A_86] : memref<2x256xf32, #tpu.memory_space<vmem>>, vector<2x256xf32>
      tpu.vector_store %arg14[%swap3A_85, %swap3A_86], %broadcast_in_dim3A_84 {strides = array<i32>} : memref<2x256xf32, #tpu.memory_space<vmem>>, vector<2x256xf32>,
    } else {
    }
    %get3A_71 = arith.constant 0 : index
    %get3A_72 = arith.constant 0 : index
    %get3A_73 = vector.load %arg14[%get3A_71, %get3A_72] : memref<2x256xf32, #tpu.memory_space<vmem>>, vector<2x256xf32>
    %reduce_sum3A = arith.constant dense<0.000000e+00> : vector<256xf32>
    %reduce_sum3A_74 = vector.multi_reduction <add>, %add3A_63, %reduce_sum3A [0] : vector<2000x256xf32> to vector<256xf32>
    %mul3A_75 = arith.mulf %add3A_63, %add3A_63 : vector<2000x256xf32>
    %reduce_sum3A_76 = arith.constant dense<0.000000e+00> : vector<256xf32>
    %reduce_sum3A_77 = vector.multi_reduction <add>, %mul3A_75, %reduce_sum3A_76 [0] : vector<2000x256xf32> to vector<256xf32>
    %stack3A = vector.shape_cast %reduce_sum3A_74 : vector<256xf32> to vector<1x256xf32>
    %stack3A_78 = vector.shape_cast %reduce_sum3A_77 : vector<256xf32> to vector<1x256xf32>
    %stack3A_79 = tpu.concatenate %stack3A, %stack3A_78 in 0 : vector<1x256xf32>, vector<1x256xf32> -> vector<2x256xf32>
    %add3A_80 = arith.addf %get3A_73, %stack3A_79 : vector<2x256xf32>
    %swap3A_81 = arith.constant 0 : index
    %swap3A_82 = arith.constant 0 : index
    %swap3A_83 = vector.load %arg14[%swap3A_81, %swap3A_82] : memref<2x256xf32, #tpu.memory_space<vmem>>, vector<2x256xf32>
    tpu.vector_store %arg14[%swap3A_81, %swap3A_82], %add3A_80 {strides = array<i32>} : memref<2x256xf32, #tpu.memory_space<vmem>>, vector<2x256xf32>,
    return
  }
  func.func @transform_0(%arg0: i32) -> (i32, i32) {
    %c0_i32 = arith.constant 0 : i32
    %c0_i32_0 = arith.constant 0 : i32
    return %arg0, %c0_i32 : i32, i32
  }
  func.func @transform_1(%arg0: i32) -> (i32, i32) {
    %c0_i32 = arith.constant 0 : i32
    %c0_i32_0 = arith.constant 0 : i32
    return %arg0, %c0_i32 : i32, i32
  }
  func.func @transform_2(%arg0: i32) -> (i32, i32) {
    %c0_i32 = arith.constant 0 : i32
    %c0_i32_0 = arith.constant 0 : i32
    return %arg0, %c0_i32 : i32, i32
  }
  func.func @transform_3(%arg0: i32) -> (i32, i32) {
    %c0_i32 = arith.constant 0 : i32
    %c0_i32_0 = arith.constant 0 : i32
    %c0_i32_1 = arith.constant 0 : i32
    return %c0_i32, %c0_i32_0 : i32, i32
  }
  func.func @transform_4(%arg0: i32) -> (i32, i32) {
    %c0_i32 = arith.constant 0 : i32
    %c0_i32_0 = arith.constant 0 : i32
    %c0_i32_1 = arith.constant 0 : i32
    return %c0_i32, %c0_i32_0 : i32, i32
  }
  func.func @transform_5(%arg0: i32) -> (i32, i32) {
    %c0_i32 = arith.constant 0 : i32
    %c0_i32_0 = arith.constant 0 : i32
    %c0_i32_1 = arith.constant 0 : i32
    return %c0_i32, %c0_i32_0 : i32, i32
  }
  func.func @transform_6(%arg0: i32) -> (i32, i32) {
    %c0_i32 = arith.constant 0 : i32
    %c0_i32_0 = arith.constant 0 : i32
    %c0_i32_1 = arith.constant 0 : i32
    return %c0_i32, %c0_i32_0 : i32, i32
  }
  func.func @transform_7(%arg0: i32) -> (i32, i32) {
    %c0_i32 = arith.constant 0 : i32
    %c0_i32_0 = arith.constant 0 : i32
    %c0_i32_1 = arith.constant 0 : i32
    return %c0_i32, %c0_i32_0 : i32, i32
  }
  func.func @transform_8(%arg0: i32) -> (i32, i32) {
    %c0_i32 = arith.constant 0 : i32
    %c0_i32_0 = arith.constant 0 : i32
    %c0_i32_1 = arith.constant 0 : i32
    return %c0_i32, %c0_i32_0 : i32, i32
  }
  func.func @transform_9(%arg0: i32) -> (i32, i32) {
    %c0_i32 = arith.constant 0 : i32
    %c0_i32_0 = arith.constant 0 : i32
    return %arg0, %c0_i32 : i32, i32
  }
  func.func @transform_10(%arg0: i32) -> (i32, i32) {
    %c0_i32 = arith.constant 0 : i32
    %c0_i32_0 = arith.constant 0 : i32
    return %arg0, %c0_i32 : i32, i32
  }
  func.func @transform_11(%arg0: i32) -> (i32, i32) {
    %c0_i32 = arith.constant 0 : i32
    %c0_i32_0 = arith.constant 0 : i32
    return %arg0, %c0_i32 : i32, i32
  }
  func.func @transform_12(%arg0: i32) -> (i32, i32) {
    %c0_i32 = arith.constant 0 : i32
    %c0_i32_0 = arith.constant 0 : i32
    return %arg0, %c0_i32 : i32, i32
  }
  func.func @transform_13(%arg0: i32) -> (i32, i32) {
    %c0_i32 = arith.constant 0 : i32
    %c0_i32_0 = arith.constant 0 : i32
    %c0_i32_1 = arith.constant 0 : i32
    return %c0_i32, %c0_i32_0 : i32, i32
  }
}

module attributes {stable_mosaic.version = 14 : i64} {
  func.func @_bn_body_e(%arg0: i32, %arg1: memref<2000x256xbf16, #tpu.memory_space<vmem>>, %arg2: memref<2x256xf32, #tpu.memory_space<vmem>>, %arg3: memref<1x256xf32, #tpu.memory_space<vmem>>, %arg4: memref<1x256xf32, #tpu.memory_space<vmem>>, %arg5: memref<2000x256xf32, #tpu.memory_space<vmem>>) attributes {dimension_semantics = [#tpu.dimension_semantics<arbitrary>], iteration_bounds = array<i64: 80>, scalar_prefetch = 0 : i64, scratch_operands = 0 : i64, tpu.core_type = #tpu.core_type<tc>, window_params = [{transform_indices = @transform_0, window_bounds = array<i64: 2000, 256>}, {pipeline_mode = #tpu.pipeline_mode<synchronous>, transform_indices = @transform_1, window_bounds = array<i64: 2, 256>}, {pipeline_mode = #tpu.pipeline_mode<synchronous>, transform_indices = @transform_2, window_bounds = array<i64: 1, 256>}, {pipeline_mode = #tpu.pipeline_mode<synchronous>, transform_indices = @transform_3, window_bounds = array<i64: 1, 256>}, {transform_indices = @transform_4, window_bounds = array<i64: 2000, 256>}]} {
    %get3A = arith.constant 0 : index
    %get3A_0 = arith.constant 0 : index
    %get3A_1 = vector.load %arg1[%get3A, %get3A_0] : memref<2000x256xbf16, #tpu.memory_space<vmem>>, vector<2000x256xbf16>
    %convert_element_type3A = arith.extf %get3A_1 : vector<2000x256xbf16> to vector<2000x256xf32>
    %get3A_2 = arith.constant 0 : index
    %get3A_3 = arith.constant 0 : index
    %get3A_4 = vector.load %arg2[%get3A_2, %get3A_3] : memref<2x256xf32, #tpu.memory_space<vmem>>, vector<2x256xf32>
    %get3A_5 = arith.constant 0 : index
    %get3A_6 = arith.constant 0 : index
    %get3A_7 = vector.load %arg3[%get3A_5, %get3A_6] : memref<1x256xf32, #tpu.memory_space<vmem>>, vector<1x256xf32>
    %get3A_8 = arith.constant 0 : index
    %get3A_9 = arith.constant 0 : index
    %get3A_10 = vector.load %arg4[%get3A_8, %get3A_9] : memref<1x256xf32, #tpu.memory_space<vmem>>, vector<1x256xf32>
    %slice3A = vector.extract_strided_slice %get3A_4 {offsets = [0, 0], sizes = [1, 256], strides = [1, 1]} : vector<2x256xf32> to vector<1x256xf32>
    %div3A = arith.constant 1.600000e+05 : f32
    %div3A_11 = vector.broadcast %div3A : f32 to vector<1x256xf32>
    %div3A_12 = arith.divf %slice3A, %div3A_11 : vector<1x256xf32>
    %slice3A_13 = vector.extract_strided_slice %get3A_4 {offsets = [1, 0], sizes = [1, 256], strides = [1, 1]} : vector<2x256xf32> to vector<1x256xf32>
    %div3A_14 = arith.constant 1.600000e+05 : f32
    %div3A_15 = vector.broadcast %div3A_14 : f32 to vector<1x256xf32>
    %div3A_16 = arith.divf %slice3A_13, %div3A_15 : vector<1x256xf32>
    %mul3A = arith.mulf %div3A_12, %div3A_12 : vector<1x256xf32>
    %sub3A = arith.subf %div3A_16, %mul3A : vector<1x256xf32>
    %sub3A_17 = vector.broadcast %div3A_12 : vector<1x256xf32> to vector<2000x256xf32>
    %sub3A_18 = arith.subf %convert_element_type3A, %sub3A_17 : vector<2000x256xf32>
    %mul3A_19 = vector.broadcast %get3A_7 : vector<1x256xf32> to vector<2000x256xf32>
    %mul3A_20 = arith.mulf %mul3A_19, %sub3A_18 : vector<2000x256xf32>
    %add3A = arith.constant 9.99999974E-6 : f32
    %add3A_21 = vector.broadcast %add3A : f32 to vector<1x256xf32>
    %add3A_22 = arith.addf %sub3A, %add3A_21 : vector<1x256xf32>
    %rsqrt3A = math.rsqrt %add3A_22 : vector<1x256xf32>
    %mul3A_23 = vector.broadcast %rsqrt3A : vector<1x256xf32> to vector<2000x256xf32>
    %mul3A_24 = arith.mulf %mul3A_20, %mul3A_23 : vector<2000x256xf32>
    %add3A_25 = vector.broadcast %get3A_10 : vector<1x256xf32> to vector<2000x256xf32>
    %add3A_26 = arith.addf %mul3A_24, %add3A_25 : vector<2000x256xf32>
    %swap3A = arith.constant 0 : index
    %swap3A_27 = arith.constant 0 : index
    %swap3A_28 = vector.load %arg5[%swap3A, %swap3A_27] : memref<2000x256xf32, #tpu.memory_space<vmem>>, vector<2000x256xf32>
    tpu.vector_store %arg5[%swap3A, %swap3A_27], %add3A_26 {strides = array<i32>} : memref<2000x256xf32, #tpu.memory_space<vmem>>, vector<2000x256xf32>,
    return
  }
  func.func @transform_0(%arg0: i32) -> (i32, i32) {
    %c0_i32 = arith.constant 0 : i32
    %c0_i32_0 = arith.constant 0 : i32
    return %arg0, %c0_i32 : i32, i32
  }
  func.func @transform_1(%arg0: i32) -> (i32, i32) {
    %c0_i32 = arith.constant 0 : i32
    %c0_i32_0 = arith.constant 0 : i32
    %c0_i32_1 = arith.constant 0 : i32
    return %c0_i32, %c0_i32_0 : i32, i32
  }
  func.func @transform_2(%arg0: i32) -> (i32, i32) {
    %c0_i32 = arith.constant 0 : i32
    %c0_i32_0 = arith.constant 0 : i32
    %c0_i32_1 = arith.constant 0 : i32
    return %c0_i32, %c0_i32_0 : i32, i32
  }
  func.func @transform_3(%arg0: i32) -> (i32, i32) {
    %c0_i32 = arith.constant 0 : i32
    %c0_i32_0 = arith.constant 0 : i32
    %c0_i32_1 = arith.constant 0 : i32
    return %c0_i32, %c0_i32_0 : i32, i32
  }
  func.func @transform_4(%arg0: i32) -> (i32, i32) {
    %c0_i32 = arith.constant 0 : i32
    %c0_i32_0 = arith.constant 0 : i32
    return %arg0, %c0_i32 : i32, i32
  }
}

module attributes {stable_mosaic.version = 14 : i64} {
  func.func @_hpre_body(%arg0: i32, %arg1: memref<1000x256xf32, #tpu.memory_space<vmem>>, %arg2: memref<2x1000x128xf32, #tpu.memory_space<vmem>>, %arg3: memref<2x1000x128xf32, #tpu.memory_space<vmem>>, %arg4: memref<2x1000x128xf32, #tpu.memory_space<vmem>>, %arg5: memref<8x256xf32, #tpu.memory_space<vmem>>, %arg6: memref<256x256xf32, #tpu.memory_space<vmem>>, %arg7: memref<1x256xf32, #tpu.memory_space<vmem>>, %arg8: memref<1000x256xf32, #tpu.memory_space<vmem>>, %arg9: memref<2x256xf32, #tpu.memory_space<vmem>>) attributes {dimension_semantics = [#tpu.dimension_semantics<arbitrary>], iteration_bounds = array<i64: 10>, scalar_prefetch = 0 : i64, scratch_operands = 0 : i64, tpu.core_type = #tpu.core_type<tc>, window_params = [{transform_indices = @transform_0, window_bounds = array<i64: 1000, 256>}, {transform_indices = @transform_1, window_bounds = array<i64: 2, 1000, 128>}, {transform_indices = @transform_2, window_bounds = array<i64: 2, 1000, 128>}, {transform_indices = @transform_3, window_bounds = array<i64: 2, 1000, 128>}, {pipeline_mode = #tpu.pipeline_mode<synchronous>, transform_indices = @transform_4, window_bounds = array<i64: 8, 256>}, {pipeline_mode = #tpu.pipeline_mode<synchronous>, transform_indices = @transform_5, window_bounds = array<i64: 256, 256>}, {pipeline_mode = #tpu.pipeline_mode<synchronous>, transform_indices = @transform_6, window_bounds = array<i64: 1, 256>}, {transform_indices = @transform_7, window_bounds = array<i64: 1000, 256>}, {pipeline_mode = #tpu.pipeline_mode<synchronous>, transform_indices = @transform_8, window_bounds = array<i64: 2, 256>}]} {
    %get3A = arith.constant 0 : index
    %get3A_0 = arith.constant 0 : index
    %get3A_1 = arith.constant 0 : index
    %get3A_2 = vector.load %arg4[%get3A, %get3A_0, %get3A_1] : memref<2x1000x128xf32, #tpu.memory_space<vmem>>, vector<1x1000x128xf32>
    %get3A_3 = vector.shape_cast %get3A_2 : vector<1x1000x128xf32> to vector<1000x128xf32>
    %get3A_4 = arith.constant 1 : index
    %get3A_5 = arith.constant 0 : index
    %get3A_6 = arith.constant 0 : index
    %get3A_7 = vector.load %arg4[%get3A_4, %get3A_5, %get3A_6] : memref<2x1000x128xf32, #tpu.memory_space<vmem>>, vector<1x1000x128xf32>
    %get3A_8 = vector.shape_cast %get3A_7 : vector<1x1000x128xf32> to vector<1000x128xf32>
    %add3A = arith.addf %get3A_3, %get3A_8 : vector<1000x128xf32>
    %slice3A = vector.extract_strided_slice %add3A {offsets = [0, 0], sizes = [1000, 8], strides = [1, 1]} : vector<1000x128xf32> to vector<1000x8xf32>
    %add3A_9 = arith.constant 1.000000e-16 : f32
    %add3A_10 = vector.broadcast %add3A_9 : f32 to vector<1000x8xf32>
    %add3A_11 = arith.addf %slice3A, %add3A_10 : vector<1000x8xf32>
    %div3A = arith.constant 1.000000e+00 : f32
    %div3A_12 = vector.broadcast %div3A : f32 to vector<1000x8xf32>
    %div3A_13 = arith.divf %div3A_12, %add3A_11 : vector<1000x8xf32>
    %get3A_14 = arith.constant 0 : index
    %get3A_15 = arith.constant 0 : index
    %get3A_16 = vector.load %arg5[%get3A_14, %get3A_15] : memref<8x256xf32, #tpu.memory_space<vmem>>, vector<8x256xf32>
    %dot_general3A = arith.constant dense<0.000000e+00> : vector<1000x256xf32>
    %dot_general3A_17 = tpu.matmul %div3A_13, %get3A_16, %dot_general3A {dimension_numbers = #tpu.dot_dimension_numbers<[1], [0], [0], [1], [0, 0, 1, 1], [], []>, transpose_lhs_hint = false} : vector<1000x8xf32>, vector<8x256xf32>, vector<1000x256xf32> -> vector<1000x256xf32>
    %get3A_18 = arith.constant 0 : index
    %get3A_19 = arith.constant 0 : index
    %get3A_20 = arith.constant 0 : index
    %get3A_21 = vector.load %arg2[%get3A_18, %get3A_19, %get3A_20] : memref<2x1000x128xf32, #tpu.memory_space<vmem>>, vector<1x1000x128xf32>
    %get3A_22 = vector.shape_cast %get3A_21 : vector<1x1000x128xf32> to vector<1000x128xf32>
    %get3A_23 = arith.constant 1 : index
    %get3A_24 = arith.constant 0 : index
    %get3A_25 = arith.constant 0 : index
    %get3A_26 = vector.load %arg2[%get3A_23, %get3A_24, %get3A_25] : memref<2x1000x128xf32, #tpu.memory_space<vmem>>, vector<1x1000x128xf32>
    %get3A_27 = vector.shape_cast %get3A_26 : vector<1x1000x128xf32> to vector<1000x128xf32>
    %add3A_28 = arith.addf %get3A_22, %get3A_27 : vector<1000x128xf32>
    %slice3A_29 = vector.extract_strided_slice %dot_general3A_17 {offsets = [0, 0], sizes = [1000, 128], strides = [1, 1]} : vector<1000x256xf32> to vector<1000x128xf32>
    %mul3A = arith.mulf %add3A_28, %slice3A_29 : vector<1000x128xf32>
    %get3A_30 = arith.constant 0 : index
    %get3A_31 = arith.constant 0 : index
    %get3A_32 = arith.constant 0 : index
    %get3A_33 = vector.load %arg3[%get3A_30, %get3A_31, %get3A_32] : memref<2x1000x128xf32, #tpu.memory_space<vmem>>, vector<1x1000x128xf32>
    %get3A_34 = vector.shape_cast %get3A_33 : vector<1x1000x128xf32> to vector<1000x128xf32>
    %get3A_35 = arith.constant 1 : index
    %get3A_36 = arith.constant 0 : index
    %get3A_37 = arith.constant 0 : index
    %get3A_38 = vector.load %arg3[%get3A_35, %get3A_36, %get3A_37] : memref<2x1000x128xf32, #tpu.memory_space<vmem>>, vector<1x1000x128xf32>
    %get3A_39 = vector.shape_cast %get3A_38 : vector<1x1000x128xf32> to vector<1000x128xf32>
    %add3A_40 = arith.addf %get3A_34, %get3A_39 : vector<1000x128xf32>
    %slice3A_41 = vector.extract_strided_slice %dot_general3A_17 {offsets = [0, 128], sizes = [1000, 128], strides = [1, 1]} : vector<1000x256xf32> to vector<1000x128xf32>
    %mul3A_42 = arith.mulf %add3A_40, %slice3A_41 : vector<1000x128xf32>
    %get3A_43 = arith.constant 0 : index
    %get3A_44 = arith.constant 0 : index
    %get3A_45 = vector.load %arg6[%get3A_43, %get3A_44] : memref<256x256xf32, #tpu.memory_space<vmem>>, vector<256x256xf32>
    %get3A_46 = arith.constant 0 : index
    %get3A_47 = arith.constant 0 : index
    %get3A_48 = vector.load %arg1[%get3A_46, %get3A_47] : memref<1000x256xf32, #tpu.memory_space<vmem>>, vector<1000x256xf32>
    %slice3A_49 = vector.extract_strided_slice %get3A_45 {offsets = [0, 0], sizes = [128, 256], strides = [1, 1]} : vector<256x256xf32> to vector<128x256xf32>
    %dot_general3A_50 = arith.constant dense<0.000000e+00> : vector<1000x256xf32>
    %dot_general3A_51 = tpu.matmul %mul3A, %slice3A_49, %dot_general3A_50 {dimension_numbers = #tpu.dot_dimension_numbers<[1], [0], [0], [1], [0, 0, 1, 1], [], []>, transpose_lhs_hint = false} : vector<1000x128xf32>, vector<128x256xf32>, vector<1000x256xf32> -> vector<1000x256xf32>
    %add3A_52 = arith.addf %get3A_48, %dot_general3A_51 : vector<1000x256xf32>
    %slice3A_53 = vector.extract_strided_slice %get3A_45 {offsets = [128, 0], sizes = [128, 256], strides = [1, 1]} : vector<256x256xf32> to vector<128x256xf32>
    %dot_general3A_54 = arith.constant dense<0.000000e+00> : vector<1000x256xf32>
    %dot_general3A_55 = tpu.matmul %mul3A_42, %slice3A_53, %dot_general3A_54 {dimension_numbers = #tpu.dot_dimension_numbers<[1], [0], [0], [1], [0, 0, 1, 1], [], []>, transpose_lhs_hint = false} : vector<1000x128xf32>, vector<128x256xf32>, vector<1000x256xf32> -> vector<1000x256xf32>
    %add3A_56 = arith.addf %add3A_52, %dot_general3A_55 : vector<1000x256xf32>
    %get3A_57 = arith.constant 0 : index
    %get3A_58 = arith.constant 0 : index
    %get3A_59 = vector.load %arg7[%get3A_57, %get3A_58] : memref<1x256xf32, #tpu.memory_space<vmem>>, vector<1x256xf32>
    %add3A_60 = vector.broadcast %get3A_59 : vector<1x256xf32> to vector<1000x256xf32>
    %add3A_61 = arith.addf %add3A_56, %add3A_60 : vector<1000x256xf32>
    %swap3A = arith.constant 0 : index
    %swap3A_62 = arith.constant 0 : index
    %swap3A_63 = vector.load %arg8[%swap3A, %swap3A_62] : memref<1000x256xf32, #tpu.memory_space<vmem>>, vector<1000x256xf32>
    tpu.vector_store %arg8[%swap3A, %swap3A_62], %add3A_61 {strides = array<i32>} : memref<1000x256xf32, #tpu.memory_space<vmem>>, vector<1000x256xf32>,
    %eq3A = arith.constant 0 : i32
    %eq3A_64 = arith.cmpi eq, %arg0, %eq3A : i32
    %convert_element_type3A = arith.extui %eq3A_64 : i1 to i32
    %cond3A = arith.constant 0 : i32
    %cond3A_65 = arith.cmpi ne, %convert_element_type3A, %cond3A : i32
    scf.if %cond3A_65 {
      %broadcast_in_dim3A = arith.constant 0.000000e+00 : f32
      %broadcast_in_dim3A_79 = vector.broadcast %broadcast_in_dim3A : f32 to vector<2x256xf32>
      %swap3A_80 = arith.constant 0 : index
      %swap3A_81 = arith.constant 0 : index
      %swap3A_82 = vector.load %arg9[%swap3A_80, %swap3A_81] : memref<2x256xf32, #tpu.memory_space<vmem>>, vector<2x256xf32>
      tpu.vector_store %arg9[%swap3A_80, %swap3A_81], %broadcast_in_dim3A_79 {strides = array<i32>} : memref<2x256xf32, #tpu.memory_space<vmem>>, vector<2x256xf32>,
    } else {
    }
    %get3A_66 = arith.constant 0 : index
    %get3A_67 = arith.constant 0 : index
    %get3A_68 = vector.load %arg9[%get3A_66, %get3A_67] : memref<2x256xf32, #tpu.memory_space<vmem>>, vector<2x256xf32>
    %reduce_sum3A = arith.constant dense<0.000000e+00> : vector<256xf32>
    %reduce_sum3A_69 = vector.multi_reduction <add>, %add3A_61, %reduce_sum3A [0] : vector<1000x256xf32> to vector<256xf32>
    %mul3A_70 = arith.mulf %add3A_61, %add3A_61 : vector<1000x256xf32>
    %reduce_sum3A_71 = arith.constant dense<0.000000e+00> : vector<256xf32>
    %reduce_sum3A_72 = vector.multi_reduction <add>, %mul3A_70, %reduce_sum3A_71 [0] : vector<1000x256xf32> to vector<256xf32>
    %stack3A = vector.shape_cast %reduce_sum3A_69 : vector<256xf32> to vector<1x256xf32>
    %stack3A_73 = vector.shape_cast %reduce_sum3A_72 : vector<256xf32> to vector<1x256xf32>
    %stack3A_74 = tpu.concatenate %stack3A, %stack3A_73 in 0 : vector<1x256xf32>, vector<1x256xf32> -> vector<2x256xf32>
    %add3A_75 = arith.addf %get3A_68, %stack3A_74 : vector<2x256xf32>
    %swap3A_76 = arith.constant 0 : index
    %swap3A_77 = arith.constant 0 : index
    %swap3A_78 = vector.load %arg9[%swap3A_76, %swap3A_77] : memref<2x256xf32, #tpu.memory_space<vmem>>, vector<2x256xf32>
    tpu.vector_store %arg9[%swap3A_76, %swap3A_77], %add3A_75 {strides = array<i32>} : memref<2x256xf32, #tpu.memory_space<vmem>>, vector<2x256xf32>,
    return
  }
  func.func @transform_0(%arg0: i32) -> (i32, i32) {
    %c0_i32 = arith.constant 0 : i32
    %c0_i32_0 = arith.constant 0 : i32
    return %arg0, %c0_i32 : i32, i32
  }
  func.func @transform_1(%arg0: i32) -> (i32, i32, i32) {
    %c0_i32 = arith.constant 0 : i32
    %c0_i32_0 = arith.constant 0 : i32
    %c0_i32_1 = arith.constant 0 : i32
    return %c0_i32, %arg0, %c0_i32_0 : i32, i32, i32
  }
  func.func @transform_2(%arg0: i32) -> (i32, i32, i32) {
    %c0_i32 = arith.constant 0 : i32
    %c0_i32_0 = arith.constant 0 : i32
    %c0_i32_1 = arith.constant 0 : i32
    return %c0_i32, %arg0, %c0_i32_0 : i32, i32, i32
  }
  func.func @transform_3(%arg0: i32) -> (i32, i32, i32) {
    %c0_i32 = arith.constant 0 : i32
    %c0_i32_0 = arith.constant 0 : i32
    %c0_i32_1 = arith.constant 0 : i32
    return %c0_i32, %arg0, %c0_i32_0 : i32, i32, i32
  }
  func.func @transform_4(%arg0: i32) -> (i32, i32) {
    %c0_i32 = arith.constant 0 : i32
    %c0_i32_0 = arith.constant 0 : i32
    %c0_i32_1 = arith.constant 0 : i32
    return %c0_i32, %c0_i32_0 : i32, i32
  }
  func.func @transform_5(%arg0: i32) -> (i32, i32) {
    %c0_i32 = arith.constant 0 : i32
    %c0_i32_0 = arith.constant 0 : i32
    %c0_i32_1 = arith.constant 0 : i32
    return %c0_i32, %c0_i32_0 : i32, i32
  }
  func.func @transform_6(%arg0: i32) -> (i32, i32) {
    %c0_i32 = arith.constant 0 : i32
    %c0_i32_0 = arith.constant 0 : i32
    %c0_i32_1 = arith.constant 0 : i32
    return %c0_i32, %c0_i32_0 : i32, i32
  }
  func.func @transform_7(%arg0: i32) -> (i32, i32) {
    %c0_i32 = arith.constant 0 : i32
    %c0_i32_0 = arith.constant 0 : i32
    return %arg0, %c0_i32 : i32, i32
  }
  func.func @transform_8(%arg0: i32) -> (i32, i32) {
    %c0_i32 = arith.constant 0 : i32
    %c0_i32_0 = arith.constant 0 : i32
    %c0_i32_1 = arith.constant 0 : i32
    return %c0_i32, %c0_i32_0 : i32, i32
  }
}

module attributes {stable_mosaic.version = 14 : i64} {
  func.func @_ffn_body(%arg0: i32, %arg1: memref<1000x256xf32, #tpu.memory_space<vmem>>, %arg2: memref<2x256xf32, #tpu.memory_space<vmem>>, %arg3: memref<1x256xf32, #tpu.memory_space<vmem>>, %arg4: memref<1x256xf32, #tpu.memory_space<vmem>>, %arg5: memref<256x512xf32, #tpu.memory_space<vmem>>, %arg6: memref<1x512xf32, #tpu.memory_space<vmem>>, %arg7: memref<512x256xf32, #tpu.memory_space<vmem>>, %arg8: memref<1x256xf32, #tpu.memory_space<vmem>>, %arg9: memref<1000x256xf32, #tpu.memory_space<vmem>>, %arg10: memref<2x256xf32, #tpu.memory_space<vmem>>) attributes {dimension_semantics = [#tpu.dimension_semantics<arbitrary>], iteration_bounds = array<i64: 10>, scalar_prefetch = 0 : i64, scratch_operands = 0 : i64, tpu.core_type = #tpu.core_type<tc>, window_params = [{transform_indices = @transform_0, window_bounds = array<i64: 1000, 256>}, {pipeline_mode = #tpu.pipeline_mode<synchronous>, transform_indices = @transform_1, window_bounds = array<i64: 2, 256>}, {pipeline_mode = #tpu.pipeline_mode<synchronous>, transform_indices = @transform_2, window_bounds = array<i64: 1, 256>}, {pipeline_mode = #tpu.pipeline_mode<synchronous>, transform_indices = @transform_3, window_bounds = array<i64: 1, 256>}, {pipeline_mode = #tpu.pipeline_mode<synchronous>, transform_indices = @transform_4, window_bounds = array<i64: 256, 512>}, {pipeline_mode = #tpu.pipeline_mode<synchronous>, transform_indices = @transform_5, window_bounds = array<i64: 1, 512>}, {pipeline_mode = #tpu.pipeline_mode<synchronous>, transform_indices = @transform_6, window_bounds = array<i64: 512, 256>}, {pipeline_mode = #tpu.pipeline_mode<synchronous>, transform_indices = @transform_7, window_bounds = array<i64: 1, 256>}, {transform_indices = @transform_8, window_bounds = array<i64: 1000, 256>}, {pipeline_mode = #tpu.pipeline_mode<synchronous>, transform_indices = @transform_9, window_bounds = array<i64: 2, 256>}]} {
    %get3A = arith.constant 0 : index
    %get3A_0 = arith.constant 0 : index
    %get3A_1 = vector.load %arg1[%get3A, %get3A_0] : memref<1000x256xf32, #tpu.memory_space<vmem>>, vector<1000x256xf32>
    %get3A_2 = arith.constant 0 : index
    %get3A_3 = arith.constant 0 : index
    %get3A_4 = vector.load %arg2[%get3A_2, %get3A_3] : memref<2x256xf32, #tpu.memory_space<vmem>>, vector<2x256xf32>
    %get3A_5 = arith.constant 0 : index
    %get3A_6 = arith.constant 0 : index
    %get3A_7 = vector.load %arg3[%get3A_5, %get3A_6] : memref<1x256xf32, #tpu.memory_space<vmem>>, vector<1x256xf32>
    %get3A_8 = arith.constant 0 : index
    %get3A_9 = arith.constant 0 : index
    %get3A_10 = vector.load %arg4[%get3A_8, %get3A_9] : memref<1x256xf32, #tpu.memory_space<vmem>>, vector<1x256xf32>
    %slice3A = vector.extract_strided_slice %get3A_4 {offsets = [0, 0], sizes = [1, 256], strides = [1, 1]} : vector<2x256xf32> to vector<1x256xf32>
    %div3A = arith.constant 1.000000e+04 : f32
    %div3A_11 = vector.broadcast %div3A : f32 to vector<1x256xf32>
    %div3A_12 = arith.divf %slice3A, %div3A_11 : vector<1x256xf32>
    %slice3A_13 = vector.extract_strided_slice %get3A_4 {offsets = [1, 0], sizes = [1, 256], strides = [1, 1]} : vector<2x256xf32> to vector<1x256xf32>
    %div3A_14 = arith.constant 1.000000e+04 : f32
    %div3A_15 = vector.broadcast %div3A_14 : f32 to vector<1x256xf32>
    %div3A_16 = arith.divf %slice3A_13, %div3A_15 : vector<1x256xf32>
    %mul3A = arith.mulf %div3A_12, %div3A_12 : vector<1x256xf32>
    %sub3A = arith.subf %div3A_16, %mul3A : vector<1x256xf32>
    %sub3A_17 = vector.broadcast %div3A_12 : vector<1x256xf32> to vector<1000x256xf32>
    %sub3A_18 = arith.subf %get3A_1, %sub3A_17 : vector<1000x256xf32>
    %mul3A_19 = vector.broadcast %get3A_7 : vector<1x256xf32> to vector<1000x256xf32>
    %mul3A_20 = arith.mulf %mul3A_19, %sub3A_18 : vector<1000x256xf32>
    %add3A = arith.constant 9.99999974E-6 : f32
    %add3A_21 = vector.broadcast %add3A : f32 to vector<1x256xf32>
    %add3A_22 = arith.addf %sub3A, %add3A_21 : vector<1x256xf32>
    %rsqrt3A = math.rsqrt %add3A_22 : vector<1x256xf32>
    %mul3A_23 = vector.broadcast %rsqrt3A : vector<1x256xf32> to vector<1000x256xf32>
    %mul3A_24 = arith.mulf %mul3A_20, %mul3A_23 : vector<1000x256xf32>
    %add3A_25 = vector.broadcast %get3A_10 : vector<1x256xf32> to vector<1000x256xf32>
    %add3A_26 = arith.addf %mul3A_24, %add3A_25 : vector<1000x256xf32>
    %get3A_27 = arith.constant 0 : index
    %get3A_28 = arith.constant 0 : index
    %get3A_29 = vector.load %arg5[%get3A_27, %get3A_28] : memref<256x512xf32, #tpu.memory_space<vmem>>, vector<256x512xf32>
    %dot_general3A = arith.constant dense<0.000000e+00> : vector<1000x512xf32>
    %dot_general3A_30 = tpu.matmul %add3A_26, %get3A_29, %dot_general3A {dimension_numbers = #tpu.dot_dimension_numbers<[1], [0], [0], [1], [0, 0, 1, 1], [], []>, transpose_lhs_hint = false} : vector<1000x256xf32>, vector<256x512xf32>, vector<1000x512xf32> -> vector<1000x512xf32>
    %get3A_31 = arith.constant 0 : index
    %get3A_32 = arith.constant 0 : index
    %get3A_33 = vector.load %arg6[%get3A_31, %get3A_32] : memref<1x512xf32, #tpu.memory_space<vmem>>, vector<1x512xf32>
    %add3A_34 = vector.broadcast %get3A_33 : vector<1x512xf32> to vector<1000x512xf32>
    %add3A_35 = arith.addf %dot_general3A_30, %add3A_34 : vector<1000x512xf32>
    %max3A = arith.constant 0.000000e+00 : f32
    %max3A_36 = vector.broadcast %max3A : f32 to vector<1000x512xf32>
    %max3A_37 = arith.maximumf %add3A_35, %max3A_36 : vector<1000x512xf32>
    %get3A_38 = arith.constant 0 : index
    %get3A_39 = arith.constant 0 : index
    %get3A_40 = vector.load %arg7[%get3A_38, %get3A_39] : memref<512x256xf32, #tpu.memory_space<vmem>>, vector<512x256xf32>
    %dot_general3A_41 = arith.constant dense<0.000000e+00> : vector<1000x256xf32>
    %dot_general3A_42 = tpu.matmul %max3A_37, %get3A_40, %dot_general3A_41 {dimension_numbers = #tpu.dot_dimension_numbers<[1], [0], [0], [1], [0, 0, 1, 1], [], []>, transpose_lhs_hint = false} : vector<1000x512xf32>, vector<512x256xf32>, vector<1000x256xf32> -> vector<1000x256xf32>
    %add3A_43 = arith.addf %add3A_26, %dot_general3A_42 : vector<1000x256xf32>
    %get3A_44 = arith.constant 0 : index
    %get3A_45 = arith.constant 0 : index
    %get3A_46 = vector.load %arg8[%get3A_44, %get3A_45] : memref<1x256xf32, #tpu.memory_space<vmem>>, vector<1x256xf32>
    %add3A_47 = vector.broadcast %get3A_46 : vector<1x256xf32> to vector<1000x256xf32>
    %add3A_48 = arith.addf %add3A_43, %add3A_47 : vector<1000x256xf32>
    %swap3A = arith.constant 0 : index
    %swap3A_49 = arith.constant 0 : index
    %swap3A_50 = vector.load %arg9[%swap3A, %swap3A_49] : memref<1000x256xf32, #tpu.memory_space<vmem>>, vector<1000x256xf32>
    tpu.vector_store %arg9[%swap3A, %swap3A_49], %add3A_48 {strides = array<i32>} : memref<1000x256xf32, #tpu.memory_space<vmem>>, vector<1000x256xf32>,
    %eq3A = arith.constant 0 : i32
    %eq3A_51 = arith.cmpi eq, %arg0, %eq3A : i32
    %convert_element_type3A = arith.extui %eq3A_51 : i1 to i32
    %cond3A = arith.constant 0 : i32
    %cond3A_52 = arith.cmpi ne, %convert_element_type3A, %cond3A : i32
    scf.if %cond3A_52 {
      %broadcast_in_dim3A = arith.constant 0.000000e+00 : f32
      %broadcast_in_dim3A_66 = vector.broadcast %broadcast_in_dim3A : f32 to vector<2x256xf32>
      %swap3A_67 = arith.constant 0 : index
      %swap3A_68 = arith.constant 0 : index
      %swap3A_69 = vector.load %arg10[%swap3A_67, %swap3A_68] : memref<2x256xf32, #tpu.memory_space<vmem>>, vector<2x256xf32>
      tpu.vector_store %arg10[%swap3A_67, %swap3A_68], %broadcast_in_dim3A_66 {strides = array<i32>} : memref<2x256xf32, #tpu.memory_space<vmem>>, vector<2x256xf32>,
    } else {
    }
    %get3A_53 = arith.constant 0 : index
    %get3A_54 = arith.constant 0 : index
    %get3A_55 = vector.load %arg10[%get3A_53, %get3A_54] : memref<2x256xf32, #tpu.memory_space<vmem>>, vector<2x256xf32>
    %reduce_sum3A = arith.constant dense<0.000000e+00> : vector<256xf32>
    %reduce_sum3A_56 = vector.multi_reduction <add>, %add3A_48, %reduce_sum3A [0] : vector<1000x256xf32> to vector<256xf32>
    %mul3A_57 = arith.mulf %add3A_48, %add3A_48 : vector<1000x256xf32>
    %reduce_sum3A_58 = arith.constant dense<0.000000e+00> : vector<256xf32>
    %reduce_sum3A_59 = vector.multi_reduction <add>, %mul3A_57, %reduce_sum3A_58 [0] : vector<1000x256xf32> to vector<256xf32>
    %stack3A = vector.shape_cast %reduce_sum3A_56 : vector<256xf32> to vector<1x256xf32>
    %stack3A_60 = vector.shape_cast %reduce_sum3A_59 : vector<256xf32> to vector<1x256xf32>
    %stack3A_61 = tpu.concatenate %stack3A, %stack3A_60 in 0 : vector<1x256xf32>, vector<1x256xf32> -> vector<2x256xf32>
    %add3A_62 = arith.addf %get3A_55, %stack3A_61 : vector<2x256xf32>
    %swap3A_63 = arith.constant 0 : index
    %swap3A_64 = arith.constant 0 : index
    %swap3A_65 = vector.load %arg10[%swap3A_63, %swap3A_64] : memref<2x256xf32, #tpu.memory_space<vmem>>, vector<2x256xf32>
    tpu.vector_store %arg10[%swap3A_63, %swap3A_64], %add3A_62 {strides = array<i32>} : memref<2x256xf32, #tpu.memory_space<vmem>>, vector<2x256xf32>,
    return
  }
  func.func @transform_0(%arg0: i32) -> (i32, i32) {
    %c0_i32 = arith.constant 0 : i32
    %c0_i32_0 = arith.constant 0 : i32
    return %arg0, %c0_i32 : i32, i32
  }
  func.func @transform_1(%arg0: i32) -> (i32, i32) {
    %c0_i32 = arith.constant 0 : i32
    %c0_i32_0 = arith.constant 0 : i32
    %c0_i32_1 = arith.constant 0 : i32
    return %c0_i32, %c0_i32_0 : i32, i32
  }
  func.func @transform_2(%arg0: i32) -> (i32, i32) {
    %c0_i32 = arith.constant 0 : i32
    %c0_i32_0 = arith.constant 0 : i32
    %c0_i32_1 = arith.constant 0 : i32
    return %c0_i32, %c0_i32_0 : i32, i32
  }
  func.func @transform_3(%arg0: i32) -> (i32, i32) {
    %c0_i32 = arith.constant 0 : i32
    %c0_i32_0 = arith.constant 0 : i32
    %c0_i32_1 = arith.constant 0 : i32
    return %c0_i32, %c0_i32_0 : i32, i32
  }
  func.func @transform_4(%arg0: i32) -> (i32, i32) {
    %c0_i32 = arith.constant 0 : i32
    %c0_i32_0 = arith.constant 0 : i32
    %c0_i32_1 = arith.constant 0 : i32
    return %c0_i32, %c0_i32_0 : i32, i32
  }
  func.func @transform_5(%arg0: i32) -> (i32, i32) {
    %c0_i32 = arith.constant 0 : i32
    %c0_i32_0 = arith.constant 0 : i32
    %c0_i32_1 = arith.constant 0 : i32
    return %c0_i32, %c0_i32_0 : i32, i32
  }
  func.func @transform_6(%arg0: i32) -> (i32, i32) {
    %c0_i32 = arith.constant 0 : i32
    %c0_i32_0 = arith.constant 0 : i32
    %c0_i32_1 = arith.constant 0 : i32
    return %c0_i32, %c0_i32_0 : i32, i32
  }
  func.func @transform_7(%arg0: i32) -> (i32, i32) {
    %c0_i32 = arith.constant 0 : i32
    %c0_i32_0 = arith.constant 0 : i32
    %c0_i32_1 = arith.constant 0 : i32
    return %c0_i32, %c0_i32_0 : i32, i32
  }
  func.func @transform_8(%arg0: i32) -> (i32, i32) {
    %c0_i32 = arith.constant 0 : i32
    %c0_i32_0 = arith.constant 0 : i32
    return %arg0, %c0_i32 : i32, i32
  }
  func.func @transform_9(%arg0: i32) -> (i32, i32) {
    %c0_i32 = arith.constant 0 : i32
    %c0_i32_0 = arith.constant 0 : i32
    %c0_i32_1 = arith.constant 0 : i32
    return %c0_i32, %c0_i32_0 : i32, i32
  }
}

module attributes {stable_mosaic.version = 14 : i64} {
  func.func @_bn_body_n(%arg0: i32, %arg1: memref<1000x256xf32, #tpu.memory_space<vmem>>, %arg2: memref<2x256xf32, #tpu.memory_space<vmem>>, %arg3: memref<1x256xf32, #tpu.memory_space<vmem>>, %arg4: memref<1x256xf32, #tpu.memory_space<vmem>>, %arg5: memref<1000x256xf32, #tpu.memory_space<vmem>>) attributes {dimension_semantics = [#tpu.dimension_semantics<arbitrary>], iteration_bounds = array<i64: 10>, scalar_prefetch = 0 : i64, scratch_operands = 0 : i64, tpu.core_type = #tpu.core_type<tc>, window_params = [{transform_indices = @transform_0, window_bounds = array<i64: 1000, 256>}, {pipeline_mode = #tpu.pipeline_mode<synchronous>, transform_indices = @transform_1, window_bounds = array<i64: 2, 256>}, {pipeline_mode = #tpu.pipeline_mode<synchronous>, transform_indices = @transform_2, window_bounds = array<i64: 1, 256>}, {pipeline_mode = #tpu.pipeline_mode<synchronous>, transform_indices = @transform_3, window_bounds = array<i64: 1, 256>}, {transform_indices = @transform_4, window_bounds = array<i64: 1000, 256>}]} {
    %get3A = arith.constant 0 : index
    %get3A_0 = arith.constant 0 : index
    %get3A_1 = vector.load %arg1[%get3A, %get3A_0] : memref<1000x256xf32, #tpu.memory_space<vmem>>, vector<1000x256xf32>
    %get3A_2 = arith.constant 0 : index
    %get3A_3 = arith.constant 0 : index
    %get3A_4 = vector.load %arg2[%get3A_2, %get3A_3] : memref<2x256xf32, #tpu.memory_space<vmem>>, vector<2x256xf32>
    %get3A_5 = arith.constant 0 : index
    %get3A_6 = arith.constant 0 : index
    %get3A_7 = vector.load %arg3[%get3A_5, %get3A_6] : memref<1x256xf32, #tpu.memory_space<vmem>>, vector<1x256xf32>
    %get3A_8 = arith.constant 0 : index
    %get3A_9 = arith.constant 0 : index
    %get3A_10 = vector.load %arg4[%get3A_8, %get3A_9] : memref<1x256xf32, #tpu.memory_space<vmem>>, vector<1x256xf32>
    %slice3A = vector.extract_strided_slice %get3A_4 {offsets = [0, 0], sizes = [1, 256], strides = [1, 1]} : vector<2x256xf32> to vector<1x256xf32>
    %div3A = arith.constant 1.000000e+04 : f32
    %div3A_11 = vector.broadcast %div3A : f32 to vector<1x256xf32>
    %div3A_12 = arith.divf %slice3A, %div3A_11 : vector<1x256xf32>
    %slice3A_13 = vector.extract_strided_slice %get3A_4 {offsets = [1, 0], sizes = [1, 256], strides = [1, 1]} : vector<2x256xf32> to vector<1x256xf32>
    %div3A_14 = arith.constant 1.000000e+04 : f32
    %div3A_15 = vector.broadcast %div3A_14 : f32 to vector<1x256xf32>
    %div3A_16 = arith.divf %slice3A_13, %div3A_15 : vector<1x256xf32>
    %mul3A = arith.mulf %div3A_12, %div3A_12 : vector<1x256xf32>
    %sub3A = arith.subf %div3A_16, %mul3A : vector<1x256xf32>
    %sub3A_17 = vector.broadcast %div3A_12 : vector<1x256xf32> to vector<1000x256xf32>
    %sub3A_18 = arith.subf %get3A_1, %sub3A_17 : vector<1000x256xf32>
    %mul3A_19 = vector.broadcast %get3A_7 : vector<1x256xf32> to vector<1000x256xf32>
    %mul3A_20 = arith.mulf %mul3A_19, %sub3A_18 : vector<1000x256xf32>
    %add3A = arith.constant 9.99999974E-6 : f32
    %add3A_21 = vector.broadcast %add3A : f32 to vector<1x256xf32>
    %add3A_22 = arith.addf %sub3A, %add3A_21 : vector<1x256xf32>
    %rsqrt3A = math.rsqrt %add3A_22 : vector<1x256xf32>
    %mul3A_23 = vector.broadcast %rsqrt3A : vector<1x256xf32> to vector<1000x256xf32>
    %mul3A_24 = arith.mulf %mul3A_20, %mul3A_23 : vector<1000x256xf32>
    %add3A_25 = vector.broadcast %get3A_10 : vector<1x256xf32> to vector<1000x256xf32>
    %add3A_26 = arith.addf %mul3A_24, %add3A_25 : vector<1000x256xf32>
    %swap3A = arith.constant 0 : index
    %swap3A_27 = arith.constant 0 : index
    %swap3A_28 = vector.load %arg5[%swap3A, %swap3A_27] : memref<1000x256xf32, #tpu.memory_space<vmem>>, vector<1000x256xf32>
    tpu.vector_store %arg5[%swap3A, %swap3A_27], %add3A_26 {strides = array<i32>} : memref<1000x256xf32, #tpu.memory_space<vmem>>, vector<1000x256xf32>,
    return
  }
  func.func @transform_0(%arg0: i32) -> (i32, i32) {
    %c0_i32 = arith.constant 0 : i32
    %c0_i32_0 = arith.constant 0 : i32
    return %arg0, %c0_i32 : i32, i32
  }
  func.func @transform_1(%arg0: i32) -> (i32, i32) {
    %c0_i32 = arith.constant 0 : i32
    %c0_i32_0 = arith.constant 0 : i32
    %c0_i32_1 = arith.constant 0 : i32
    return %c0_i32, %c0_i32_0 : i32, i32
  }
  func.func @transform_2(%arg0: i32) -> (i32, i32) {
    %c0_i32 = arith.constant 0 : i32
    %c0_i32_0 = arith.constant 0 : i32
    %c0_i32_1 = arith.constant 0 : i32
    return %c0_i32, %c0_i32_0 : i32, i32
  }
  func.func @transform_3(%arg0: i32) -> (i32, i32) {
    %c0_i32 = arith.constant 0 : i32
    %c0_i32_0 = arith.constant 0 : i32
    %c0_i32_1 = arith.constant 0 : i32
    return %c0_i32, %c0_i32_0 : i32, i32
  }
  func.func @transform_4(%arg0: i32) -> (i32, i32) {
    %c0_i32 = arith.constant 0 : i32
    %c0_i32_0 = arith.constant 0 : i32
    return %arg0, %c0_i32 : i32, i32
  }
}

</mosaic_0001>

<sc_bundles>
// kernel: kernel.10.cloned.1.call-start
scs
__scs_entry_jumppad:
0x0: {  	(pc) =	sbr.rel $0x88, $3  }
0x1: {  	(tag) =	ssettag $0x0;
	lr =	simm.s32 $0x1  }
0x2: {  	[smem:$0x3F8A] =	sst lr;
	_ =	strace $0xD0000000  }
0x3: {  	_ = 	snop  }
0x4: {  	_ = 	snop  }
0x5: {  	_ = 	snop  }
0x6: {  	_ = 	snop  }
0x7: {  	_ = 	snop  }
__scs_overlays_trampoline_lowered:
0x8: {  	[smem:$0x3F99] =	sst s0  }
0x9: {  	[smem:$0x3F9A] =	sst s1  }
0xa: {  	[smem:$0x3F9B] =	sst s2  }
0xb: {  	[smem:$0x3F9C] =	sst s3  }
0xc: {  	[smem:$0x3F9D] =	sst s4  }
0xd: {  	[smem:$0x3F9E] =	sst s5  }
0xe: {  	[smem:$0x3F9F] =	sst s6  }
0xf: {  	[smem:$0x3FA0] =	sst s7  }
0x10: {  	[smem:$0x3FA1] =	sst s8  }
0x11: {  	[smem:$0x3FA2] =	sst s9;
	s0 =	simm.s32 @!p0 $0x0  }
0x12: {  	s1 =	sld [smem:$0x3F88];
	s0 =	simm.s32 @p0 $0x1  }
0x13: {  	[smem:$0x3FA3] =	sst s0;
	s0 =	simm.s32 @!p1 $0x0  }
0x14: {  	s2 =	sld [smem:$0x3F87];
	s0 =	simm.s32 @p1 $0x1  }
0x15: {  	[smem:$0x3FA4] =	sst s0;
	s0 =	simm.s32 @!p2 $0x0  }
0x16: {  	s3 =	sld [smem:$0x3FDB];
	s0 =	simm.s32 @p2 $0x1  }
0x17: {  	s4 =	simm.s32 $0x1BF5;
	[smem:$0x3FA6] =	sst s0  }
0x18: {  	s0 =	sld [smem:$0x3F89];
	_ =	swait.ge [sflag:s4], $0x0  }
0x19: {  	s7 =	sld [smem:$0x3F8A]  }
0x1a: {  	s8 =	sadd.s32 $0xFFFFE003, lr  }
0x1b: {  	s9 =	sadd.s32 $0xFFFFFEF7, lr;
	s5 =	simm.s32 $0xFFFFFFFF;
	p2 =	slt.u32 s8, $0xFFFFF086  }
0x1c: {  	p1 =	slt.u32 s9, $0xF7A;
	s5 =	simm.s32 @!p2 $0x0  }
0x1d: {  	s5 =	simm.s32 @p1 $0x1;
	p0 =	seq.s32 s7, s2  }
0x1e: {  	s7 =	smul.u32 @!p0 $0xF7A, s2;
	p2 =	seq.s32 @!p0 s5, $0x0  }
0x1f: {  	s9 =	smul.u32 $0xF7A, s1;
	s8 =	simm.s32 @!p0 $0x1BF5;
	p2 =	por !p2, p0  }
0x20: {  	[sflag:s8] =	ssyncset.s32 @!p0 $0xFFFFF086;
	s6 =	sadd.s32 @!p0 s3, s7;
	s7 =	simm.s32 @!p0 $0x108  }
0x21: {  	s3 =	sadd.s32 s3, s9;
	s6 =	sadd.s32 @!p0 $0x88, s6;
	s7 =	simm.s32 @p2 $0x1082  }
0x22: {  	[simem:s7], [sflag:s8] =	dma.local @!p0 [hbm:s6], $0xF7A  }
0x23: {  	s9 =	sor.u32 $0xD0000000, s2;
	s6 =	simm.s32 $0x108;
	_ =	swait.ge @!p0 [sflag:s8], $0x0  }
0x24: {  	s3 =	sadd.s32 $0x88, s3;
	s6 =	simm.s32 @!p1 $0x1082;
	[sflag:s4] =	ssyncset.s32 $0xFFFFF086  }
0x25: {  	[simem:s6], [sflag:s4] =	dma.local [hbm:s3], $0xF7A  }
0x26: {  	[smem:$0x3F8A] =	sst s1;
	(tag) =	ssettag s2;
	_ =	strace s9  }
0x27: {  	s1 =	sld [smem:$0x3F9A]  }
0x28: {  	s2 =	sld [smem:$0x3F9B]  }
0x29: {  	s4 =	sld [smem:$0x3F9D]  }
0x2a: {  	p0 =	seq.s32 s5, $0x0;
	s5 =	sld [smem:$0x3F9E]  }
0x2b: {  	s6 =	sld [smem:$0x3F9F]  }
0x2c: {  	s7 =	sld [smem:$0x3FA0]  }
0x2d: {  	s3 =	simm.s32 $0x108;
	s8 =	sld [smem:$0x3FA1]  }
0x2e: {  	s3 =	simm.s32 @!p0 $0x1082;
	s9 =	sld [smem:$0x3FA2]  }
0x2f: {  	lr =	sadd.s32 s0, s3;
	s0 =	sld [smem:$0x3F99]  }
0x30: {  	s3 =	sld [smem:$0x3F9C]  }
0x31: {  	[smem:$0x3FA5] =	sst s10  }
0x32: {  	s10 =	sld [smem:$0x3FA3];
	_ =	sdelay $0x3  }
0x33: {  	p0 =	seq.s32 s10, $0x1;
	s10 =	sld [smem:$0x3FA5];
	_ =	sdelay $0x3  }
0x34: {  	[smem:$0x3FA5] =	sst s10  }
0x35: {  	s10 =	sld [smem:$0x3FA4];
	_ =	sdelay $0x3  }
0x36: {  	p1 =	seq.s32 s10, $0x1;
	s10 =	sld [smem:$0x3FA5];
	_ =	sdelay $0x3  }
0x37: {  	[smem:$0x3FA5] =	sst s10  }
0x38: {  	s10 =	sld [smem:$0x3FA6]  }
0x39: {  	_ = 	snop;
	(pc) =	sbr.ind lr, $3  }
0x3a: {  	_ = 	snop  }
0x3b: {  	_ = 	snop  }
0x3c: {  	p2 =	seq.s32 s10, $0x1;
	s10 =	sld [smem:$0x3FA5]  }
0x3d: {  	_ =	shalt  }
0x3e: {  	_ =	shalt  }
0x3f: {  	_ =	shalt  }
0x40: {  	_ =	shalt  }
0x41: {  	_ =	shalt  }
0x42: {  	_ =	shalt  }
0x43: {  	_ =	shalt  }
0x44: {  	_ =	shalt  }
0x45: {  	_ =	shalt  }
0x46: {  	_ =	shalt  }
0x47: {  	_ =	shalt  }
0x48: {  	_ =	shalt  }
0x49: {  	_ =	shalt  }
0x4a: {  	_ =	shalt  }
0x4b: {  	_ =	shalt  }
0x4c: {  	_ =	shalt  }
0x4d: {  	_ =	shalt  }
0x4e: {  	_ =	shalt  }
0x4f: {  	_ =	shalt  }
0x50: {  	_ =	shalt  }
0x51: {  	_ =	shalt  }
0x52: {  	_ =	shalt  }
0x53: {  	_ =	shalt  }
0x54: {  	_ =	shalt  }
0x55: {  	_ =	shalt  }
0x56: {  	_ =	shalt  }
0x57: {  	_ =	shalt  }
0x58: {  	_ =	shalt  }
0x59: {  	_ =	shalt  }
0x5a: {  	_ =	shalt  }
0x5b: {  	_ =	shalt  }
0x5c: {  	_ =	shalt  }
0x5d: {  	_ =	shalt  }
0x5e: {  	_ =	shalt  }
0x5f: {  	_ =	shalt  }
0x60: {  	_ =	shalt  }
0x61: {  	_ =	shalt  }
0x62: {  	_ =	shalt  }
0x63: {  	_ =	shalt  }
0x64: {  	_ =	shalt  }
0x65: {  	_ =	shalt  }
0x66: {  	_ =	shalt  }
0x67: {  	_ =	shalt  }
0x68: {  	_ =	shalt  }
0x69: {  	_ =	shalt  }
0x6a: {  	_ =	shalt  }
0x6b: {  	_ =	shalt  }
0x6c: {  	_ =	shalt  }
0x6d: {  	_ =	shalt  }
0x6e: {  	_ =	shalt  }
0x6f: {  	_ =	shalt  }
0x70: {  	_ =	shalt  }
0x71: {  	_ =	shalt  }
0x72: {  	_ =	shalt  }
0x73: {  	_ =	shalt  }
0x74: {  	_ =	shalt  }
0x75: {  	_ =	shalt  }
0x76: {  	_ =	shalt  }
0x77: {  	_ =	shalt  }
0x78: {  	_ =	shalt  }
0x79: {  	_ =	shalt  }
0x7a: {  	_ =	shalt  }
0x7b: {  	_ =	shalt  }
0x7c: {  	_ =	shalt  }
0x7d: {  	_ =	shalt  }
0x7e: {  	_ =	shalt  }
0x7f: {  	_ =	shalt  }
0x80: {  	_ =	shalt  }
0x81: {  	_ =	shalt  }
0x82: {  	_ =	shalt  }
0x83: {  	_ =	shalt  }
0x84: {  	_ =	shalt  }
0x85: {  	_ =	shalt  }
0x86: {  	_ =	shalt  }
0x87: {  	_ =	shalt  }
.Lfunc_end0:
.L_simem_size_0:
called_computation_lowered:
.L_overlay_start_0:
0x88: {  	s2 =	sld [smem:$0x3FD9]  }
0x89: {  	s3 =	sld [smem:$0x3FFE];
	_ =	sdelay $0x1  }
0x8a: {  	s1 =	srdreg.scid  }
0x8b: {  	s0 =	sand.u32 $0x1, s1  }
0x8c: {  	s14 =	sshll.u32 s0, $0xA;
	s2 =	sadd.s32 s3, s2  }
0x8d: {  	s2 =	sadd.s32 s2, s14  }
0x8e: {  	[smem:$0x3FB1] =	sst s2  }
0x8f: {  	_ = 	snop  }
0x90: {  	s2 =	sld [smem:$0x3FD0];
	_ =	sdelay $0x2  }
0x91: {  	s15 =	simm.s32 $0xA;
	s4 =	simm.s32 $0x10  }
0x92: {  	[smem:s4], [sflag:s15] =	dma.local [hbm:s2], $0x1  }
0x93: {  	_ =	swait.eq [sflag:s15], $0x1  }
0x94: {  	[sflag:s15] =	ssyncset.done $0x0  }
0x95: {  	s16 =	sld [smem:$0x10];
	[sflag:s15] =	ssyncadd.s32 $0xFFFFFFFF  }
0x96: {  	s17 =	sld [smem:$0x11];
	(tm) =	ssettm $0x1  }
0x97: {  	s18 =	sld [smem:$0x3FFB];
	_ =	sdelay $0x3  }
0x98: {  	_ =	strace s18  }
0x99: {  	s4 =	sld [smem:$0x3FFC];
	_ =	sdelay $0x3  }
0x9a: {  	_ =	strace s4  }
0x9b: {  	s4 =	sld [smem:$0x3FFD];
	_ =	sdelay $0x3  }
0x9c: {  	_ =	strace s4  }
0x9d: {  	_ =	strace $0x8FFFFFFF  }
0x9e: {  	s19 =	sld [smem:$0x3FDB];
	_ =	sdelay $0x1  }
0x9f: {  	s5 =	simm.s32 $_scs_section_size  }
0xa0: {  	s6 =	simm.s32 $_size__tile_overlayer_lowered;
	s7 =	simm.s32 $_tile_overlayer_lowered  }
0xa1: {  	s22 =	simm.s32 $0x1BFF;
	s21 =	sshll.u32 s7, $0x1;
	s4 =	sadd.s32 s5, s19  }
0xa2: {  	s8 =	simm.s32 $0x0;
	s20 =	sshll.u32 s6, $0x1;
	s6 =	sadd.s32 s21, s4  }
0xa3: {  	[timem:s8], [sflag:s22] =	dma.local [hbm:s6], s20  }
0xa4: {  	_ =	swait.ge [sflag:s22], s20  }
0xa5: {  	s5 =	ssub.s32 $0x0, s20;
	[sflag:s22] =	ssyncset.done $0x0  }
0xa6: {  	[sflag:s22] =	ssyncadd.s32 s5;
	_ =	sdelay $0x1  }
0xa7: {  	s23 =	simm.s32 $0x1B8B  }
0xa8: {  	_ =	swait.ge [sflag:s23], $0x1  }
0xa9: {  	[sflag:s23] =	ssyncset.done $0x0  }
0xaa: {  	s25 =	simm.s32 $0x1B8E;
	s24 =	sld [smem:$0x3FFE];
	[sflag:s23] =	ssyncadd.s32 $0xFFFFFFFF  }
0xab: {  	s26 =	simm.s32 $execute0_lowered;
	[smem:$0x3FD2] =	sst s25  }
0xac: {  	s6 =	sshll.u32 s26, $0x1;
	_ =	strace $0x80000046;
	[dreg:$0x1] =	wrdreg $0xFFFFFFFF  }
0xad: {  	s28 =	simm.s32 $_size_execute0_lowered;
	s4 =	sadd.s32 s4, s6;
	[dreg:$0x0] =	wrdreg $0x0  }
0xae: {  	s6 =	sshll.u32 s28, $0x1;
	[dreg:$0x2] =	wrdreg s4  }
0xaf: {  	[dreg:$0x3] =	wrdreg s6  }
0xb0: {  	[dreg:$0x4] =	wrdreg $0xC0  }
0xb1: {  	_ =	task [dreg:s8], $0x5FFFF  }
0xb2: {  	[dreg:$0x1] =	wrdreg $0xFFFFFFFF  }
0xb3: {  	[dreg:$0x0] =	wrdreg $0x60  }
0xb4: {  	[dreg:$0x2] =	wrdreg s16  }
0xb5: {  	[dreg:$0x3] =	wrdreg s17  }
0xb6: {  	[dreg:$0x4] =	wrdreg s24  }
0xb7: {  	[dreg:$0x5] =	wrdreg $0x9  }
0xb8: {  	_ =	task.clear_ibuf [dreg:s8], $0x6FFFF;
	_ =	strace $0x90000046  }
0xb9: {  	s29 =	simm.s32 $0x9;
	_ =	strace $0x80000048  }
0xba: {  	_ =	swait.ge [sflag:s29], $0x1  }
0xbb: {  	[sflag:s29] =	ssyncadd.s32 $0xFFFFFFFF  }
0xbc: {  	_ =	strace $0x90000048  }
0xbd: {  	_ =	sfence  }
0xbe: {  	s30 =	sld [smem:$0x0];
	_ =	sdelay $0x2  }
0xbf: {  	s31 =	sshll.u32 s1, $0xD;
	s1 =	sshrl.u32 s1, $0x2  }
0xc0: {  	s3 =	sand.u32 $0x4000, s31;
	s1 =	sadd.s32 s1, s30  }
0xc1: {  	s0 =	sor.u32 s3, s0;
	s1 =	sshll.u32 s1, $0x11  }
0xc2: {  	s0 =	sor.u32 s1, s0  }
0xc3: {  	s0 =	sadd.s32 $0x8F2B, s0  }
0xc4: {  	[sflag:s0] =	ssyncadd.remote.s32 $0x1  }
0xc5: {  	_ =	sfence.sel $0xFFFF  }
0xc6: {  	[dreg:$0x0] =	wrdreg $0xFFFFFFFF;
	(pc) =	sbr.abs _section_cstart, $3  }
0xc7: {  	[dreg:$0x1] =	wrdreg $0xFFFFFFFF  }
0xc8: {  	_ =	task.clear_ibuf [dreg:s8], $0x2FFFF;
	_ =	strace $0x9FFFFFFF  }
0xc9: {  	(tm) =	ssettm $0x7FFFFFFF  }
tec
execute0_lowered:
.L_overlay_start_1:
0x0: {  	(tag) =	ssettag $0x1  }
0x1: {  	s1 =	rddreg [dreg:$0x0]  }
0x2: {  	s0 =	srdreg.scid;
	s3 =	rddreg [dreg:$0x1]  }
0x3: {  	s6 =	stileid.u32;
	s5 =	rddreg [dreg:$0x2]  }
0x4: {  	s4 =	simm.s32 $0x0;
	s12 =	simm.s32 $0x5;
	s14 =	simm.s32 $0x5000  }
0x5: {  	s22 =	simm.s32 $0xD000;
	s31 =	simm.s32 $0x9000;
	s15 =	simm.s32 $0xC800  }
0x6: {  	s16 =	simm.s32 $0x11000;
	s17 =	simm.s32 $0x11800;
	s18 =	simm.s32 $0x12000  }
0x7: {  	s19 =	simm.s32 $0x12800;
	s20 =	simm.s32 $0x13000;
	s21 =	simm.s32 $0x13800  }
0x8: {  	s23 =	simm.s32 $0x14000;
	s24 =	simm.s32 $0x14800;
	s28 =	simm.s32 $0x2  }
0x9: {  	s0 =	sand.u32 $0x1, s0;
	s2 =	sshll.u32 s6, $0x1;
	s6 =	smul.u32 $0x280000, s6  }
0xa: {  	s29 =	simm.s32 $0x4;
	s2 =	sor.u32 s0, s2;
	s7 =	smul.u32 $0x140000, s0  }
0xb: {  	[smem:$0x7FF] =	sst s4;
	s0 =	ssub.s32 $0x2, s0;
	s2 =	smul.u32 $0x500, s2  }
0xc: {  	s10 =	sadd.s32 $0x1DE00, s5;
	_ =	strace $0x80000047;
	s8 =	sshrl.u32 s0, $0x1  }
0xd: {  	s6 =	sadd.s32 s7, s6;
	s0 =	ssub.s32 s0, s8;
	s2 =	sadd.s32 s2, s5  }
0xe: {  	s5 =	sadd.s32 $0x51DE00, s5;
	s7 =	sor.u32 $0x4000, s6;
	s0 =	smax.u32 s0, $0x1  }
0xf: {  	s30 =	sshrl.u32 s6, $0x3;
	s6 =	simm.s32 $0xB800;
	s25 =	sadd.s32 $0x13E00, s2  }
.Ltmp0:
0x10: {  	s2 =	sadd.s32 $0x9E00, s2;
	[dreg:$0x6] =	wrdreg s0;
	(pc) =	sbr.rel .LBB2_1-.Ltmp0, $4  }
0x11: {  	s26 =	sshrl.u32 s7, $0x3;
	s11 =	sadd.s32 s30, s5;
	[dreg:$0x4] =	wrdreg s25  }
0x12: {  	v2 =	vlaneseq.u32;
	s7 =	simm.s32 $0xC000;
	[dreg:$0x5] =	wrdreg s2;
	s8 =	sadd.s32 s26, s10  }
0x13: {  	vm0 =	vmmov $0xffff;
	v1 =	vshrl.u32 v2, $0x3;
	s9 =	sadd.s32 s26, s5;
	s10 =	sadd.s32 s30, s10;
	s5 =	simm.s32 $0xB000  }
0x14: {  	v0 =	vand.u32 $0x7, v2;
	v2 =	vor.u32 $0x8, v2;
	v1 =	vmul.u32 $0x8, v1;
	s25 =	simm.s32 $0x1;
	s26 =	simm.s32 $0x3;
	s2 =	simm.s32 $0x0  }
.LBB2_5:
0x15: {  	s2 =	rddreg [dreg:$0x7]  }
0x16: {  	s0 =	rddreg [dreg:$0x6];
	s2 =	sadd.s32 $0x1, s2  }
0x17: {  	p0 =	sne.s32 s2, s0  }
.Ltmp1:
0x18: {  	_ = 	snop;
	(pc) =	sbr.rel @!p0 .LBB2_6-.Ltmp1, $1  }
0x19: {  	_ =	sdelay $0x3  }
.LBB2_1:
0x1a: {  	[dreg:$0x7] =	wrdreg s2  }
0x1b: {  	s0 =	rddreg [dreg:$0x4]  }
0x1c: {  	[tilespmem:s4], [sflag:$0x5] =	stream.linear.gather [hbm4b:s0+s4], $0x2800, $0x38;
	[tilespmem:$0x15000] =	vst v63  }
0x1d: {  	_ =	swait.ge [sflag:s12], $0x2800  }
0x1e: {  	[sflag:s12] =	ssyncset.done $0x0  }
0x1f: {  	s13 =	simm.s32 $0x2800;
	s2 =	rddreg [dreg:$0x5];
	[sflag:s12] =	ssyncadd.s32 $0xFFFFD800  }
0x20: {  	[tilespmem:s13], [sflag:$0x5] =	stream.linear.gather [hbm4b:s2+s4], $0x2800, $0x38;
	[tilespmem:$0x15000] =	vst v63  }
0x21: {  	_ =	swait.ge [sflag:s12], $0x2800  }
0x22: {  	[sflag:s12] =	ssyncset.done $0x0  }
0x23: {  	[sflag:s12] =	ssyncadd.s32 $0xFFFFD800  }
0x24: {  	v3 =	vld [tilespmem:$0x0];
	_ =	sdelay $0x4  }
0x25: {  	v4 =	vshll.u32 v3, $0x1  }
0x26: {  	v3 =	vand.u32 $0x7, v3;
	v4 =	vand.u32 $0xFFFFFFF0, v4  }
0x27: {  	v3 =	vor.u32 v3, v4  }
0x28: {  	v4 =	vperm.xlane v3, v0;
	_ =	sdelay $0x1  }
0x29: {  	v3 =	vperm.xlane v3, v2;
	v4 =	vadd.s32 v1, v4;
	_ =	sdelay $0x1  }
0x2a: {  	v3 =	vadd.s32 v1, v3;
	_ =	sdelay $0x2  }
0x2b: {  	[tilespmem:s14], [sflag:$0x1] =	stream.indirect_vreg.gather [hbm4b:s1+s4], $0x80, v4, vm0, $0xb8;
	[tilespmem:$0x15000] =	vst v63  }
0x2c: {  	s2 =	simm.s32 $0x5800  }
0x2d: {  	[tilespmem:s2], [sflag:$0x1] =	stream.indirect_vreg.gather [hbm4b:s1+s4], $0x80, v3, vm0, $0xb8;
	[tilespmem:$0x15000] =	vst v63  }
0x2e: {  	v3 =	vld [tilespmem:$0x10];
	_ =	sdelay $0x4  }
0x2f: {  	v57 =	vshll.u32 v3, $0x1  }
0x30: {  	v3 =	vand.u32 $0x7, v3;
	v4 =	vand.u32 $0xFFFFFFF0, v57  }
0x31: {  	v3 =	vor.u32 v3, v4  }
0x32: {  	v4 =	vperm.xlane v3, v0;
	_ =	sdelay $0x1  }
0x33: {  	v3 =	vperm.xlane v3, v2;
	v4 =	vadd.s32 v1, v4;
	_ =	sdelay $0x1  }
0x34: {  	v3 =	vadd.s32 v1, v3;
	_ =	sdelay $0x1  }
0x35: {  	s13 =	simm.s32 $0x6000  }
0x36: {  	[tilespmem:s13], [sflag:$0x1] =	stream.indirect_vreg.gather [hbm4b:s1+s4], $0x80, v4, vm0, $0xb8;
	[tilespmem:$0x15000] =	vst v63  }
0x37: {  	s2 =	simm.s32 $0x6800  }
0x38: {  	[tilespmem:s2], [sflag:$0x1] =	stream.indirect_vreg.gather [hbm4b:s1+s4], $0x80, v3, vm0, $0xb8;
	[tilespmem:$0x15000] =	vst v63  }
0x39: {  	v3 =	vld [tilespmem:$0x20];
	_ =	sdelay $0x4  }
0x3a: {  	v58 =	vshll.u32 v3, $0x1  }
0x3b: {  	v3 =	vand.u32 $0x7, v3;
	v4 =	vand.u32 $0xFFFFFFF0, v58  }
0x3c: {  	v3 =	vor.u32 v3, v4  }
0x3d: {  	v4 =	vperm.xlane v3, v0;
	_ =	sdelay $0x1  }
0x3e: {  	v3 =	vperm.xlane v3, v2;
	v4 =	vadd.s32 v1, v4;
	_ =	sdelay $0x1  }
0x3f: {  	v3 =	vadd.s32 v1, v3;
	_ =	sdelay $0x1  }
0x40: {  	s13 =	simm.s32 $0x7000  }
0x41: {  	[tilespmem:s13], [sflag:$0x1] =	stream.indirect_vreg.gather [hbm4b:s1+s4], $0x80, v4, vm0, $0xb8;
	[tilespmem:$0x15000] =	vst v63  }
0x42: {  	s2 =	simm.s32 $0x7800  }
0x43: {  	[tilespmem:s2], [sflag:$0x1] =	stream.indirect_vreg.gather [hbm4b:s1+s4], $0x80, v3, vm0, $0xb8;
	[tilespmem:$0x15000] =	vst v63  }
0x44: {  	v3 =	vld [tilespmem:$0x30];
	_ =	sdelay $0x4  }
0x45: {  	v59 =	vshll.u32 v3, $0x1  }
0x46: {  	v3 =	vand.u32 $0x7, v3;
	v4 =	vand.u32 $0xFFFFFFF0, v59  }
0x47: {  	v3 =	vor.u32 v3, v4  }
0x48: {  	v4 =	vperm.xlane v3, v0;
	_ =	sdelay $0x1  }
0x49: {  	v3 =	vperm.xlane v3, v2;
	v4 =	vadd.s32 v1, v4;
	_ =	sdelay $0x1  }
0x4a: {  	v3 =	vadd.s32 v1, v3;
	_ =	sdelay $0x1  }
0x4b: {  	s13 =	simm.s32 $0x8000  }
0x4c: {  	[tilespmem:s13], [sflag:$0x1] =	stream.indirect_vreg.gather [hbm4b:s1+s4], $0x80, v4, vm0, $0xb8;
	[tilespmem:$0x15000] =	vst v63  }
0x4d: {  	s2 =	simm.s32 $0x8800  }
0x4e: {  	[tilespmem:s2], [sflag:$0x1] =	stream.indirect_vreg.gather [hbm4b:s1+s4], $0x80, v3, vm0, $0xb8;
	[tilespmem:$0x15000] =	vst v63  }
0x4f: {  	v3 =	vld [tilespmem:$0x2800];
	_ =	sdelay $0x4  }
0x50: {  	v60 =	vshll.u32 v3, $0x1  }
0x51: {  	v3 =	vand.u32 $0x7, v3;
	v4 =	vand.u32 $0xFFFFFFF0, v60  }
0x52: {  	v3 =	vor.u32 v3, v4  }
0x53: {  	v4 =	vperm.xlane v3, v0;
	_ =	sdelay $0x1  }
0x54: {  	v3 =	vperm.xlane v3, v2;
	v4 =	vadd.s32 v1, v4;
	_ =	sdelay $0x1  }
0x55: {  	v3 =	vadd.s32 v1, v3;
	_ =	sdelay $0x2  }
0x56: {  	[tilespmem:s22], [sflag:$0x3] =	stream.indirect_vreg.gather [hbm4b:s3+s4], $0x80, v4, vm0, $0xb8;
	[tilespmem:$0x15000] =	vst v63  }
0x57: {  	s13 =	simm.s32 $0xD800  }
0x58: {  	[tilespmem:s13], [sflag:$0x3] =	stream.indirect_vreg.gather [hbm4b:s3+s4], $0x80, v3, vm0, $0xb8;
	[tilespmem:$0x15000] =	vst v63  }
0x59: {  	v3 =	vld [tilespmem:$0x2810];
	_ =	sdelay $0x4  }
0x5a: {  	v61 =	vshll.u32 v3, $0x1  }
0x5b: {  	v3 =	vand.u32 $0x7, v3;
	v4 =	vand.u32 $0xFFFFFFF0, v61  }
0x5c: {  	v3 =	vor.u32 v3, v4  }
0x5d: {  	v4 =	vperm.xlane v3, v0;
	_ =	sdelay $0x1  }
0x5e: {  	v3 =	vperm.xlane v3, v2;
	v4 =	vadd.s32 v1, v4;
	_ =	sdelay $0x1  }
0x5f: {  	v3 =	vadd.s32 v1, v3;
	_ =	sdelay $0x1  }
0x60: {  	s2 =	simm.s32 $0xE000  }
0x61: {  	[tilespmem:s2], [sflag:$0x3] =	stream.indirect_vreg.gather [hbm4b:s3+s4], $0x80, v4, vm0, $0xb8;
	[tilespmem:$0x15000] =	vst v63  }
0x62: {  	s13 =	simm.s32 $0xE800  }
0x63: {  	[tilespmem:s13], [sflag:$0x3] =	stream.indirect_vreg.gather [hbm4b:s3+s4], $0x80, v3, vm0, $0xb8;
	[tilespmem:$0x15000] =	vst v63  }
0x64: {  	v3 =	vld [tilespmem:$0x2820];
	_ =	sdelay $0x4  }
0x65: {  	v62 =	vshll.u32 v3, $0x1  }
0x66: {  	v3 =	vand.u32 $0x7, v3;
	v4 =	vand.u32 $0xFFFFFFF0, v62  }
0x67: {  	v3 =	vor.u32 v3, v4  }
0x68: {  	v4 =	vperm.xlane v3, v0;
	_ =	sdelay $0x1  }
0x69: {  	v3 =	vperm.xlane v3, v2;
	v4 =	vadd.s32 v1, v4;
	_ =	sdelay $0x1  }
0x6a: {  	v3 =	vadd.s32 v1, v3;
	_ =	sdelay $0x1  }
0x6b: {  	s2 =	simm.s32 $0xF000  }
0x6c: {  	[tilespmem:s2], [sflag:$0x3] =	stream.indirect_vreg.gather [hbm4b:s3+s4], $0x80, v4, vm0, $0xb8;
	[tilespmem:$0x15000] =	vst v63  }
0x6d: {  	s13 =	simm.s32 $0xF800  }
0x6e: {  	[tilespmem:s13], [sflag:$0x3] =	stream.indirect_vreg.gather [hbm4b:s3+s4], $0x80, v3, vm0, $0xb8;
	[tilespmem:$0x15000] =	vst v63  }
0x6f: {  	v3 =	vld [tilespmem:$0x2830];
	_ =	sdelay $0x4  }
0x70: {  	v63 =	vshll.u32 v3, $0x1  }
0x71: {  	v3 =	vand.u32 $0x7, v3;
	v4 =	vand.u32 $0xFFFFFFF0, v63  }
0x72: {  	v3 =	vor.u32 v3, v4  }
0x73: {  	v4 =	vperm.xlane v3, v0;
	_ =	sdelay $0x1  }
0x74: {  	v3 =	vperm.xlane v3, v2;
	v4 =	vadd.s32 v1, v4;
	_ =	sdelay $0x1  }
0x75: {  	v3 =	vadd.s32 v1, v3  }
.Ltmp2:
0x76: {  	_ = 	snop;
	(pc) =	sbr.rel .LBB2_2-.Ltmp2, $4  }
0x77: {  	s30 =	simm.s32 $0x28A0;
	s2 =	simm.s32 $0x10000  }
0x78: {  	[tilespmem:s2], [sflag:$0x3] =	stream.indirect_vreg.gather [hbm4b:s3+s4], $0x80, v4, vm0, $0xb8;
	[tilespmem:$0x15000] =	vst v63  }
0x79: {  	s0 =	simm.s32 $0x0;
	s13 =	simm.s32 $0x10800;
	s2 =	simm.s32 $0xA0  }
0x7a: {  	[tilespmem:s13], [sflag:$0x3] =	stream.indirect_vreg.gather [hbm4b:s3+s4], $0x80, v3, vm0, $0xb8;
	[tilespmem:$0x15000] =	vst v63  }
.LBB2_4:
0x7b: {  	_ =	swait.ge [sflag:s28], $0x4000  }
0x7c: {  	[sflag:s28] =	ssyncset.done $0x0  }
0x7d: {  	s13 =	sadd.s32 s0, s8;
	[sflag:s28] =	ssyncadd.s32 $0xFFFFC000  }
0x7e: {  	[hbm4b:s13+s4] =	stream.linear.scatter [tilespmem:s31], [sflag:$0x5], $0x4000, $0x38;
	[tilespmem:$0x15000] =	vst v63  }
0x7f: {  	_ =	swait.ge [sflag:s12], $0x4000  }
0x80: {  	[sflag:s12] =	ssyncset.done $0x0  }
0x81: {  	[sflag:s12] =	ssyncadd.s32 $0xFFFFC000  }
0x82: {  	s13 =	sadd.s32 s0, s9;
	s0 =	sadd.s32 $0x1000, s0;
	_ =	swait.ge [sflag:s29], $0x4000  }
0x83: {  	p0 =	sne.s32 s0, $0x28000;
	[sflag:s29] =	ssyncset.done $0x0  }
.Ltmp3:
0x84: {  	[sflag:s29] =	ssyncadd.s32 $0xFFFFC000;
	(pc) =	sbr.rel @!p0 .LBB2_5-.Ltmp3, $4  }
0x85: {  	[hbm4b:s13+s4] =	stream.linear.scatter [tilespmem:s16], [sflag:$0x5], $0x4000, $0x38;
	[tilespmem:$0x15000] =	vst v63  }
0x86: {  	_ =	swait.ge [sflag:s12], $0x4000  }
0x87: {  	[sflag:s12] =	ssyncset.done $0x0  }
0x88: {  	s30 =	sadd.s32 $0x100, s30;
	s2 =	sadd.s32 $0x100, s2;
	[sflag:s12] =	ssyncadd.s32 $0xFFFFC000  }
.LBB2_2:
0x89: {  	v3 =	vld [tilespmem:s2+$0xFFFFFFE0];
	_ =	sdelay $0x4  }
0x8a: {  	v4 =	vshll.u32 v3, $0x1  }
0x8b: {  	v3 =	vand.u32 $0x7, v3;
	v4 =	vand.u32 $0xFFFFFFF0, v4  }
0x8c: {  	v3 =	vor.u32 v3, v4  }
0x8d: {  	v4 =	vperm.xlane v3, v0;
	_ =	sdelay $0x1  }
0x8e: {  	v3 =	vperm.xlane v3, v2;
	v4 =	vadd.s32 v1, v4;
	_ =	sdelay $0x1  }
0x8f: {  	v3 =	vadd.s32 v1, v3;
	_ =	sdelay $0x2  }
0x90: {  	[tilespmem:s31], [sflag:$0x2] =	stream.indirect_vreg.gather [hbm4b:s1+s4], $0x80, v4, vm0, $0xb8;
	[tilespmem:$0x15000] =	vst v63  }
0x91: {  	s13 =	simm.s32 $0x9800  }
0x92: {  	[tilespmem:s13], [sflag:$0x2] =	stream.indirect_vreg.gather [hbm4b:s1+s4], $0x80, v3, vm0, $0xb8;
	[tilespmem:$0x15000] =	vst v63  }
0x93: {  	v3 =	vld [tilespmem:s2+$0xFFFFFFF0];
	_ =	sdelay $0x4  }
0x94: {  	v57 =	vshll.u32 v3, $0x1  }
0x95: {  	v3 =	vand.u32 $0x7, v3;
	v4 =	vand.u32 $0xFFFFFFF0, v57  }
0x96: {  	v3 =	vor.u32 v3, v4  }
0x97: {  	v4 =	vperm.xlane v3, v0;
	_ =	sdelay $0x1  }
0x98: {  	v3 =	vperm.xlane v3, v2;
	v4 =	vadd.s32 v1, v4;
	_ =	sdelay $0x1  }
0x99: {  	v3 =	vadd.s32 v1, v3;
	_ =	sdelay $0x1  }
0x9a: {  	s13 =	simm.s32 $0xA000  }
0x9b: {  	[tilespmem:s13], [sflag:$0x2] =	stream.indirect_vreg.gather [hbm4b:s1+s4], $0x80, v4, vm0, $0xb8;
	[tilespmem:$0x15000] =	vst v63  }
0x9c: {  	s13 =	simm.s32 $0xA800  }
0x9d: {  	[tilespmem:s13], [sflag:$0x2] =	stream.indirect_vreg.gather [hbm4b:s1+s4], $0x80, v3, vm0, $0xb8;
	[tilespmem:$0x15000] =	vst v63  }
0x9e: {  	v3 =	vld [tilespmem:s2+$0x0];
	_ =	sdelay $0x4  }
0x9f: {  	v58 =	vshll.u32 v3, $0x1  }
0xa0: {  	v3 =	vand.u32 $0x7, v3;
	v4 =	vand.u32 $0xFFFFFFF0, v58  }
0xa1: {  	v3 =	vor.u32 v3, v4  }
0xa2: {  	v4 =	vperm.xlane v3, v0;
	_ =	sdelay $0x1  }
0xa3: {  	v3 =	vperm.xlane v3, v2;
	v4 =	vadd.s32 v1, v4;
	_ =	sdelay $0x1  }
0xa4: {  	v3 =	vadd.s32 v1, v3;
	_ =	sdelay $0x2  }
0xa5: {  	[tilespmem:s5], [sflag:$0x2] =	stream.indirect_vreg.gather [hbm4b:s1+s4], $0x80, v4, vm0, $0xb8;
	[tilespmem:$0x15000] =	vst v63  }
0xa6: {  	_ = 	snop  }
0xa7: {  	[tilespmem:s6], [sflag:$0x2] =	stream.indirect_vreg.gather [hbm4b:s1+s4], $0x80, v3, vm0, $0xb8;
	[tilespmem:$0x15000] =	vst v63  }
0xa8: {  	v3 =	vld [tilespmem:s2+$0x10];
	_ =	sdelay $0x4  }
0xa9: {  	v59 =	vshll.u32 v3, $0x1  }
0xaa: {  	v3 =	vand.u32 $0x7, v3;
	v4 =	vand.u32 $0xFFFFFFF0, v59  }
0xab: {  	v3 =	vor.u32 v3, v4  }
0xac: {  	v4 =	vperm.xlane v3, v0;
	_ =	sdelay $0x1  }
0xad: {  	v3 =	vperm.xlane v3, v2;
	v4 =	vadd.s32 v1, v4;
	_ =	sdelay $0x1  }
0xae: {  	v3 =	vadd.s32 v1, v3;
	_ =	sdelay $0x2  }
0xaf: {  	[tilespmem:s7], [sflag:$0x2] =	stream.indirect_vreg.gather [hbm4b:s1+s4], $0x80, v4, vm0, $0xb8;
	[tilespmem:$0x15000] =	vst v63  }
0xb0: {  	_ = 	snop  }
0xb1: {  	[tilespmem:s15], [sflag:$0x2] =	stream.indirect_vreg.gather [hbm4b:s1+s4], $0x80, v3, vm0, $0xb8;
	[tilespmem:$0x15000] =	vst v63  }
0xb2: {  	v3 =	vld [tilespmem:s30+$0xFFFFFFE0];
	_ =	sdelay $0x4  }
0xb3: {  	v60 =	vshll.u32 v3, $0x1  }
0xb4: {  	v3 =	vand.u32 $0x7, v3;
	v4 =	vand.u32 $0xFFFFFFF0, v60  }
0xb5: {  	v3 =	vor.u32 v3, v4  }
0xb6: {  	v4 =	vperm.xlane v3, v0;
	_ =	sdelay $0x1  }
0xb7: {  	v3 =	vperm.xlane v3, v2;
	v4 =	vadd.s32 v1, v4;
	_ =	sdelay $0x1  }
0xb8: {  	v3 =	vadd.s32 v1, v3;
	_ =	sdelay $0x2  }
0xb9: {  	[tilespmem:s16], [sflag:$0x4] =	stream.indirect_vreg.gather [hbm4b:s3+s4], $0x80, v4, vm0, $0xb8;
	[tilespmem:$0x15000] =	vst v63  }
0xba: {  	_ = 	snop  }
0xbb: {  	[tilespmem:s17], [sflag:$0x4] =	stream.indirect_vreg.gather [hbm4b:s3+s4], $0x80, v3, vm0, $0xb8;
	[tilespmem:$0x15000] =	vst v63  }
0xbc: {  	v3 =	vld [tilespmem:s30+$0xFFFFFFF0];
	_ =	sdelay $0x4  }
0xbd: {  	v61 =	vshll.u32 v3, $0x1  }
0xbe: {  	v3 =	vand.u32 $0x7, v3;
	v4 =	vand.u32 $0xFFFFFFF0, v61  }
0xbf: {  	v3 =	vor.u32 v3, v4  }
0xc0: {  	v4 =	vperm.xlane v3, v0;
	_ =	sdelay $0x1  }
0xc1: {  	v3 =	vperm.xlane v3, v2;
	v4 =	vadd.s32 v1, v4;
	_ =	sdelay $0x1  }
0xc2: {  	v3 =	vadd.s32 v1, v3;
	_ =	sdelay $0x2  }
0xc3: {  	[tilespmem:s18], [sflag:$0x4] =	stream.indirect_vreg.gather [hbm4b:s3+s4], $0x80, v4, vm0, $0xb8;
	[tilespmem:$0x15000] =	vst v63  }
0xc4: {  	_ = 	snop  }
0xc5: {  	[tilespmem:s19], [sflag:$0x4] =	stream.indirect_vreg.gather [hbm4b:s3+s4], $0x80, v3, vm0, $0xb8;
	[tilespmem:$0x15000] =	vst v63  }
0xc6: {  	v3 =	vld [tilespmem:s30+$0x0];
	_ =	sdelay $0x4  }
0xc7: {  	v62 =	vshll.u32 v3, $0x1  }
0xc8: {  	v3 =	vand.u32 $0x7, v3;
	v4 =	vand.u32 $0xFFFFFFF0, v62  }
0xc9: {  	v3 =	vor.u32 v3, v4  }
0xca: {  	v4 =	vperm.xlane v3, v0;
	_ =	sdelay $0x1  }
0xcb: {  	v3 =	vperm.xlane v3, v2;
	v4 =	vadd.s32 v1, v4;
	_ =	sdelay $0x1  }
0xcc: {  	v3 =	vadd.s32 v1, v3;
	_ =	sdelay $0x2  }
0xcd: {  	[tilespmem:s20], [sflag:$0x4] =	stream.indirect_vreg.gather [hbm4b:s3+s4], $0x80, v4, vm0, $0xb8;
	[tilespmem:$0x15000] =	vst v63  }
0xce: {  	_ = 	snop  }
0xcf: {  	[tilespmem:s21], [sflag:$0x4] =	stream.indirect_vreg.gather [hbm4b:s3+s4], $0x80, v3, vm0, $0xb8;
	[tilespmem:$0x15000] =	vst v63  }
0xd0: {  	v3 =	vld [tilespmem:s30+$0x10];
	_ =	sdelay $0x4  }
0xd1: {  	v63 =	vshll.u32 v3, $0x1  }
0xd2: {  	v3 =	vand.u32 $0x7, v3;
	v4 =	vand.u32 $0xFFFFFFF0, v63  }
0xd3: {  	v3 =	vor.u32 v3, v4  }
0xd4: {  	v4 =	vperm.xlane v3, v0;
	_ =	sdelay $0x1  }
0xd5: {  	v3 =	vperm.xlane v3, v2;
	v4 =	vadd.s32 v1, v4;
	_ =	sdelay $0x1  }
0xd6: {  	v3 =	vadd.s32 v1, v3;
	_ =	sdelay $0x2  }
0xd7: {  	[tilespmem:s23], [sflag:$0x4] =	stream.indirect_vreg.gather [hbm4b:s3+s4], $0x80, v4, vm0, $0xb8;
	[tilespmem:$0x15000] =	vst v63  }
0xd8: {  	_ = 	snop  }
0xd9: {  	[tilespmem:s24], [sflag:$0x4] =	stream.indirect_vreg.gather [hbm4b:s3+s4], $0x80, v3, vm0, $0xb8;
	[tilespmem:$0x15000] =	vst v63  }
0xda: {  	_ =	swait.ge [sflag:s25], $0x4000  }
0xdb: {  	[sflag:s25] =	ssyncset.done $0x0  }
0xdc: {  	s13 =	sadd.s32 s0, s10;
	[sflag:s25] =	ssyncadd.s32 $0xFFFFC000  }
0xdd: {  	[hbm4b:s13+s4] =	stream.linear.scatter [tilespmem:s14], [sflag:$0x5], $0x4000, $0x38;
	[tilespmem:$0x15000] =	vst v63  }
0xde: {  	_ =	swait.ge [sflag:s12], $0x4000  }
0xdf: {  	[sflag:s12] =	ssyncset.done $0x0  }
0xe0: {  	[sflag:s12] =	ssyncadd.s32 $0xFFFFC000  }
0xe1: {  	_ =	swait.ge [sflag:s26], $0x4000  }
0xe2: {  	p0 =	seq.s32 s0, $0x27000;
	[sflag:s26] =	ssyncset.done $0x0  }
.Ltmp4:
0xe3: {  	s13 =	sadd.s32 s0, s11;
	[sflag:s26] =	ssyncadd.s32 $0xFFFFC000;
	(pc) =	sbr.rel @p0 .LBB2_4-.Ltmp4, $4  }
0xe4: {  	[hbm4b:s13+s4] =	stream.linear.scatter [tilespmem:s22], [sflag:$0x5], $0x4000, $0x38;
	[tilespmem:$0x15000] =	vst v63  }
0xe5: {  	_ =	swait.ge [sflag:s12], $0x4000  }
0xe6: {  	[sflag:s12] =	ssyncset.done $0x0  }
0xe7: {  	[sflag:s12] =	ssyncadd.s32 $0xFFFFC000  }
0xe8: {  	v3 =	vld [tilespmem:s2+$0x60];
	_ =	sdelay $0x4  }
0xe9: {  	v4 =	vshll.u32 v3, $0x1  }
0xea: {  	v3 =	vand.u32 $0x7, v3;
	v4 =	vand.u32 $0xFFFFFFF0, v4  }
0xeb: {  	v3 =	vor.u32 v3, v4  }
0xec: {  	v4 =	vperm.xlane v3, v0;
	_ =	sdelay $0x1  }
0xed: {  	v3 =	vperm.xlane v3, v2;
	v4 =	vadd.s32 v1, v4;
	_ =	sdelay $0x1  }
0xee: {  	v3 =	vadd.s32 v1, v3;
	_ =	sdelay $0x2  }
0xef: {  	[tilespmem:s14], [sflag:$0x1] =	stream.indirect_vreg.gather [hbm4b:s1+s4], $0x80, v4, vm0, $0xb8;
	[tilespmem:$0x15000] =	vst v63  }
0xf0: {  	s13 =	simm.s32 $0x5800  }
0xf1: {  	[tilespmem:s13], [sflag:$0x1] =	stream.indirect_vreg.gather [hbm4b:s1+s4], $0x80, v3, vm0, $0xb8;
	[tilespmem:$0x15000] =	vst v63  }
0xf2: {  	v3 =	vld [tilespmem:s2+$0x70];
	_ =	sdelay $0x4  }
0xf3: {  	v57 =	vshll.u32 v3, $0x1  }
0xf4: {  	v3 =	vand.u32 $0x7, v3;
	v4 =	vand.u32 $0xFFFFFFF0, v57  }
0xf5: {  	v3 =	vor.u32 v3, v4  }
0xf6: {  	v4 =	vperm.xlane v3, v0;
	_ =	sdelay $0x1  }
0xf7: {  	v3 =	vperm.xlane v3, v2;
	v4 =	vadd.s32 v1, v4;
	_ =	sdelay $0x1  }
0xf8: {  	v3 =	vadd.s32 v1, v3;
	_ =	sdelay $0x1  }
0xf9: {  	s13 =	simm.s32 $0x6000  }
0xfa: {  	[tilespmem:s13], [sflag:$0x1] =	stream.indirect_vreg.gather [hbm4b:s1+s4], $0x80, v4, vm0, $0xb8;
	[tilespmem:$0x15000] =	vst v63  }
0xfb: {  	s13 =	simm.s32 $0x6800  }
0xfc: {  	[tilespmem:s13], [sflag:$0x1] =	stream.indirect_vreg.gather [hbm4b:s1+s4], $0x80, v3, vm0, $0xb8;
	[tilespmem:$0x15000] =	vst v63  }
0xfd: {  	v3 =	vld [tilespmem:s2+$0x80];
	_ =	sdelay $0x4  }
0xfe: {  	v58 =	vshll.u32 v3, $0x1  }
0xff: {  	v3 =	vand.u32 $0x7, v3;
	v4 =	vand.u32 $0xFFFFFFF0, v58  }
0x100: {  	v3 =	vor.u32 v3, v4  }
0x101: {  	v4 =	vperm.xlane v3, v0;
	_ =	sdelay $0x1  }
0x102: {  	v3 =	vperm.xlane v3, v2;
	v4 =	vadd.s32 v1, v4;
	_ =	sdelay $0x1  }
0x103: {  	v3 =	vadd.s32 v1, v3;
	_ =	sdelay $0x1  }
0x104: {  	s13 =	simm.s32 $0x7000  }
0x105: {  	[tilespmem:s13], [sflag:$0x1] =	stream.indirect_vreg.gather [hbm4b:s1+s4], $0x80, v4, vm0, $0xb8;
	[tilespmem:$0x15000] =	vst v63  }
0x106: {  	s13 =	simm.s32 $0x7800  }
0x107: {  	[tilespmem:s13], [sflag:$0x1] =	stream.indirect_vreg.gather [hbm4b:s1+s4], $0x80, v3, vm0, $0xb8;
	[tilespmem:$0x15000] =	vst v63  }
0x108: {  	v3 =	vld [tilespmem:s2+$0x90];
	_ =	sdelay $0x4  }
0x109: {  	v59 =	vshll.u32 v3, $0x1  }
0x10a: {  	v3 =	vand.u32 $0x7, v3;
	v4 =	vand.u32 $0xFFFFFFF0, v59  }
0x10b: {  	v3 =	vor.u32 v3, v4  }
0x10c: {  	v4 =	vperm.xlane v3, v0;
	_ =	sdelay $0x1  }
0x10d: {  	v3 =	vperm.xlane v3, v2;
	v4 =	vadd.s32 v1, v4;
	_ =	sdelay $0x1  }
0x10e: {  	v3 =	vadd.s32 v1, v3;
	_ =	sdelay $0x1  }
0x10f: {  	s13 =	simm.s32 $0x8000  }
0x110: {  	[tilespmem:s13], [sflag:$0x1] =	stream.indirect_vreg.gather [hbm4b:s1+s4], $0x80, v4, vm0, $0xb8;
	[tilespmem:$0x15000] =	vst v63  }
0x111: {  	s13 =	simm.s32 $0x8800  }
0x112: {  	[tilespmem:s13], [sflag:$0x1] =	stream.indirect_vreg.gather [hbm4b:s1+s4], $0x80, v3, vm0, $0xb8;
	[tilespmem:$0x15000] =	vst v63  }
0x113: {  	v3 =	vld [tilespmem:s30+$0x60];
	_ =	sdelay $0x4  }
0x114: {  	v60 =	vshll.u32 v3, $0x1  }
0x115: {  	v3 =	vand.u32 $0x7, v3;
	v4 =	vand.u32 $0xFFFFFFF0, v60  }
0x116: {  	v3 =	vor.u32 v3, v4  }
0x117: {  	v4 =	vperm.xlane v3, v0;
	_ =	sdelay $0x1  }
0x118: {  	v3 =	vperm.xlane v3, v2;
	v4 =	vadd.s32 v1, v4;
	_ =	sdelay $0x1  }
0x119: {  	v3 =	vadd.s32 v1, v3;
	_ =	sdelay $0x2  }
0x11a: {  	[tilespmem:s22], [sflag:$0x3] =	stream.indirect_vreg.gather [hbm4b:s3+s4], $0x80, v4, vm0, $0xb8;
	[tilespmem:$0x15000] =	vst v63  }
0x11b: {  	s13 =	simm.s32 $0xD800  }
0x11c: {  	[tilespmem:s13], [sflag:$0x3] =	stream.indirect_vreg.gather [hbm4b:s3+s4], $0x80, v3, vm0, $0xb8;
	[tilespmem:$0x15000] =	vst v63  }
0x11d: {  	v3 =	vld [tilespmem:s30+$0x70];
	_ =	sdelay $0x4  }
0x11e: {  	v61 =	vshll.u32 v3, $0x1  }
0x11f: {  	v3 =	vand.u32 $0x7, v3;
	v4 =	vand.u32 $0xFFFFFFF0, v61  }
0x120: {  	v3 =	vor.u32 v3, v4  }
0x121: {  	v4 =	vperm.xlane v3, v0;
	_ =	sdelay $0x1  }
0x122: {  	v3 =	vperm.xlane v3, v2;
	v4 =	vadd.s32 v1, v4;
	_ =	sdelay $0x1  }
0x123: {  	v3 =	vadd.s32 v1, v3;
	_ =	sdelay $0x1  }
0x124: {  	s13 =	simm.s32 $0xE000  }
0x125: {  	[tilespmem:s13], [sflag:$0x3] =	stream.indirect_vreg.gather [hbm4b:s3+s4], $0x80, v4, vm0, $0xb8;
	[tilespmem:$0x15000] =	vst v63  }
0x126: {  	s13 =	simm.s32 $0xE800  }
0x127: {  	[tilespmem:s13], [sflag:$0x3] =	stream.indirect_vreg.gather [hbm4b:s3+s4], $0x80, v3, vm0, $0xb8;
	[tilespmem:$0x15000] =	vst v63  }
0x128: {  	v3 =	vld [tilespmem:s30+$0x80];
	_ =	sdelay $0x4  }
0x129: {  	v62 =	vshll.u32 v3, $0x1  }
0x12a: {  	v3 =	vand.u32 $0x7, v3;
	v4 =	vand.u32 $0xFFFFFFF0, v62  }
0x12b: {  	v3 =	vor.u32 v3, v4  }
0x12c: {  	v4 =	vperm.xlane v3, v0;
	_ =	sdelay $0x1  }
0x12d: {  	v3 =	vperm.xlane v3, v2;
	v4 =	vadd.s32 v1, v4;
	_ =	sdelay $0x1  }
0x12e: {  	v3 =	vadd.s32 v1, v3;
	_ =	sdelay $0x1  }
0x12f: {  	s13 =	simm.s32 $0xF000  }
0x130: {  	[tilespmem:s13], [sflag:$0x3] =	stream.indirect_vreg.gather [hbm4b:s3+s4], $0x80, v4, vm0, $0xb8;
	[tilespmem:$0x15000] =	vst v63  }
0x131: {  	s13 =	simm.s32 $0xF800  }
0x132: {  	[tilespmem:s13], [sflag:$0x3] =	stream.indirect_vreg.gather [hbm4b:s3+s4], $0x80, v3, vm0, $0xb8;
	[tilespmem:$0x15000] =	vst v63  }
0x133: {  	v3 =	vld [tilespmem:s30+$0x90];
	_ =	sdelay $0x4  }
0x134: {  	v63 =	vshll.u32 v3, $0x1  }
0x135: {  	v3 =	vand.u32 $0x7, v3;
	v4 =	vand.u32 $0xFFFFFFF0, v63  }
0x136: {  	v3 =	vor.u32 v3, v4  }
0x137: {  	v4 =	vperm.xlane v3, v0;
	_ =	sdelay $0x1  }
0x138: {  	v3 =	vperm.xlane v3, v2;
	v4 =	vadd.s32 v1, v4;
	_ =	sdelay $0x1  }
0x139: {  	v3 =	vadd.s32 v1, v3  }
.Ltmp5:
0x13a: {  	_ = 	snop;
	(pc) =	sbr.rel .LBB2_4-.Ltmp5, $4  }
0x13b: {  	s13 =	simm.s32 $0x10000  }
0x13c: {  	[tilespmem:s13], [sflag:$0x3] =	stream.indirect_vreg.gather [hbm4b:s3+s4], $0x80, v4, vm0, $0xb8;
	[tilespmem:$0x15000] =	vst v63  }
0x13d: {  	s13 =	simm.s32 $0x10800  }
0x13e: {  	[tilespmem:s13], [sflag:$0x3] =	stream.indirect_vreg.gather [hbm4b:s3+s4], $0x80, v3, vm0, $0xb8;
	[tilespmem:$0x15000] =	vst v63  }
.LBB2_6:
0x13f: {  	_ =	sfence.sel $0x180000  }
0x140: {  	[bflag:$0x0] =	sbarrier.arrive $0xFFFF  }
0x141: {  	_ =	strace $0x90000047  }
0x142: {  	s0 =	stileid.u32;
	[bflag:$0x2] =	sbarrier.arrive $0xFFFF  }
0x143: {  	p0 =	sne.s32 s0, $0x0;
	s0 =	rddreg [dreg:$0x3]  }
0x144: {  	s0 =	sadd.s32 @!p0 $0x100000, s0  }
0x145: {  	[sflag:s0] =	ssyncadd.tile.s32 @!p0 $0x1;
	_ =	shalt  }
.Lfunc_end2:
_tile_overlayer_lowered:
.L_overlay_start_2:
0x146: {  	(tag) =	ssettag $0x2  }
0x147: {  	s0 =	rddreg [dreg:$0x0];
	s2 =	stileid.u32  }
0x148: {  	s1 =	rddreg [dreg:$0x1];
	p0 =	sne.s32 s2, $0x0  }
0x149: {  	s3 =	rddreg [dreg:$0x2];
	[bflag:$0x3] =	sbarrier.arrive $0xFFFF;
	s2 =	simm.s32 @!p0 $0x1C05  }
0x14a: {  	[timem:s3], [sflag:s2] =	dma.local @!p0 [hbm:s0], s1  }
0x14b: {  	s0 =	simm.s32 @!p0 $0x5  }
0x14c: {  	_ =	swait.ge @!p0 [sflag:s0], s1  }
0x14d: {  	s1 =	ssub.s32 @!p0 $0x0, s1;
	[sflag:s0] =	ssyncset.done @!p0 $0x0  }
0x14e: {  	[sflag:s0] =	ssyncadd.s32 @!p0 s1  }
0x14f: {  	[bflag:$0x3] =	sbarrier.arrive $0xFFFF  }
0x150: {  	_ =	shalt  }

// kernel: kernel.13.cloned.1.call-start
scs
__scs_entry_jumppad:
0x0: {  	(pc) =	sbr.rel $0x88, $3  }
0x1: {  	(tag) =	ssettag $0x0;
	lr =	simm.s32 $0x1  }
0x2: {  	[smem:$0x3F8A] =	sst lr;
	_ =	strace $0xD0000000  }
0x3: {  	_ = 	snop  }
0x4: {  	_ = 	snop  }
0x5: {  	_ = 	snop  }
0x6: {  	_ = 	snop  }
0x7: {  	_ = 	snop  }
__scs_overlays_trampoline_lowered:
0x8: {  	[smem:$0x3F99] =	sst s0  }
0x9: {  	[smem:$0x3F9A] =	sst s1  }
0xa: {  	[smem:$0x3F9B] =	sst s2  }
0xb: {  	[smem:$0x3F9C] =	sst s3  }
0xc: {  	[smem:$0x3F9D] =	sst s4  }
0xd: {  	[smem:$0x3F9E] =	sst s5  }
0xe: {  	[smem:$0x3F9F] =	sst s6  }
0xf: {  	[smem:$0x3FA0] =	sst s7  }
0x10: {  	[smem:$0x3FA1] =	sst s8  }
0x11: {  	[smem:$0x3FA2] =	sst s9;
	s0 =	simm.s32 @!p0 $0x0  }
0x12: {  	s1 =	sld [smem:$0x3F88];
	s0 =	simm.s32 @p0 $0x1  }
0x13: {  	[smem:$0x3FA3] =	sst s0;
	s0 =	simm.s32 @!p1 $0x0  }
0x14: {  	s2 =	sld [smem:$0x3F87];
	s0 =	simm.s32 @p1 $0x1  }
0x15: {  	[smem:$0x3FA4] =	sst s0;
	s0 =	simm.s32 @!p2 $0x0  }
0x16: {  	s3 =	sld [smem:$0x3FDB];
	s0 =	simm.s32 @p2 $0x1  }
0x17: {  	s4 =	simm.s32 $0x1BF5;
	[smem:$0x3FA6] =	sst s0  }
0x18: {  	s0 =	sld [smem:$0x3F89];
	_ =	swait.ge [sflag:s4], $0x0  }
0x19: {  	s7 =	sld [smem:$0x3F8A]  }
0x1a: {  	s8 =	sadd.s32 $0xFFFFE003, lr  }
0x1b: {  	s9 =	sadd.s32 $0xFFFFFEF7, lr;
	s5 =	simm.s32 $0xFFFFFFFF;
	p2 =	slt.u32 s8, $0xFFFFF086  }
0x1c: {  	p1 =	slt.u32 s9, $0xF7A;
	s5 =	simm.s32 @!p2 $0x0  }
0x1d: {  	s5 =	simm.s32 @p1 $0x1;
	p0 =	seq.s32 s7, s2  }
0x1e: {  	s7 =	smul.u32 @!p0 $0xF7A, s2;
	p2 =	seq.s32 @!p0 s5, $0x0  }
0x1f: {  	s9 =	smul.u32 $0xF7A, s1;
	s8 =	simm.s32 @!p0 $0x1BF5;
	p2 =	por !p2, p0  }
0x20: {  	[sflag:s8] =	ssyncset.s32 @!p0 $0xFFFFF086;
	s6 =	sadd.s32 @!p0 s3, s7;
	s7 =	simm.s32 @!p0 $0x108  }
0x21: {  	s3 =	sadd.s32 s3, s9;
	s6 =	sadd.s32 @!p0 $0x88, s6;
	s7 =	simm.s32 @p2 $0x1082  }
0x22: {  	[simem:s7], [sflag:s8] =	dma.local @!p0 [hbm:s6], $0xF7A  }
0x23: {  	s9 =	sor.u32 $0xD0000000, s2;
	s6 =	simm.s32 $0x108;
	_ =	swait.ge @!p0 [sflag:s8], $0x0  }
0x24: {  	s3 =	sadd.s32 $0x88, s3;
	s6 =	simm.s32 @!p1 $0x1082;
	[sflag:s4] =	ssyncset.s32 $0xFFFFF086  }
0x25: {  	[simem:s6], [sflag:s4] =	dma.local [hbm:s3], $0xF7A  }
0x26: {  	[smem:$0x3F8A] =	sst s1;
	(tag) =	ssettag s2;
	_ =	strace s9  }
0x27: {  	s1 =	sld [smem:$0x3F9A]  }
0x28: {  	s2 =	sld [smem:$0x3F9B]  }
0x29: {  	s4 =	sld [smem:$0x3F9D]  }
0x2a: {  	p0 =	seq.s32 s5, $0x0;
	s5 =	sld [smem:$0x3F9E]  }
0x2b: {  	s6 =	sld [smem:$0x3F9F]  }
0x2c: {  	s7 =	sld [smem:$0x3FA0]  }
0x2d: {  	s3 =	simm.s32 $0x108;
	s8 =	sld [smem:$0x3FA1]  }
0x2e: {  	s3 =	simm.s32 @!p0 $0x1082;
	s9 =	sld [smem:$0x3FA2]  }
0x2f: {  	lr =	sadd.s32 s0, s3;
	s0 =	sld [smem:$0x3F99]  }
0x30: {  	s3 =	sld [smem:$0x3F9C]  }
0x31: {  	[smem:$0x3FA5] =	sst s10  }
0x32: {  	s10 =	sld [smem:$0x3FA3];
	_ =	sdelay $0x3  }
0x33: {  	p0 =	seq.s32 s10, $0x1;
	s10 =	sld [smem:$0x3FA5];
	_ =	sdelay $0x3  }
0x34: {  	[smem:$0x3FA5] =	sst s10  }
0x35: {  	s10 =	sld [smem:$0x3FA4];
	_ =	sdelay $0x3  }
0x36: {  	p1 =	seq.s32 s10, $0x1;
	s10 =	sld [smem:$0x3FA5];
	_ =	sdelay $0x3  }
0x37: {  	[smem:$0x3FA5] =	sst s10  }
0x38: {  	s10 =	sld [smem:$0x3FA6]  }
0x39: {  	_ = 	snop;
	(pc) =	sbr.ind lr, $3  }
0x3a: {  	_ = 	snop  }
0x3b: {  	_ = 	snop  }
0x3c: {  	p2 =	seq.s32 s10, $0x1;
	s10 =	sld [smem:$0x3FA5]  }
0x3d: {  	_ =	shalt  }
0x3e: {  	_ =	shalt  }
0x3f: {  	_ =	shalt  }
0x40: {  	_ =	shalt  }
0x41: {  	_ =	shalt  }
0x42: {  	_ =	shalt  }
0x43: {  	_ =	shalt  }
0x44: {  	_ =	shalt  }
0x45: {  	_ =	shalt  }
0x46: {  	_ =	shalt  }
0x47: {  	_ =	shalt  }
0x48: {  	_ =	shalt  }
0x49: {  	_ =	shalt  }
0x4a: {  	_ =	shalt  }
0x4b: {  	_ =	shalt  }
0x4c: {  	_ =	shalt  }
0x4d: {  	_ =	shalt  }
0x4e: {  	_ =	shalt  }
0x4f: {  	_ =	shalt  }
0x50: {  	_ =	shalt  }
0x51: {  	_ =	shalt  }
0x52: {  	_ =	shalt  }
0x53: {  	_ =	shalt  }
0x54: {  	_ =	shalt  }
0x55: {  	_ =	shalt  }
0x56: {  	_ =	shalt  }
0x57: {  	_ =	shalt  }
0x58: {  	_ =	shalt  }
0x59: {  	_ =	shalt  }
0x5a: {  	_ =	shalt  }
0x5b: {  	_ =	shalt  }
0x5c: {  	_ =	shalt  }
0x5d: {  	_ =	shalt  }
0x5e: {  	_ =	shalt  }
0x5f: {  	_ =	shalt  }
0x60: {  	_ =	shalt  }
0x61: {  	_ =	shalt  }
0x62: {  	_ =	shalt  }
0x63: {  	_ =	shalt  }
0x64: {  	_ =	shalt  }
0x65: {  	_ =	shalt  }
0x66: {  	_ =	shalt  }
0x67: {  	_ =	shalt  }
0x68: {  	_ =	shalt  }
0x69: {  	_ =	shalt  }
0x6a: {  	_ =	shalt  }
0x6b: {  	_ =	shalt  }
0x6c: {  	_ =	shalt  }
0x6d: {  	_ =	shalt  }
0x6e: {  	_ =	shalt  }
0x6f: {  	_ =	shalt  }
0x70: {  	_ =	shalt  }
0x71: {  	_ =	shalt  }
0x72: {  	_ =	shalt  }
0x73: {  	_ =	shalt  }
0x74: {  	_ =	shalt  }
0x75: {  	_ =	shalt  }
0x76: {  	_ =	shalt  }
0x77: {  	_ =	shalt  }
0x78: {  	_ =	shalt  }
0x79: {  	_ =	shalt  }
0x7a: {  	_ =	shalt  }
0x7b: {  	_ =	shalt  }
0x7c: {  	_ =	shalt  }
0x7d: {  	_ =	shalt  }
0x7e: {  	_ =	shalt  }
0x7f: {  	_ =	shalt  }
0x80: {  	_ =	shalt  }
0x81: {  	_ =	shalt  }
0x82: {  	_ =	shalt  }
0x83: {  	_ =	shalt  }
0x84: {  	_ =	shalt  }
0x85: {  	_ =	shalt  }
0x86: {  	_ =	shalt  }
0x87: {  	_ =	shalt  }
.Lfunc_end0:
.L_simem_size_0:
called_computation.1_lowered:
.L_overlay_start_0:
0x88: {  	s2 =	sld [smem:$0x3FD9]  }
0x89: {  	s3 =	sld [smem:$0x3FFE];
	_ =	sdelay $0x1  }
0x8a: {  	s1 =	srdreg.scid  }
0x8b: {  	s0 =	sand.u32 $0x1, s1  }
0x8c: {  	s14 =	sshll.u32 s0, $0xA;
	s2 =	sadd.s32 s3, s2  }
0x8d: {  	s2 =	sadd.s32 s2, s14  }
0x8e: {  	[smem:$0x3FB1] =	sst s2  }
0x8f: {  	_ = 	snop  }
0x90: {  	s2 =	sld [smem:$0x3FD0];
	_ =	sdelay $0x2  }
0x91: {  	s15 =	simm.s32 $0xA;
	s4 =	simm.s32 $0x10  }
0x92: {  	[smem:s4], [sflag:s15] =	dma.local [hbm:s2], $0x1  }
0x93: {  	_ =	swait.eq [sflag:s15], $0x1  }
0x94: {  	[sflag:s15] =	ssyncset.done $0x0  }
0x95: {  	[sflag:s15] =	ssyncadd.s32 $0xFFFFFFFF  }
0x96: {  	s16 =	sld [smem:$0x10];
	(tm) =	ssettm $0x1  }
0x97: {  	s17 =	sld [smem:$0x3FFB];
	_ =	sdelay $0x3  }
0x98: {  	_ =	strace s17  }
0x99: {  	s3 =	sld [smem:$0x3FFC];
	_ =	sdelay $0x3  }
0x9a: {  	_ =	strace s3  }
0x9b: {  	s3 =	sld [smem:$0x3FFD];
	_ =	sdelay $0x3  }
0x9c: {  	_ =	strace s3  }
0x9d: {  	_ =	strace $0x8FFFFFFF  }
0x9e: {  	s18 =	sld [smem:$0x3FDB];
	_ =	sdelay $0x1  }
0x9f: {  	s19 =	simm.s32 $_scs_section_size  }
0xa0: {  	s5 =	simm.s32 $_size__tile_overlayer_lowered;
	s6 =	simm.s32 $_tile_overlayer_lowered  }
0xa1: {  	s22 =	simm.s32 $0x1BFF;
	s21 =	sshll.u32 s6, $0x1;
	s3 =	sadd.s32 s19, s18  }
0xa2: {  	s7 =	simm.s32 $0x0;
	s20 =	sshll.u32 s5, $0x1;
	s5 =	sadd.s32 s21, s3  }
0xa3: {  	[timem:s7], [sflag:s22] =	dma.local [hbm:s5], s20  }
0xa4: {  	_ =	swait.ge [sflag:s22], s20  }
0xa5: {  	s4 =	ssub.s32 $0x0, s20;
	[sflag:s22] =	ssyncset.done $0x0  }
0xa6: {  	[sflag:s22] =	ssyncadd.s32 s4;
	_ =	sdelay $0x1  }
0xa7: {  	s23 =	simm.s32 $0x1B8B  }
0xa8: {  	_ =	swait.ge [sflag:s23], $0x1  }
0xa9: {  	[sflag:s23] =	ssyncset.done $0x0  }
0xaa: {  	s25 =	simm.s32 $0x1B8E;
	s24 =	sld [smem:$0x3FFE];
	[sflag:s23] =	ssyncadd.s32 $0xFFFFFFFF  }
0xab: {  	s26 =	simm.s32 $execute0_lowered;
	[smem:$0x3FD2] =	sst s25  }
0xac: {  	s5 =	sshll.u32 s26, $0x1;
	_ =	strace $0x80000049;
	[dreg:$0x1] =	wrdreg $0xFFFFFFFF  }
0xad: {  	s28 =	simm.s32 $_size_execute0_lowered;
	s3 =	sadd.s32 s3, s5;
	[dreg:$0x0] =	wrdreg $0x0  }
0xae: {  	s5 =	sshll.u32 s28, $0x1;
	[dreg:$0x2] =	wrdreg s3  }
0xaf: {  	[dreg:$0x3] =	wrdreg s5  }
0xb0: {  	[dreg:$0x4] =	wrdreg $0xC0  }
0xb1: {  	_ =	task [dreg:s7], $0x5FFFF  }
0xb2: {  	[dreg:$0x1] =	wrdreg $0xFFFFFFFF  }
0xb3: {  	[dreg:$0x0] =	wrdreg $0x60  }
0xb4: {  	[dreg:$0x2] =	wrdreg s24  }
0xb5: {  	[dreg:$0x3] =	wrdreg s16  }
0xb6: {  	[dreg:$0x4] =	wrdreg $0x94000  }
0xb7: {  	[dreg:$0x5] =	wrdreg $0x9  }
0xb8: {  	_ =	task.clear_ibuf [dreg:s7], $0x6FFFF;
	_ =	strace $0x90000049  }
0xb9: {  	s29 =	simm.s32 $0x9;
	_ =	strace $0x8000004B  }
0xba: {  	_ =	swait.ge [sflag:s29], $0x1  }
0xbb: {  	[sflag:s29] =	ssyncadd.s32 $0xFFFFFFFF  }
0xbc: {  	_ =	strace $0x9000004B  }
0xbd: {  	_ =	sfence  }
0xbe: {  	s30 =	sld [smem:$0x0];
	_ =	sdelay $0x2  }
0xbf: {  	s31 =	sshll.u32 s1, $0xD;
	s1 =	sshrl.u32 s1, $0x2  }
0xc0: {  	s3 =	sand.u32 $0x4000, s31;
	s1 =	sadd.s32 s1, s30  }
0xc1: {  	s0 =	sor.u32 s3, s0;
	s1 =	sshll.u32 s1, $0x11  }
0xc2: {  	s0 =	sor.u32 s1, s0  }
0xc3: {  	s0 =	sadd.s32 $0x8F2B, s0  }
0xc4: {  	[sflag:s0] =	ssyncadd.remote.s32 $0x1  }
0xc5: {  	_ =	sfence.sel $0xFFFF  }
0xc6: {  	[dreg:$0x0] =	wrdreg $0xFFFFFFFF;
	(pc) =	sbr.abs _section_cstart, $3  }
0xc7: {  	[dreg:$0x1] =	wrdreg $0xFFFFFFFF  }
0xc8: {  	_ =	task.clear_ibuf [dreg:s7], $0x2FFFF;
	_ =	strace $0x9FFFFFFF  }
0xc9: {  	(tm) =	ssettm $0x7FFFFFFF  }
tec
execute0_lowered:
.L_overlay_start_1:
0x0: {  	(tag) =	ssettag $0x1  }
0x1: {  	s0 =	rddreg [dreg:$0x0]  }
0x2: {  	s1 =	srdreg.scid;
	s4 =	rddreg [dreg:$0x1]  }
0x3: {  	s23 =	stileid.u32;
	s2 =	rddreg [dreg:$0x2]  }
0x4: {  	s28 =	simm.s32 $0x3;
	s29 =	simm.s32 $0x1400;
	s30 =	simm.s32 $0x5400  }
0x5: {  	s31 =	simm.s32 $0x1;
	s6 =	sadd.s32 $0xC8EE00, s0;
	s12 =	smul.u32 $0x14000, s23  }
0x6: {  	s1 =	sand.u32 $0x1, s1;
	s8 =	sadd.s32 $0xF0EE00, s0;
	s26 =	smul.u32 $0x140000, s23  }
0x7: {  	s3 =	sshll.u32 s23, $0x1;
	s10 =	sadd.s32 $0x118EE00, s0;
	s9 =	smul.u32 $0x138800, s1  }
0x8: {  	s5 =	sor.u32 s1, s3;
	s11 =	ssub.s32 $0x2, s1;
	s1 =	smul.u32 $0xA0000, s1  }
0x9: {  	s13 =	sadd.s32 $0xC600, s0;
	s16 =	sadd.s32 $0x5A800, s0;
	s7 =	smul.u32 $0x280, s5  }
0xa: {  	p0 =	seq.s32 s23, $0xF;
	s3 =	simm.s32 $0x0;
	s15 =	smul.u32 $0x14000, s5  }
0xb: {  	s14 =	sshrl.u32 s11, $0x1;
	s5 =	smul.u32 $0xA0000, s5;
	[smem:$0x7FF] =	sst s3  }
0xc: {  	s11 =	ssub.s32 s11, s14;
	s12 =	sadd.s32 s12, s9;
	s22 =	sadd.s32 s6, s15  }
0xd: {  	s9 =	sshrl.u32 s9, $0x3;
	s25 =	sadd.s32 s8, s15;
	[dreg:$0x4] =	wrdreg s22  }
0xe: {  	s12 =	sshrl.u32 s12, $0x3;
	s18 =	sadd.s32 s10, s15;
	[dreg:$0x7] =	wrdreg s25  }
0xf: {  	s9 =	sadd.s32 $0x25800, s9;
	s24 =	sadd.s32 s4, s12;
	[dreg:$0xa] =	wrdreg s18  }
0x10: {  	s1 =	sadd.s32 s1, s26;
	s4 =	sadd.s32 s4, s9;
	[dreg:$0x5] =	wrdreg s24  }
0x11: {  	s5 =	sshrl.u32 s5, $0x3;
	s17 =	sadd.s32 s13, s12;
	[dreg:$0x6] =	wrdreg s4  }
0x12: {  	s20 =	sor.u32 $0x8000, s1;
	s13 =	sadd.s32 s13, s9;
	[dreg:$0x8] =	wrdreg s17  }
0x13: {  	s1 =	sor.u32 $0x4000, s1;
	s12 =	sadd.s32 s16, s12;
	[dreg:$0x9] =	wrdreg s13  }
0x14: {  	s9 =	sadd.s32 s16, s9;
	s5 =	sadd.s32 $0x13800, s5;
	[dreg:$0xb] =	wrdreg s12  }
0x15: {  	s1 =	sshrl.u32 s1, $0x3;
	[dreg:$0xc] =	wrdreg s9;
	s19 =	sadd.s32 s6, s5  }
0x16: {  	s22 =	smul.u32 $0x50000, s23;
	s21 =	sadd.s32 s8, s5;
	[dreg:$0xd] =	wrdreg s19  }
0x17: {  	s4 =	sshrl.u32 s20, $0x3;
	s5 =	sadd.s32 s10, s5;
	[dreg:$0xe] =	wrdreg s21  }
0x18: {  	s17 =	sadd.s32 s1, s6;
	s24 =	sadd.s32 s7, s0;
	[dreg:$0xf] =	wrdreg s5  }
0x19: {  	s16 =	sadd.s32 s4, s6;
	s18 =	sadd.s32 s4, s8;
	s19 =	sadd.s32 s1, s8  }
0x1a: {  	s20 =	sadd.s32 s4, s10;
	s21 =	sadd.s32 s1, s10;
	s25 =	sshrl.u32 s22, $0x2  }
0x1b: {  	s22 =	sadd.s32 $0x9E00, s0;
	s26 =	sadd.s32 $0x4E00, s24;
	s1 =	simm.s32 $0x80  }
0x1c: {  	s0 =	simm.s32 $0x2;
	s4 =	simm.s32 $0x1300;
	s5 =	simm.s32 $0x1380  }
0x1d: {  	s6 =	simm.s32 $0x0;
	_ =	strace $0x8000004A;
	[dreg:$0x10] =	wrdreg s26  }
0x1e: {  	s24 =	sadd.s32 s25, s2;
	s25 =	smax.u32 s11, $0x1;
	s26 =	sadd.s32 $0x12C000, s2  }
.LBB2_1:
0x1f: {  	s7 =	rddreg [dreg:$0x10]  }
0x20: {  	[tilespmem:s3], [sflag:$0x3] =	stream.linear.gather [hbm4b:s7+s3], $0x1400, $0x38;
	[tilespmem:$0x1D400] =	vst v63  }
0x21: {  	s13 =	stileid.u32;
	_ =	swait.ge [sflag:s28], $0x1400  }
0x22: {  	s7 =	sshll.u32 s13, $0x6;
	[sflag:s28] =	ssyncset.done $0x0  }
0x23: {  	s8 =	sshrl.u32 s24, $0x3;
	s7 =	sor.u32 $0x1C03, s7;
	[sflag:s28] =	ssyncadd.s32 $0xFFFFEC00  }
0x24: {  	[spmem:s8], [sflag:s7] =	dma.local [hbm:s22], $0x2800  }
0x25: {  	_ =	swait.ge [sflag:s28], $0x2800  }
0x26: {  	[sflag:s28] =	ssyncset.done $0x0  }
0x27: {  	[sflag:s28] =	ssyncadd.s32 $0xFFFFD800  }
0x28: {  	[bflag:$0x0] =	sbarrier.arrive $0xFFFF  }
0x29: {  	s9 =	rddreg [dreg:$0x4]  }
0x2a: {  	[tilespmem:s29], [sflag:$0x1] =	stream.linear.gather [hbm4b:s9+s3], $0x4000, $0x38;
	[tilespmem:$0x1D400] =	vst v63  }
0x2b: {  	s14 =	sadd.s32 $0x0, s17  }
0x2c: {  	[tilespmem:s30], [sflag:$0x2] =	stream.linear.gather [hbm4b:s14+s3], $0x4000, $0x38;
	[tilespmem:$0x1D400] =	vst v63  }
0x2d: {  	_ =	swait.ge [sflag:s31], $0x4000  }
0x2e: {  	[sflag:s31] =	ssyncset.done $0x0  }
0x2f: {  	[sflag:s31] =	ssyncadd.s32 $0xFFFFC000  }
0x30: {  	[spmem:s2] =	stream.indirect.scatter.add.f32 [tilespmem:s29], [sflag:$0x3], $0x80, s3, s1, $0xb8;
	[tilespmem:$0x1D400] =	vst v63  }
0x31: {  	_ =	swait.ge [sflag:s28], $0x4000  }
0x32: {  	[sflag:s28] =	ssyncset.done $0x0  }
0x33: {  	s15 =	sadd.s32 $0x0, s16;
	[sflag:s28] =	ssyncadd.s32 $0xFFFFC000  }
0x34: {  	[tilespmem:s29], [sflag:$0x1] =	stream.linear.gather [hbm4b:s15+s3], $0x4000, $0x38;
	[tilespmem:$0x1D400] =	vst v63  }
0x35: {  	_ =	swait.ge [sflag:s0], $0x4000  }
0x36: {  	[sflag:s0] =	ssyncset.done $0x0  }
0x37: {  	s23 =	simm.s32 $0x80;
	[sflag:s0] =	ssyncadd.s32 $0xFFFFC000  }
0x38: {  	[spmem:s2] =	stream.indirect.scatter.add.f32 [tilespmem:s30], [sflag:$0x3], $0x80, s23, s1, $0xb8;
	[tilespmem:$0x1D400] =	vst v63  }
0x39: {  	s10 =	simm.s32 $0x1000;
	_ =	swait.ge [sflag:s28], $0x4000  }
0x3a: {  	s11 =	simm.s32 $0x2000;
	s9 =	simm.s32 $0x100;
	[sflag:s28] =	ssyncset.done $0x0  }
.LBB2_2:
0x3b: {  	s12 =	sadd.s32 s10, s17  }
0x3c: {  	[sflag:s28] =	ssyncadd.s32 $0xFFFFC000;
	s13 =	smov.u32 s11;
	s14 =	sadd.s32 $0x1000, s11  }
0x3d: {  	[tilespmem:s30], [sflag:$0x2] =	stream.linear.gather [hbm4b:s12+s3], $0x4000, $0x38;
	[tilespmem:$0x1D400] =	vst v63  }
0x3e: {  	p1 =	sne.s32 s11, $0x12000;
	_ =	swait.ge [sflag:s31], $0x4000  }
0x3f: {  	[sflag:s31] =	ssyncset.done $0x0  }
0x40: {  	[sflag:s31] =	ssyncadd.s32 $0xFFFFC000  }
0x41: {  	[spmem:s2] =	stream.indirect.scatter.add.f32 [tilespmem:s29], [sflag:$0x3], $0x80, s9, s1, $0xb8;
	[tilespmem:$0x1D400] =	vst v63  }
0x42: {  	_ =	swait.ge [sflag:s28], $0x4000  }
0x43: {  	[sflag:s28] =	ssyncset.done $0x0  }
0x44: {  	s11 =	sadd.s32 s10, s16;
	s10 =	smov.u32 s13;
	[sflag:s28] =	ssyncadd.s32 $0xFFFFC000  }
0x45: {  	[tilespmem:s29], [sflag:$0x1] =	stream.linear.gather [hbm4b:s11+s3], $0x4000, $0x38;
	[tilespmem:$0x1D400] =	vst v63  }
0x46: {  	_ =	swait.ge [sflag:s0], $0x4000  }
.Ltmp0:
0x47: {  	[sflag:s0] =	ssyncset.done $0x0;
	(pc) =	sbr.rel @p1 .LBB2_2-.Ltmp0, $4  }
0x48: {  	s11 =	sadd.s32 $0x80, s9;
	[sflag:s0] =	ssyncadd.s32 $0xFFFFC000  }
0x49: {  	[spmem:s2] =	stream.indirect.scatter.add.f32 [tilespmem:s30], [sflag:$0x3], $0x80, s11, s1, $0xb8;
	[tilespmem:$0x1D400] =	vst v63  }
0x4a: {  	_ =	swait.ge [sflag:s28], $0x4000  }
0x4b: {  	s9 =	sadd.s32 $0x100, s9;
	s11 =	smov.u32 s14;
	[sflag:s28] =	ssyncset.done $0x0  }
0x4c: {  	s11 =	sadd.s32 s10, s17;
	[sflag:s28] =	ssyncadd.s32 $0xFFFFC000  }
0x4d: {  	[tilespmem:s30], [sflag:$0x2] =	stream.linear.gather [hbm4b:s11+s3], $0x4000, $0x38;
	[tilespmem:$0x1D400] =	vst v63  }
0x4e: {  	_ =	swait.ge [sflag:s31], $0x4000  }
0x4f: {  	[sflag:s31] =	ssyncset.done $0x0  }
0x50: {  	[sflag:s31] =	ssyncadd.s32 $0xFFFFC000  }
0x51: {  	[spmem:s2] =	stream.indirect.scatter.add.f32 [tilespmem:s29], [sflag:$0x3], $0x80, s9, s1, $0xb8;
	[tilespmem:$0x1D400] =	vst v63  }
0x52: {  	_ =	swait.ge [sflag:s28], $0x4000  }
0x53: {  	[sflag:s28] =	ssyncset.done $0x0  }
0x54: {  	s23 =	sadd.s32 s10, s16;
	[sflag:s28] =	ssyncadd.s32 $0xFFFFC000  }
0x55: {  	[tilespmem:s29], [sflag:$0x1] =	stream.linear.gather [hbm4b:s23+s3], $0x4000, $0x38;
	[tilespmem:$0x1D400] =	vst v63  }
0x56: {  	_ =	swait.ge [sflag:s0], $0x4000  }
0x57: {  	[sflag:s0] =	ssyncset.done $0x0  }
0x58: {  	s11 =	sadd.s32 $0x80, s9;
	[sflag:s0] =	ssyncadd.s32 $0xFFFFC000  }
0x59: {  	[spmem:s2] =	stream.indirect.scatter.add.f32 [tilespmem:s30], [sflag:$0x3], $0x80, s11, s1, $0xb8;
	[tilespmem:$0x1D400] =	vst v63  }
0x5a: {  	_ =	swait.ge [sflag:s28], $0x4000  }
0x5b: {  	[sflag:s28] =	ssyncset.done $0x0  }
0x5c: {  	s12 =	rddreg [dreg:$0xd];
	[sflag:s28] =	ssyncadd.s32 $0xFFFFC000  }
0x5d: {  	[tilespmem:s30], [sflag:$0x2] =	stream.linear.gather [hbm4b:s12+s3], $0x4000, $0x38;
	[tilespmem:$0x1D400] =	vst v63  }
0x5e: {  	_ =	swait.ge [sflag:s31], $0x4000  }
0x5f: {  	[sflag:s31] =	ssyncset.done $0x0  }
0x60: {  	[sflag:s31] =	ssyncadd.s32 $0xFFFFC000  }
0x61: {  	[spmem:s2] =	stream.indirect.scatter.add.f32 [tilespmem:s29], [sflag:$0x3], $0x80, s4, s1, $0xb8;
	[tilespmem:$0x1D400] =	vst v63  }
0x62: {  	_ =	swait.ge [sflag:s28], $0x4000  }
0x63: {  	[sflag:s28] =	ssyncset.done $0x0  }
0x64: {  	[sflag:s28] =	ssyncadd.s32 $0xFFFFC000  }
0x65: {  	_ =	swait.ge [sflag:s0], $0x4000  }
0x66: {  	[sflag:s0] =	ssyncset.done $0x0  }
0x67: {  	[sflag:s0] =	ssyncadd.s32 $0xFFFFC000  }
0x68: {  	[spmem:s2] =	stream.indirect.scatter.add.f32 [tilespmem:s30], [sflag:$0x3], $0x80, s5, s1, $0xb8;
	[tilespmem:$0x1D400] =	vst v63  }
0x69: {  	_ =	swait.ge [sflag:s28], $0x4000  }
0x6a: {  	[sflag:s28] =	ssyncset.done $0x0  }
0x6b: {  	[sflag:s28] =	ssyncadd.s32 $0xFFFFC000  }
0x6c: {  	[bflag:$0x0] =	sbarrier.arrive $0xFFFF  }
0x6d: {  	s9 =	sshrl.u32 @p0 s26, $0x3;
	s10 =	rddreg [dreg:$0x6]  }
0x6e: {  	[hbm:s10], [sflag:s7] =	dma.local @p0 [spmem:s9], $0x1900  }
0x6f: {  	s10 =	simm.s32 @p0 $0x3  }
0x70: {  	_ =	swait.ge @p0 [sflag:s10], $0x1900  }
0x71: {  	[sflag:s10] =	ssyncset.done @p0 $0x0  }
0x72: {  	s11 =	rddreg [dreg:$0x5];
	[sflag:s10] =	ssyncadd.s32 @p0 $0xFFFFE700;
	s10 =	sshrl.u32 @!p0 s24, $0x3  }
0x73: {  	[hbm:s11], [sflag:s7] =	dma.local @!p0 [spmem:s10], $0x2800  }
0x74: {  	s11 =	simm.s32 @!p0 $0x3  }
0x75: {  	_ =	swait.ge @!p0 [sflag:s11], $0x2800  }
0x76: {  	[sflag:s11] =	ssyncset.done @!p0 $0x0  }
0x77: {  	[sflag:s11] =	ssyncadd.s32 @!p0 $0xFFFFD800  }
0x78: {  	[bflag:$0x0] =	sbarrier.arrive $0xFFFF  }
0x79: {  	[spmem:s8], [sflag:s7] =	dma.local [hbm:s22], $0x2800  }
0x7a: {  	_ =	swait.ge [sflag:s28], $0x2800  }
0x7b: {  	[sflag:s28] =	ssyncset.done $0x0  }
0x7c: {  	[sflag:s28] =	ssyncadd.s32 $0xFFFFD800  }
0x7d: {  	[bflag:$0x0] =	sbarrier.arrive $0xFFFF  }
0x7e: {  	s13 =	simm.s32 $0x0;
	s12 =	rddreg [dreg:$0x7]  }
0x7f: {  	[tilespmem:s29], [sflag:$0x1] =	stream.linear.gather [hbm4b:s12+s13], $0x4000, $0x38;
	[tilespmem:$0x1D400] =	vst v63  }
0x80: {  	s14 =	sadd.s32 $0x0, s19  }
0x81: {  	[tilespmem:s30], [sflag:$0x2] =	stream.linear.gather [hbm4b:s14+s3], $0x4000, $0x38;
	[tilespmem:$0x1D400] =	vst v63  }
0x82: {  	_ =	swait.ge [sflag:s31], $0x4000  }
0x83: {  	[sflag:s31] =	ssyncset.done $0x0  }
0x84: {  	[sflag:s31] =	ssyncadd.s32 $0xFFFFC000  }
0x85: {  	[spmem:s2] =	stream.indirect.scatter.add.f32 [tilespmem:s29], [sflag:$0x3], $0x80, s13, s1, $0xb8;
	[tilespmem:$0x1D400] =	vst v63  }
0x86: {  	_ =	swait.ge [sflag:s28], $0x4000  }
0x87: {  	[sflag:s28] =	ssyncset.done $0x0  }
0x88: {  	s15 =	sadd.s32 $0x0, s18;
	[sflag:s28] =	ssyncadd.s32 $0xFFFFC000  }
0x89: {  	[tilespmem:s29], [sflag:$0x1] =	stream.linear.gather [hbm4b:s15+s3], $0x4000, $0x38;
	[tilespmem:$0x1D400] =	vst v63  }
0x8a: {  	_ =	swait.ge [sflag:s0], $0x4000  }
0x8b: {  	[sflag:s0] =	ssyncset.done $0x0  }
0x8c: {  	s23 =	simm.s32 $0x80;
	[sflag:s0] =	ssyncadd.s32 $0xFFFFC000  }
0x8d: {  	[spmem:s2] =	stream.indirect.scatter.add.f32 [tilespmem:s30], [sflag:$0x3], $0x80, s23, s1, $0xb8;
	[tilespmem:$0x1D400] =	vst v63  }
0x8e: {  	s11 =	simm.s32 $0x100;
	_ =	swait.ge [sflag:s28], $0x4000  }
0x8f: {  	s12 =	simm.s32 $0x1000;
	s13 =	simm.s32 $0x2000;
	[sflag:s28] =	ssyncset.done $0x0  }
.LBB2_4:
0x90: {  	s14 =	sadd.s32 s12, s19  }
0x91: {  	[sflag:s28] =	ssyncadd.s32 $0xFFFFC000;
	s15 =	smov.u32 s13;
	s23 =	sadd.s32 $0x1000, s13  }
0x92: {  	[tilespmem:s30], [sflag:$0x2] =	stream.linear.gather [hbm4b:s14+s3], $0x4000, $0x38;
	[tilespmem:$0x1D400] =	vst v63  }
0x93: {  	p1 =	sne.s32 s13, $0x12000;
	_ =	swait.ge [sflag:s31], $0x4000  }
0x94: {  	[sflag:s31] =	ssyncset.done $0x0  }
0x95: {  	[sflag:s31] =	ssyncadd.s32 $0xFFFFC000  }
0x96: {  	[spmem:s2] =	stream.indirect.scatter.add.f32 [tilespmem:s29], [sflag:$0x3], $0x80, s11, s1, $0xb8;
	[tilespmem:$0x1D400] =	vst v63  }
0x97: {  	_ =	swait.ge [sflag:s28], $0x4000  }
0x98: {  	[sflag:s28] =	ssyncset.done $0x0  }
0x99: {  	s13 =	sadd.s32 s12, s18;
	s12 =	smov.u32 s15;
	[sflag:s28] =	ssyncadd.s32 $0xFFFFC000  }
0x9a: {  	[tilespmem:s29], [sflag:$0x1] =	stream.linear.gather [hbm4b:s13+s3], $0x4000, $0x38;
	[tilespmem:$0x1D400] =	vst v63  }
0x9b: {  	_ =	swait.ge [sflag:s0], $0x4000  }
.Ltmp1:
0x9c: {  	[sflag:s0] =	ssyncset.done $0x0;
	(pc) =	sbr.rel @p1 .LBB2_4-.Ltmp1, $4  }
0x9d: {  	s13 =	sadd.s32 $0x80, s11;
	[sflag:s0] =	ssyncadd.s32 $0xFFFFC000  }
0x9e: {  	[spmem:s2] =	stream.indirect.scatter.add.f32 [tilespmem:s30], [sflag:$0x3], $0x80, s13, s1, $0xb8;
	[tilespmem:$0x1D400] =	vst v63  }
0x9f: {  	_ =	swait.ge [sflag:s28], $0x4000  }
0xa0: {  	s11 =	sadd.s32 $0x100, s11;
	s13 =	smov.u32 s23;
	[sflag:s28] =	ssyncset.done $0x0  }
0xa1: {  	s13 =	sadd.s32 s12, s19;
	[sflag:s28] =	ssyncadd.s32 $0xFFFFC000  }
0xa2: {  	[tilespmem:s30], [sflag:$0x2] =	stream.linear.gather [hbm4b:s13+s3], $0x4000, $0x38;
	[tilespmem:$0x1D400] =	vst v63  }
0xa3: {  	_ =	swait.ge [sflag:s31], $0x4000  }
0xa4: {  	[sflag:s31] =	ssyncset.done $0x0  }
0xa5: {  	[sflag:s31] =	ssyncadd.s32 $0xFFFFC000  }
0xa6: {  	[spmem:s2] =	stream.indirect.scatter.add.f32 [tilespmem:s29], [sflag:$0x3], $0x80, s11, s1, $0xb8;
	[tilespmem:$0x1D400] =	vst v63  }
0xa7: {  	_ =	swait.ge [sflag:s28], $0x4000  }
0xa8: {  	[sflag:s28] =	ssyncset.done $0x0  }
0xa9: {  	s14 =	sadd.s32 s12, s18;
	[sflag:s28] =	ssyncadd.s32 $0xFFFFC000  }
0xaa: {  	[tilespmem:s29], [sflag:$0x1] =	stream.linear.gather [hbm4b:s14+s3], $0x4000, $0x38;
	[tilespmem:$0x1D400] =	vst v63  }
0xab: {  	_ =	swait.ge [sflag:s0], $0x4000  }
0xac: {  	[sflag:s0] =	ssyncset.done $0x0  }
0xad: {  	s15 =	sadd.s32 $0x80, s11;
	[sflag:s0] =	ssyncadd.s32 $0xFFFFC000  }
0xae: {  	[spmem:s2] =	stream.indirect.scatter.add.f32 [tilespmem:s30], [sflag:$0x3], $0x80, s15, s1, $0xb8;
	[tilespmem:$0x1D400] =	vst v63  }
0xaf: {  	_ =	swait.ge [sflag:s28], $0x4000  }
0xb0: {  	[sflag:s28] =	ssyncset.done $0x0  }
0xb1: {  	s23 =	rddreg [dreg:$0xe];
	[sflag:s28] =	ssyncadd.s32 $0xFFFFC000  }
0xb2: {  	[tilespmem:s30], [sflag:$0x2] =	stream.linear.gather [hbm4b:s23+s3], $0x4000, $0x38;
	[tilespmem:$0x1D400] =	vst v63  }
0xb3: {  	_ =	swait.ge [sflag:s31], $0x4000  }
0xb4: {  	[sflag:s31] =	ssyncset.done $0x0  }
0xb5: {  	[sflag:s31] =	ssyncadd.s32 $0xFFFFC000  }
0xb6: {  	[spmem:s2] =	stream.indirect.scatter.add.f32 [tilespmem:s29], [sflag:$0x3], $0x80, s4, s1, $0xb8;
	[tilespmem:$0x1D400] =	vst v63  }
0xb7: {  	_ =	swait.ge [sflag:s28], $0x4000  }
0xb8: {  	[sflag:s28] =	ssyncset.done $0x0  }
0xb9: {  	[sflag:s28] =	ssyncadd.s32 $0xFFFFC000  }
0xba: {  	_ =	swait.ge [sflag:s0], $0x4000  }
0xbb: {  	[sflag:s0] =	ssyncset.done $0x0  }
0xbc: {  	[sflag:s0] =	ssyncadd.s32 $0xFFFFC000  }
0xbd: {  	[spmem:s2] =	stream.indirect.scatter.add.f32 [tilespmem:s30], [sflag:$0x3], $0x80, s5, s1, $0xb8;
	[tilespmem:$0x1D400] =	vst v63  }
0xbe: {  	_ =	swait.ge [sflag:s28], $0x4000  }
0xbf: {  	[sflag:s28] =	ssyncset.done $0x0  }
0xc0: {  	[sflag:s28] =	ssyncadd.s32 $0xFFFFC000  }
0xc1: {  	[bflag:$0x0] =	sbarrier.arrive $0xFFFF  }
0xc2: {  	s11 =	rddreg [dreg:$0x9]  }
0xc3: {  	[hbm:s11], [sflag:s7] =	dma.local @p0 [spmem:s9], $0x1900  }
0xc4: {  	s11 =	simm.s32 @p0 $0x3  }
0xc5: {  	_ =	swait.ge @p0 [sflag:s11], $0x1900  }
0xc6: {  	[sflag:s11] =	ssyncset.done @p0 $0x0  }
0xc7: {  	[sflag:s11] =	ssyncadd.s32 @p0 $0xFFFFE700;
	s11 =	rddreg [dreg:$0x8]  }
0xc8: {  	[hbm:s11], [sflag:s7] =	dma.local @!p0 [spmem:s10], $0x2800  }
0xc9: {  	s11 =	simm.s32 @!p0 $0x3  }
0xca: {  	_ =	swait.ge @!p0 [sflag:s11], $0x2800  }
0xcb: {  	[sflag:s11] =	ssyncset.done @!p0 $0x0  }
0xcc: {  	[sflag:s11] =	ssyncadd.s32 @!p0 $0xFFFFD800  }
0xcd: {  	[bflag:$0x0] =	sbarrier.arrive $0xFFFF  }
0xce: {  	[spmem:s8], [sflag:s7] =	dma.local [hbm:s22], $0x2800  }
0xcf: {  	_ =	swait.ge [sflag:s28], $0x2800  }
0xd0: {  	[sflag:s28] =	ssyncset.done $0x0  }
0xd1: {  	[sflag:s28] =	ssyncadd.s32 $0xFFFFD800  }
0xd2: {  	[bflag:$0x0] =	sbarrier.arrive $0xFFFF  }
0xd3: {  	s12 =	simm.s32 $0x0;
	s13 =	rddreg [dreg:$0xa]  }
0xd4: {  	[tilespmem:s29], [sflag:$0x1] =	stream.linear.gather [hbm4b:s13+s12], $0x4000, $0x38;
	[tilespmem:$0x1D400] =	vst v63  }
0xd5: {  	s14 =	sadd.s32 $0x0, s21  }
0xd6: {  	[tilespmem:s30], [sflag:$0x2] =	stream.linear.gather [hbm4b:s14+s3], $0x4000, $0x38;
	[tilespmem:$0x1D400] =	vst v63  }
0xd7: {  	_ =	swait.ge [sflag:s31], $0x4000  }
0xd8: {  	[sflag:s31] =	ssyncset.done $0x0  }
0xd9: {  	[sflag:s31] =	ssyncadd.s32 $0xFFFFC000  }
0xda: {  	[spmem:s2] =	stream.indirect.scatter.add.f32 [tilespmem:s29], [sflag:$0x3], $0x80, s12, s1, $0xb8;
	[tilespmem:$0x1D400] =	vst v63  }
0xdb: {  	_ =	swait.ge [sflag:s28], $0x4000  }
0xdc: {  	[sflag:s28] =	ssyncset.done $0x0  }
0xdd: {  	s15 =	sadd.s32 $0x0, s20;
	[sflag:s28] =	ssyncadd.s32 $0xFFFFC000  }
0xde: {  	[tilespmem:s29], [sflag:$0x1] =	stream.linear.gather [hbm4b:s15+s3], $0x4000, $0x38;
	[tilespmem:$0x1D400] =	vst v63  }
0xdf: {  	_ =	swait.ge [sflag:s0], $0x4000  }
0xe0: {  	[sflag:s0] =	ssyncset.done $0x0  }
0xe1: {  	s23 =	simm.s32 $0x80;
	[sflag:s0] =	ssyncadd.s32 $0xFFFFC000  }
0xe2: {  	[spmem:s2] =	stream.indirect.scatter.add.f32 [tilespmem:s30], [sflag:$0x3], $0x80, s23, s1, $0xb8;
	[tilespmem:$0x1D400] =	vst v63  }
0xe3: {  	s11 =	simm.s32 $0x1000;
	_ =	swait.ge [sflag:s28], $0x4000  }
0xe4: {  	s8 =	simm.s32 $0x100;
	s12 =	simm.s32 $0x2000;
	[sflag:s28] =	ssyncset.done $0x0  }
.LBB2_6:
0xe5: {  	s13 =	sadd.s32 s11, s21  }
0xe6: {  	[sflag:s28] =	ssyncadd.s32 $0xFFFFC000;
	s14 =	smov.u32 s12;
	s15 =	sadd.s32 $0x1000, s12  }
0xe7: {  	[tilespmem:s30], [sflag:$0x2] =	stream.linear.gather [hbm4b:s13+s3], $0x4000, $0x38;
	[tilespmem:$0x1D400] =	vst v63  }
0xe8: {  	p1 =	sne.s32 s12, $0x12000;
	_ =	swait.ge [sflag:s31], $0x4000  }
0xe9: {  	[sflag:s31] =	ssyncset.done $0x0  }
0xea: {  	[sflag:s31] =	ssyncadd.s32 $0xFFFFC000  }
0xeb: {  	[spmem:s2] =	stream.indirect.scatter.add.f32 [tilespmem:s29], [sflag:$0x3], $0x80, s8, s1, $0xb8;
	[tilespmem:$0x1D400] =	vst v63  }
0xec: {  	_ =	swait.ge [sflag:s28], $0x4000  }
0xed: {  	[sflag:s28] =	ssyncset.done $0x0  }
0xee: {  	s12 =	sadd.s32 s11, s20;
	s11 =	smov.u32 s14;
	[sflag:s28] =	ssyncadd.s32 $0xFFFFC000  }
0xef: {  	[tilespmem:s29], [sflag:$0x1] =	stream.linear.gather [hbm4b:s12+s3], $0x4000, $0x38;
	[tilespmem:$0x1D400] =	vst v63  }
0xf0: {  	_ =	swait.ge [sflag:s0], $0x4000  }
.Ltmp2:
0xf1: {  	[sflag:s0] =	ssyncset.done $0x0;
	(pc) =	sbr.rel @p1 .LBB2_6-.Ltmp2, $4  }
0xf2: {  	s12 =	sadd.s32 $0x80, s8;
	[sflag:s0] =	ssyncadd.s32 $0xFFFFC000  }
0xf3: {  	[spmem:s2] =	stream.indirect.scatter.add.f32 [tilespmem:s30], [sflag:$0x3], $0x80, s12, s1, $0xb8;
	[tilespmem:$0x1D400] =	vst v63  }
0xf4: {  	_ =	swait.ge [sflag:s28], $0x4000  }
0xf5: {  	s8 =	sadd.s32 $0x100, s8;
	s12 =	smov.u32 s15;
	[sflag:s28] =	ssyncset.done $0x0  }
0xf6: {  	s12 =	sadd.s32 s11, s21;
	[sflag:s28] =	ssyncadd.s32 $0xFFFFC000  }
0xf7: {  	[tilespmem:s30], [sflag:$0x2] =	stream.linear.gather [hbm4b:s12+s3], $0x4000, $0x38;
	[tilespmem:$0x1D400] =	vst v63  }
0xf8: {  	_ =	swait.ge [sflag:s31], $0x4000  }
0xf9: {  	[sflag:s31] =	ssyncset.done $0x0  }
0xfa: {  	[sflag:s31] =	ssyncadd.s32 $0xFFFFC000  }
0xfb: {  	[spmem:s2] =	stream.indirect.scatter.add.f32 [tilespmem:s29], [sflag:$0x3], $0x80, s8, s1, $0xb8;
	[tilespmem:$0x1D400] =	vst v63  }
0xfc: {  	_ =	swait.ge [sflag:s28], $0x4000  }
0xfd: {  	[sflag:s28] =	ssyncset.done $0x0  }
0xfe: {  	s14 =	sadd.s32 s11, s20;
	[sflag:s28] =	ssyncadd.s32 $0xFFFFC000  }
0xff: {  	[tilespmem:s29], [sflag:$0x1] =	stream.linear.gather [hbm4b:s14+s3], $0x4000, $0x38;
	[tilespmem:$0x1D400] =	vst v63  }
0x100: {  	_ =	swait.ge [sflag:s0], $0x4000  }
0x101: {  	[sflag:s0] =	ssyncset.done $0x0  }
0x102: {  	s15 =	sadd.s32 $0x80, s8;
	[sflag:s0] =	ssyncadd.s32 $0xFFFFC000  }
0x103: {  	[spmem:s2] =	stream.indirect.scatter.add.f32 [tilespmem:s30], [sflag:$0x3], $0x80, s15, s1, $0xb8;
	[tilespmem:$0x1D400] =	vst v63  }
0x104: {  	_ =	swait.ge [sflag:s28], $0x4000  }
0x105: {  	[sflag:s28] =	ssyncset.done $0x0  }
0x106: {  	s23 =	rddreg [dreg:$0xf];
	[sflag:s28] =	ssyncadd.s32 $0xFFFFC000  }
0x107: {  	[tilespmem:s30], [sflag:$0x2] =	stream.linear.gather [hbm4b:s23+s3], $0x4000, $0x38;
	[tilespmem:$0x1D400] =	vst v63  }
0x108: {  	_ =	swait.ge [sflag:s31], $0x4000  }
0x109: {  	[sflag:s31] =	ssyncset.done $0x0  }
0x10a: {  	[sflag:s31] =	ssyncadd.s32 $0xFFFFC000  }
0x10b: {  	[spmem:s2] =	stream.indirect.scatter.add.f32 [tilespmem:s29], [sflag:$0x3], $0x80, s4, s1, $0xb8;
	[tilespmem:$0x1D400] =	vst v63  }
0x10c: {  	_ =	swait.ge [sflag:s28], $0x4000  }
0x10d: {  	[sflag:s28] =	ssyncset.done $0x0  }
0x10e: {  	[sflag:s28] =	ssyncadd.s32 $0xFFFFC000  }
0x10f: {  	_ =	swait.ge [sflag:s0], $0x4000  }
0x110: {  	[sflag:s0] =	ssyncset.done $0x0  }
0x111: {  	[sflag:s0] =	ssyncadd.s32 $0xFFFFC000  }
0x112: {  	[spmem:s2] =	stream.indirect.scatter.add.f32 [tilespmem:s30], [sflag:$0x3], $0x80, s5, s1, $0xb8;
	[tilespmem:$0x1D400] =	vst v63  }
0x113: {  	_ =	swait.ge [sflag:s28], $0x4000  }
0x114: {  	[sflag:s28] =	ssyncset.done $0x0  }
0x115: {  	[sflag:s28] =	ssyncadd.s32 $0xFFFFC000  }
0x116: {  	[bflag:$0x0] =	sbarrier.arrive $0xFFFF  }
0x117: {  	s8 =	rddreg [dreg:$0xc]  }
0x118: {  	[hbm:s8], [sflag:s7] =	dma.local @p0 [spmem:s9], $0x1900  }
0x119: {  	s8 =	simm.s32 @p0 $0x3  }
0x11a: {  	_ =	swait.ge @p0 [sflag:s8], $0x1900  }
0x11b: {  	[sflag:s8] =	ssyncset.done @p0 $0x0  }
0x11c: {  	s6 =	sadd.s32 $0x1, s6;
	[sflag:s8] =	ssyncadd.s32 @p0 $0xFFFFE700;
	s8 =	rddreg [dreg:$0xb]  }
0x11d: {  	[hbm:s8], [sflag:s7] =	dma.local @!p0 [spmem:s10], $0x2800  }
0x11e: {  	p1 =	sne.s32 s6, s25;
	s7 =	simm.s32 @!p0 $0x3  }
.Ltmp3:
0x11f: {  	_ =	swait.ge @!p0 [sflag:s7], $0x2800;
	(pc) =	sbr.rel @p1 .LBB2_1-.Ltmp3, $3  }
0x120: {  	[sflag:s7] =	ssyncset.done @!p0 $0x0  }
0x121: {  	[sflag:s7] =	ssyncadd.s32 @!p0 $0xFFFFD800  }
0x122: {  	[bflag:$0x0] =	sbarrier.arrive $0xFFFF;
	_ =	sdelay $0x1  }
0x123: {  	_ =	sfence.sel $0x180000  }
0x124: {  	[bflag:$0x0] =	sbarrier.arrive $0xFFFF  }
0x125: {  	_ =	strace $0x9000004A  }
0x126: {  	s0 =	stileid.u32;
	[bflag:$0x2] =	sbarrier.arrive $0xFFFF  }
0x127: {  	p0 =	sne.s32 s0, $0x0;
	s0 =	rddreg [dreg:$0x3]  }
0x128: {  	s0 =	sadd.s32 @!p0 $0x100000, s0  }
0x129: {  	[sflag:s0] =	ssyncadd.tile.s32 @!p0 $0x1;
	_ =	shalt  }
.Lfunc_end2:
_tile_overlayer_lowered:
.L_overlay_start_2:
0x12a: {  	(tag) =	ssettag $0x2  }
0x12b: {  	s0 =	rddreg [dreg:$0x0];
	s2 =	stileid.u32  }
0x12c: {  	s1 =	rddreg [dreg:$0x1];
	p0 =	sne.s32 s2, $0x0  }
0x12d: {  	s3 =	rddreg [dreg:$0x2];
	[bflag:$0x3] =	sbarrier.arrive $0xFFFF;
	s2 =	simm.s32 @!p0 $0x1C03  }
0x12e: {  	[timem:s3], [sflag:s2] =	dma.local @!p0 [hbm:s0], s1  }
0x12f: {  	s0 =	simm.s32 @!p0 $0x3  }
0x130: {  	_ =	swait.ge @!p0 [sflag:s0], s1  }
0x131: {  	s1 =	ssub.s32 @!p0 $0x0, s1;
	[sflag:s0] =	ssyncset.done @!p0 $0x0  }
0x132: {  	[sflag:s0] =	ssyncadd.s32 @!p0 s1  }
0x133: {  	[bflag:$0x3] =	sbarrier.arrive $0xFFFF  }
0x134: {  	_ =	shalt  }

</sc_bundles>
